<compile_context>
chip_gen: v7x
topology: tpu7x:2x2x1
jax: 0.10.2.dev20260603
libtpu: 0.0.44.dev20260713+nightly
codegen_flags: <defaults>
</compile_context>

<pallas_src>
import functools

import jax
import jax.numpy as jnp
from jax import lax
from jax.experimental import pallas as pl
from jax.experimental.pallas import tpu as pltpu
from jax.experimental.pallas import tpu_sc as plsc

N_EMBD = 768
NUM_EXPERTS = 64
TOP_K = 8
TOKENS = 32768
BLOCK = 4096

NC, NS, L = 2, 16, 16
NW = NC * NS
TOK_PER_W = TOKENS // NW
SLAB = 512
NSLAB = TOK_PER_W // SLAB
NGROUP = SLAB // L

_IMASK = NUM_EXPERTS - 1

def _ce(a, b):
    return jnp.maximum(a, b), jnp.minimum(a, b)


def _merge22(a, b):
    r0, m1 = _ce(a[0], b[0])
    m2, r3 = _ce(a[1], b[1])
    r1, r2 = _ce(m1, m2)
    return [r0, r1, r2, r3]


def _merge44(a, b):
    e = _merge22([a[0], a[2]], [b[0], b[2]])
    o = _merge22([a[1], a[3]], [b[1], b[3]])
    r = [e[0]]
    for i in range(3):
        hi, lo = _ce(o[i], e[i + 1])
        r += [hi, lo]
    r.append(o[3])
    return r


def _capmerge88(a, b):
    t = [jnp.maximum(a[i], b[7 - i]) for i in range(8)]
    for i in range(4):
        t[i], t[i + 4] = _ce(t[i], t[i + 4])
    for i in (0, 1, 4, 5):
        t[i], t[i + 2] = _ce(t[i], t[i + 2])
    for i in (0, 2, 4, 6):
        t[i], t[i + 1] = _ce(t[i], t[i + 1])
    return t


def _top8of16(v):
    s2 = [_ce(v[2 * i], v[2 * i + 1]) for i in range(8)]
    s4 = [_merge22(s2[2 * i], s2[2 * i + 1]) for i in range(4)]
    s8 = [_merge44(s4[2 * i], s4[2 * i + 1]) for i in range(2)]
    return _capmerge88(s8[0], s8[1])


def _keys_body(x_ref, w_ref, keys_ref):
    logits_t = jax.lax.dot_general(
        w_ref[...], x_ref[...],
        dimension_numbers=(((1,), (1,)), ((), ())),
        preferred_element_type=jnp.float32,
    )
    si = jax.lax.bitcast_convert_type(logits_t, jnp.int32)
    sortable = si ^ (jax.lax.shift_right_arithmetic(si, 31) & 0x7FFFFFFF)
    rev_iota = _IMASK - jax.lax.broadcasted_iota(
        jnp.int32, (NUM_EXPERTS, BLOCK), 0)
    keys_ref[...] = (sortable & ~_IMASK) | rev_iota


def _tc_keys(x, w_gate):
    return pl.pallas_call(
        _keys_body,
        grid=(TOKENS // BLOCK,),
        in_specs=[
            pl.BlockSpec((BLOCK, N_EMBD), lambda i: (i, 0)),
            pl.BlockSpec((NUM_EXPERTS, N_EMBD), lambda i: (0, 0)),
        ],
        out_specs=pl.BlockSpec((NUM_EXPERTS, BLOCK), lambda i: (0, i)),
        out_shape=jax.ShapeDtypeStruct((NUM_EXPERTS, TOKENS), jnp.int32),
    )(x, w_gate)


@functools.lru_cache(maxsize=None)
def _build_sc_topk():
    mesh = plsc.VectorSubcoreMesh(
        core_axis_name="c", subcore_axis_name="s",
        num_cores=NC, num_subcores=NS)
    return functools.partial(
        pl.kernel,
        out_type=(
            jax.ShapeDtypeStruct((TOP_K, TOKENS), jnp.int32),
            jax.ShapeDtypeStruct((TOP_K, TOKENS), jnp.float32),
        ),
        mesh=mesh,
        scratch_types=[
            pltpu.VMEM((2, NUM_EXPERTS, SLAB), jnp.int32),
            pltpu.VMEM((TOP_K, TOK_PER_W), jnp.int32),
            pltpu.VMEM((TOP_K, TOK_PER_W), jnp.float32),
            pltpu.SemaphoreType.DMA,
            pltpu.SemaphoreType.DMA,
        ],
    )(_sc_topk)


def _sc_topk(keys_hbm, idx_hbm, score_hbm, keys_v, idx_v, score_v,
             sem0, sem1):
    wid = lax.axis_index("s") * NC + lax.axis_index("c")
    base = wid * TOK_PER_W
    sems = (sem0, sem1)

    def start_slab(s):
        return pltpu.async_copy(
            keys_hbm.at[:, pl.ds(base + s * SLAB, SLAB)],
            keys_v.at[s % 2], sems[s % 2])

    copies = {0: start_slab(0)}
    for s in range(NSLAB):
        copies[s].wait()
        if s + 1 < NSLAB:
            copies[s + 1] = start_slab(s + 1)
        buf = s % 2

        def group(g, carry, buf=buf, s=s):
            off = g * L
            out_off = s * SLAB + off
            blocks = []
            for blk in range(NUM_EXPERTS // 16):
                v = [keys_v[buf, 16 * blk + e, pl.ds(off, L)]
                     for e in range(16)]
                blocks.append(_top8of16(v))
            best = _capmerge88(_capmerge88(blocks[0], blocks[1]),
                               _capmerge88(blocks[2], blocks[3]))
            vals = []
            for j in range(TOP_K):
                k = best[j]
                idx_v[j, pl.ds(out_off, L)] = _IMASK - (k & _IMASK)
                vs = k & ~_IMASK
                vsi = vs ^ (lax.shift_right_arithmetic(vs, 31) & 0x7FFFFFFF)
                vals.append(lax.bitcast_convert_type(vsi, jnp.float32))
            exps = [jnp.exp(v - vals[0]) for v in vals]
            tot = exps[0]
            for j in range(1, TOP_K):
                tot = tot + exps[j]
            for j in range(TOP_K):
                score_v[j, pl.ds(out_off, L)] = exps[j] / tot
            return carry

        lax.fori_loop(0, NGROUP, group, 0)

    pltpu.sync_copy(idx_v, idx_hbm.at[:, pl.ds(base, TOK_PER_W)])
    pltpu.sync_copy(score_v, score_hbm.at[:, pl.ds(base, TOK_PER_W)])


@jax.jit
def kernel(x, w_gate):
    keys = _tc_keys(x, w_gate)
    idx_t, score_t = _build_sc_topk()(keys)
    return idx_t.T, score_t.T

# --- scband reference (transcript-rebuilt; emitter-appended) ---
"""Pipeline reference for scband-noisy-top-kgating-39745627357691 (READ-ONLY COPY).

The authoritative reference and input builder live on the scoring server;
editing this copy changes nothing except your own understanding.
"""

import jax, jax.numpy as jnp
import numpy as np

N_EMBD = 768
NUM_EXPERTS = 64
TOP_K = 8
TOKENS = 32768  # batch 4 * seq_len 8192


def setup_inputs(seed: int = 0) -> dict:
    key = jax.random.key(seed)
    k1, k2 = jax.random.split(key)
    x = jax.random.normal(k1, (TOKENS, N_EMBD), dtype=jnp.float32)
    # nn.Linear(n_embd, num_experts, bias=False) weight has shape [num_experts, n_embd]
    w_gate = jax.random.normal(k2, (NUM_EXPERTS, N_EMBD), dtype=jnp.float32) * 0.02
    return {"x": x, "w_gate": w_gate}


def reference(x, w_gate):
    # eval-mode forward (self.training == False): no noise branch
    clean_logits = x @ w_gate.T  # [TOKENS, NUM_EXPERTS]
    noisy_logits = clean_logits
    top_k_logits, indices = jax.lax.top_k(noisy_logits, TOP_K)  # [TOKENS, TOP_K]
    gating_scores = jax.nn.softmax(top_k_logits, axis=-1)
    return (indices, gating_scores)

if __name__ == "__main__":
    import jax
    _d = setup_inputs()
    print(jax.jit(kernel)(*tuple(_d.values())))

</pallas_src>

<mosaic_0001>
#map = affine_map<(d0, d1) -> (0, 0)>
module attributes {stable_mosaic.version = 14 : i64} {
  func.func @_sc_topk(%arg0: i32, %arg1: i32, %arg2: memref<64x32768xi32, #tpu.memory_space<hbm>>, %arg3: memref<8x32768xi32, #tpu.memory_space<hbm>>, %arg4: memref<8x32768xf32, #tpu.memory_space<hbm>>, %arg5: memref<2x64x512xi32, #tpu.memory_space<vmem>>, %arg6: memref<8x1024xi32, #tpu.memory_space<vmem>>, %arg7: memref<8x1024xf32, #tpu.memory_space<vmem>>, %arg8: memref<!tpu.dma_semaphore, #tpu.memory_space<semaphore_mem>>, %arg9: memref<!tpu.dma_semaphore, #tpu.memory_space<semaphore_mem>>) attributes {dimension_semantics = [#tpu.dimension_semantics<core_parallel>, #tpu.dimension_semantics<subcore_parallel>], iteration_bounds = array<i64: 2, 16>, scalar_prefetch = 0 : i64, scratch_operands = 5 : i64, tpu.core_type = #tpu.core_type<sc_vector_subcore>, window_params = [{transform_indices = #map}, {transform_indices = #map}, {transform_indices = #map}]} {
    %mul3A = arith.constant 2 : i32
    %mul3A_0 = arith.muli %arg1, %mul3A : i32
    %add3A = arith.addi %mul3A_0, %arg0 : i32
    %mul3A_1 = arith.constant 1024 : i32
    %mul3A_2 = arith.muli %add3A, %mul3A_1 : i32
    %add3A_3 = arith.constant 0 : i32
    %add3A_4 = arith.addi %mul3A_2, %add3A_3 : i32
    %dma_start3A = arith.constant 0 : i32
    %dma_start3A_5 = arith.constant 0 : i32
    %dma_start3A_6 = arith.constant 0 : i32
    %dma_start3A_7 = tpu.memref_slice %arg5[%dma_start3A, %dma_start3A_5, %dma_start3A_6] : memref<2x64x512xi32, #tpu.memory_space<vmem>> -> memref<1x64x512xi32, #tpu.memory_space<vmem>>
    %dma_start3A_8 = tpu.memref_squeeze %dma_start3A_7 : memref<1x64x512xi32, #tpu.memory_space<vmem>> -> memref<64x512xi32, #tpu.memory_space<vmem>>
    %dma_start3A_9 = arith.constant 0 : i32
    %dma_start3A_10 = tpu.memref_slice %arg2[%dma_start3A_9, %add3A_4] : memref<64x32768xi32, #tpu.memory_space<hbm>> -> memref<64x512xi32, #tpu.memory_space<hbm>>
    %dma_start3A_11 = arith.constant 0 : i32
    %dma_start3A_12 = arith.constant 0 : i32
    %dma_start3A_13 = tpu.memref_slice %arg5[%dma_start3A, %dma_start3A_11, %dma_start3A_12] : memref<2x64x512xi32, #tpu.memory_space<vmem>> -> memref<1x64x512xi32, #tpu.memory_space<vmem>>
    %dma_start3A_14 = tpu.memref_squeeze %dma_start3A_13 : memref<1x64x512xi32, #tpu.memory_space<vmem>> -> memref<64x512xi32, #tpu.memory_space<vmem>>
    %dma_start3A_15 = arith.constant 0 : i32
    %dma_start3A_16 = tpu.memref_slice %arg2[%dma_start3A_15, %add3A_4] : memref<64x32768xi32, #tpu.memory_space<hbm>> -> memref<64x512xi32, #tpu.memory_space<hbm>>
    tpu.enqueue_dma source(%dma_start3A_16 : memref<64x512xi32, #tpu.memory_space<hbm>>) target(%dma_start3A_14 : memref<64x512xi32, #tpu.memory_space<vmem>>) target_semaphore(%arg8 : memref<!tpu.dma_semaphore, #tpu.memory_space<semaphore_mem>>)
    %dma_wait3A = arith.constant 0 : i32
    %dma_wait3A_17 = arith.constant 0 : i32
    %dma_wait3A_18 = arith.constant 0 : i32
    %dma_wait3A_19 = tpu.memref_slice %arg5[%dma_wait3A, %dma_wait3A_17, %dma_wait3A_18] : memref<2x64x512xi32, #tpu.memory_space<vmem>> -> memref<1x64x512xi32, #tpu.memory_space<vmem>>
    %dma_wait3A_20 = tpu.memref_squeeze %dma_wait3A_19 : memref<1x64x512xi32, #tpu.memory_space<vmem>> -> memref<64x512xi32, #tpu.memory_space<vmem>>
    %dma_wait3A_21 = arith.constant 0 : i32
    %dma_wait3A_22 = tpu.memref_slice %arg2[%dma_wait3A_21, %add3A_4] : memref<64x32768xi32, #tpu.memory_space<hbm>> -> memref<64x512xi32, #tpu.memory_space<hbm>>
    %dma_wait3A_23 = arith.constant 0 : i32
    %dma_wait3A_24 = arith.constant 0 : i32
    %dma_wait3A_25 = tpu.memref_slice %arg5[%dma_wait3A, %dma_wait3A_23, %dma_wait3A_24] : memref<2x64x512xi32, #tpu.memory_space<vmem>> -> memref<1x64x512xi32, #tpu.memory_space<vmem>>
    %dma_wait3A_26 = tpu.memref_squeeze %dma_wait3A_25 : memref<1x64x512xi32, #tpu.memory_space<vmem>> -> memref<64x512xi32, #tpu.memory_space<vmem>>
    %dma_wait3A_27 = arith.constant 0 : i32
    %dma_wait3A_28 = tpu.memref_slice %arg2[%dma_wait3A_27, %add3A_4] : memref<64x32768xi32, #tpu.memory_space<hbm>> -> memref<64x512xi32, #tpu.memory_space<hbm>>
    tpu.wait_dma2 semaphore(%arg8 : memref<!tpu.dma_semaphore, #tpu.memory_space<semaphore_mem>>) src(%dma_wait3A_28 : memref<64x512xi32, #tpu.memory_space<hbm>>) dst(%dma_wait3A_26 : memref<64x512xi32, #tpu.memory_space<vmem>>)
    %add3A_29 = arith.constant 512 : i32
    %add3A_30 = arith.addi %mul3A_2, %add3A_29 : i32
    %dma_start3A_31 = arith.constant 1 : i32
    %dma_start3A_32 = arith.constant 0 : i32
    %dma_start3A_33 = arith.constant 0 : i32
    %dma_start3A_34 = tpu.memref_slice %arg5[%dma_start3A_31, %dma_start3A_32, %dma_start3A_33] : memref<2x64x512xi32, #tpu.memory_space<vmem>> -> memref<1x64x512xi32, #tpu.memory_space<vmem>>
    %dma_start3A_35 = tpu.memref_squeeze %dma_start3A_34 : memref<1x64x512xi32, #tpu.memory_space<vmem>> -> memref<64x512xi32, #tpu.memory_space<vmem>>
    %dma_start3A_36 = arith.constant 0 : i32
    %dma_start3A_37 = tpu.memref_slice %arg2[%dma_start3A_36, %add3A_30] : memref<64x32768xi32, #tpu.memory_space<hbm>> -> memref<64x512xi32, #tpu.memory_space<hbm>>
    %dma_start3A_38 = arith.constant 0 : i32
    %dma_start3A_39 = arith.constant 0 : i32
    %dma_start3A_40 = tpu.memref_slice %arg5[%dma_start3A_31, %dma_start3A_38, %dma_start3A_39] : memref<2x64x512xi32, #tpu.memory_space<vmem>> -> memref<1x64x512xi32, #tpu.memory_space<vmem>>
    %dma_start3A_41 = tpu.memref_squeeze %dma_start3A_40 : memref<1x64x512xi32, #tpu.memory_space<vmem>> -> memref<64x512xi32, #tpu.memory_space<vmem>>
    %dma_start3A_42 = arith.constant 0 : i32
    %dma_start3A_43 = tpu.memref_slice %arg2[%dma_start3A_42, %add3A_30] : memref<64x32768xi32, #tpu.memory_space<hbm>> -> memref<64x512xi32, #tpu.memory_space<hbm>>
    tpu.enqueue_dma source(%dma_start3A_43 : memref<64x512xi32, #tpu.memory_space<hbm>>) target(%dma_start3A_41 : memref<64x512xi32, #tpu.memory_space<vmem>>) target_semaphore(%arg9 : memref<!tpu.dma_semaphore, #tpu.memory_space<semaphore_mem>>)
    %scan3A = arith.constant 0 : i32
    %scan3A_44 = arith.constant 0 : i32
    %scan3A_45 = arith.constant 32 : i32
    %scan3A_46 = arith.addi %scan3A_44, %scan3A_45 : i32
    %scan3A_47 = arith.constant 1 : i32
    scf.for %scan3A_68 = %scan3A_44 to %scan3A_46 step %scan3A_47  : i32 {
      %mul3A_69 = arith.constant 16 : i32
      %mul3A_70 = arith.muli %scan3A_68, %mul3A_69 : i32
      %add3A_71 = arith.constant 0 : i32
      %add3A_72 = arith.addi %add3A_71, %mul3A_70 : i32
      %get3A = arith.constant 0 : i32
      %get3A_73 = arith.constant 0 : i32
      %get3A_74 = arith.index_cast %get3A : i32 to index
      %get3A_75 = arith.index_cast %get3A_73 : i32 to index
      %get3A_76 = arith.index_cast %mul3A_70 : i32 to index
      %get3A_77 = tpu.vector_load %arg5[%get3A_74, %get3A_75, %get3A_76] {strides = array<i32>} : memref<2x64x512xi32, #tpu.memory_space<vmem>>, vector<1x1x16xi32>,
      %get3A_78 = vector.shape_cast %get3A_77 : vector<1x1x16xi32> to vector<16xi32>
      %get3A_79 = arith.constant 0 : i32
      %get3A_80 = arith.constant 1 : i32
      %get3A_81 = arith.index_cast %get3A_79 : i32 to index
      %get3A_82 = arith.index_cast %get3A_80 : i32 to index
      %get3A_83 = arith.index_cast %mul3A_70 : i32 to index
      %get3A_84 = tpu.vector_load %arg5[%get3A_81, %get3A_82, %get3A_83] {strides = array<i32>} : memref<2x64x512xi32, #tpu.memory_space<vmem>>, vector<1x1x16xi32>,
      %get3A_85 = vector.shape_cast %get3A_84 : vector<1x1x16xi32> to vector<16xi32>
      %get3A_86 = arith.constant 0 : i32
      %get3A_87 = arith.constant 2 : i32
      %get3A_88 = arith.index_cast %get3A_86 : i32 to index
      %get3A_89 = arith.index_cast %get3A_87 : i32 to index
      %get3A_90 = arith.index_cast %mul3A_70 : i32 to index
      %get3A_91 = tpu.vector_load %arg5[%get3A_88, %get3A_89, %get3A_90] {strides = array<i32>} : memref<2x64x512xi32, #tpu.memory_space<vmem>>, vector<1x1x16xi32>,
      %get3A_92 = vector.shape_cast %get3A_91 : vector<1x1x16xi32> to vector<16xi32>
      %get3A_93 = arith.constant 0 : i32
      %get3A_94 = arith.constant 3 : i32
      %get3A_95 = arith.index_cast %get3A_93 : i32 to index
      %get3A_96 = arith.index_cast %get3A_94 : i32 to index
      %get3A_97 = arith.index_cast %mul3A_70 : i32 to index
      %get3A_98 = tpu.vector_load %arg5[%get3A_95, %get3A_96, %get3A_97] {strides = array<i32>} : memref<2x64x512xi32, #tpu.memory_space<vmem>>, vector<1x1x16xi32>,
      %get3A_99 = vector.shape_cast %get3A_98 : vector<1x1x16xi32> to vector<16xi32>
      %get3A_100 = arith.constant 0 : i32
      %get3A_101 = arith.constant 4 : i32
      %get3A_102 = arith.index_cast %get3A_100 : i32 to index
      %get3A_103 = arith.index_cast %get3A_101 : i32 to index
      %get3A_104 = arith.index_cast %mul3A_70 : i32 to index
      %get3A_105 = tpu.vector_load %arg5[%get3A_102, %get3A_103, %get3A_104] {strides = array<i32>} : memref<2x64x512xi32, #tpu.memory_space<vmem>>, vector<1x1x16xi32>,
      %get3A_106 = vector.shape_cast %get3A_105 : vector<1x1x16xi32> to vector<16xi32>
      %get3A_107 = arith.constant 0 : i32
      %get3A_108 = arith.constant 5 : i32
      %get3A_109 = arith.index_cast %get3A_107 : i32 to index
      %get3A_110 = arith.index_cast %get3A_108 : i32 to index
      %get3A_111 = arith.index_cast %mul3A_70 : i32 to index
      %get3A_112 = tpu.vector_load %arg5[%get3A_109, %get3A_110, %get3A_111] {strides = array<i32>} : memref<2x64x512xi32, #tpu.memory_space<vmem>>, vector<1x1x16xi32>,
      %get3A_113 = vector.shape_cast %get3A_112 : vector<1x1x16xi32> to vector<16xi32>
      %get3A_114 = arith.constant 0 : i32
      %get3A_115 = arith.constant 6 : i32
      %get3A_116 = arith.index_cast %get3A_114 : i32 to index
      %get3A_117 = arith.index_cast %get3A_115 : i32 to index
      %get3A_118 = arith.index_cast %mul3A_70 : i32 to index
      %get3A_119 = tpu.vector_load %arg5[%get3A_116, %get3A_117, %get3A_118] {strides = array<i32>} : memref<2x64x512xi32, #tpu.memory_space<vmem>>, vector<1x1x16xi32>,
      %get3A_120 = vector.shape_cast %get3A_119 : vector<1x1x16xi32> to vector<16xi32>
      %get3A_121 = arith.constant 0 : i32
      %get3A_122 = arith.constant 7 : i32
      %get3A_123 = arith.index_cast %get3A_121 : i32 to index
      %get3A_124 = arith.index_cast %get3A_122 : i32 to index
      %get3A_125 = arith.index_cast %mul3A_70 : i32 to index
      %get3A_126 = tpu.vector_load %arg5[%get3A_123, %get3A_124, %get3A_125] {strides = array<i32>} : memref<2x64x512xi32, #tpu.memory_space<vmem>>, vector<1x1x16xi32>,
      %get3A_127 = vector.shape_cast %get3A_126 : vector<1x1x16xi32> to vector<16xi32>
      %get3A_128 = arith.constant 0 : i32
      %get3A_129 = arith.constant 8 : i32
      %get3A_130 = arith.index_cast %get3A_128 : i32 to index
      %get3A_131 = arith.index_cast %get3A_129 : i32 to index
      %get3A_132 = arith.index_cast %mul3A_70 : i32 to index
      %get3A_133 = tpu.vector_load %arg5[%get3A_130, %get3A_131, %get3A_132] {strides = array<i32>} : memref<2x64x512xi32, #tpu.memory_space<vmem>>, vector<1x1x16xi32>,
      %get3A_134 = vector.shape_cast %get3A_133 : vector<1x1x16xi32> to vector<16xi32>
      %get3A_135 = arith.constant 0 : i32
      %get3A_136 = arith.constant 9 : i32
      %get3A_137 = arith.index_cast %get3A_135 : i32 to index
      %get3A_138 = arith.index_cast %get3A_136 : i32 to index
      %get3A_139 = arith.index_cast %mul3A_70 : i32 to index
      %get3A_140 = tpu.vector_load %arg5[%get3A_137, %get3A_138, %get3A_139] {strides = array<i32>} : memref<2x64x512xi32, #tpu.memory_space<vmem>>, vector<1x1x16xi32>,
      %get3A_141 = vector.shape_cast %get3A_140 : vector<1x1x16xi32> to vector<16xi32>
      %get3A_142 = arith.constant 0 : i32
      %get3A_143 = arith.constant 10 : i32
      %get3A_144 = arith.index_cast %get3A_142 : i32 to index
      %get3A_145 = arith.index_cast %get3A_143 : i32 to index
      %get3A_146 = arith.index_cast %mul3A_70 : i32 to index
      %get3A_147 = tpu.vector_load %arg5[%get3A_144, %get3A_145, %get3A_146] {strides = array<i32>} : memref<2x64x512xi32, #tpu.memory_space<vmem>>, vector<1x1x16xi32>,
      %get3A_148 = vector.shape_cast %get3A_147 : vector<1x1x16xi32> to vector<16xi32>
      %get3A_149 = arith.constant 0 : i32
      %get3A_150 = arith.constant 11 : i32
      %get3A_151 = arith.index_cast %get3A_149 : i32 to index
      %get3A_152 = arith.index_cast %get3A_150 : i32 to index
      %get3A_153 = arith.index_cast %mul3A_70 : i32 to index
      %get3A_154 = tpu.vector_load %arg5[%get3A_151, %get3A_152, %get3A_153] {strides = array<i32>} : memref<2x64x512xi32, #tpu.memory_space<vmem>>, vector<1x1x16xi32>,
      %get3A_155 = vector.shape_cast %get3A_154 : vector<1x1x16xi32> to vector<16xi32>
      %get3A_156 = arith.constant 0 : i32
      %get3A_157 = arith.constant 12 : i32
      %get3A_158 = arith.index_cast %get3A_156 : i32 to index
      %get3A_159 = arith.index_cast %get3A_157 : i32 to index
      %get3A_160 = arith.index_cast %mul3A_70 : i32 to index
      %get3A_161 = tpu.vector_load %arg5[%get3A_158, %get3A_159, %get3A_160] {strides = array<i32>} : memref<2x64x512xi32, #tpu.memory_space<vmem>>, vector<1x1x16xi32>,
      %get3A_162 = vector.shape_cast %get3A_161 : vector<1x1x16xi32> to vector<16xi32>
      %get3A_163 = arith.constant 0 : i32
      %get3A_164 = arith.constant 13 : i32
      %get3A_165 = arith.index_cast %get3A_163 : i32 to index
      %get3A_166 = arith.index_cast %get3A_164 : i32 to index
      %get3A_167 = arith.index_cast %mul3A_70 : i32 to index
      %get3A_168 = tpu.vector_load %arg5[%get3A_165, %get3A_166, %get3A_167] {strides = array<i32>} : memref<2x64x512xi32, #tpu.memory_space<vmem>>, vector<1x1x16xi32>,
      %get3A_169 = vector.shape_cast %get3A_168 : vector<1x1x16xi32> to vector<16xi32>
      %get3A_170 = arith.constant 0 : i32
      %get3A_171 = arith.constant 14 : i32
      %get3A_172 = arith.index_cast %get3A_170 : i32 to index
      %get3A_173 = arith.index_cast %get3A_171 : i32 to index
      %get3A_174 = arith.index_cast %mul3A_70 : i32 to index
      %get3A_175 = tpu.vector_load %arg5[%get3A_172, %get3A_173, %get3A_174] {strides = array<i32>} : memref<2x64x512xi32, #tpu.memory_space<vmem>>, vector<1x1x16xi32>,
      %get3A_176 = vector.shape_cast %get3A_175 : vector<1x1x16xi32> to vector<16xi32>
      %get3A_177 = arith.constant 0 : i32
      %get3A_178 = arith.constant 15 : i32
      %get3A_179 = arith.index_cast %get3A_177 : i32 to index
      %get3A_180 = arith.index_cast %get3A_178 : i32 to index
      %get3A_181 = arith.index_cast %mul3A_70 : i32 to index
      %get3A_182 = tpu.vector_load %arg5[%get3A_179, %get3A_180, %get3A_181] {strides = array<i32>} : memref<2x64x512xi32, #tpu.memory_space<vmem>>, vector<1x1x16xi32>,
      %get3A_183 = vector.shape_cast %get3A_182 : vector<1x1x16xi32> to vector<16xi32>
      %max3A = arith.maxsi %get3A_78, %get3A_85 : vector<16xi32>
      %min3A = arith.minsi %get3A_78, %get3A_85 : vector<16xi32>
      %max3A_184 = arith.maxsi %get3A_92, %get3A_99 : vector<16xi32>
      %min3A_185 = arith.minsi %get3A_92, %get3A_99 : vector<16xi32>
      %max3A_186 = arith.maxsi %get3A_106, %get3A_113 : vector<16xi32>
      %min3A_187 = arith.minsi %get3A_106, %get3A_113 : vector<16xi32>
      %max3A_188 = arith.maxsi %get3A_120, %get3A_127 : vector<16xi32>
      %min3A_189 = arith.minsi %get3A_120, %get3A_127 : vector<16xi32>
      %max3A_190 = arith.maxsi %get3A_134, %get3A_141 : vector<16xi32>
      %min3A_191 = arith.minsi %get3A_134, %get3A_141 : vector<16xi32>
      %max3A_192 = arith.maxsi %get3A_148, %get3A_155 : vector<16xi32>
      %min3A_193 = arith.minsi %get3A_148, %get3A_155 : vector<16xi32>
      %max3A_194 = arith.maxsi %get3A_162, %get3A_169 : vector<16xi32>
      %min3A_195 = arith.minsi %get3A_162, %get3A_169 : vector<16xi32>
      %max3A_196 = arith.maxsi %get3A_176, %get3A_183 : vector<16xi32>
      %min3A_197 = arith.minsi %get3A_176, %get3A_183 : vector<16xi32>
      %max3A_198 = arith.maxsi %max3A, %max3A_184 : vector<16xi32>
      %min3A_199 = arith.minsi %max3A, %max3A_184 : vector<16xi32>
      %max3A_200 = arith.maxsi %min3A, %min3A_185 : vector<16xi32>
      %min3A_201 = arith.minsi %min3A, %min3A_185 : vector<16xi32>
      %max3A_202 = arith.maxsi %min3A_199, %max3A_200 : vector<16xi32>
      %min3A_203 = arith.minsi %min3A_199, %max3A_200 : vector<16xi32>
      %max3A_204 = arith.maxsi %max3A_186, %max3A_188 : vector<16xi32>
      %min3A_205 = arith.minsi %max3A_186, %max3A_188 : vector<16xi32>
      %max3A_206 = arith.maxsi %min3A_187, %min3A_189 : vector<16xi32>
      %min3A_207 = arith.minsi %min3A_187, %min3A_189 : vector<16xi32>
      %max3A_208 = arith.maxsi %min3A_205, %max3A_206 : vector<16xi32>
      %min3A_209 = arith.minsi %min3A_205, %max3A_206 : vector<16xi32>
      %max3A_210 = arith.maxsi %max3A_190, %max3A_192 : vector<16xi32>
      %min3A_211 = arith.minsi %max3A_190, %max3A_192 : vector<16xi32>
      %max3A_212 = arith.maxsi %min3A_191, %min3A_193 : vector<16xi32>
      %min3A_213 = arith.minsi %min3A_191, %min3A_193 : vector<16xi32>
      %max3A_214 = arith.maxsi %min3A_211, %max3A_212 : vector<16xi32>
      %min3A_215 = arith.minsi %min3A_211, %max3A_212 : vector<16xi32>
      %max3A_216 = arith.maxsi %max3A_194, %max3A_196 : vector<16xi32>
      %min3A_217 = arith.minsi %max3A_194, %max3A_196 : vector<16xi32>
      %max3A_218 = arith.maxsi %min3A_195, %min3A_197 : vector<16xi32>
      %min3A_219 = arith.minsi %min3A_195, %min3A_197 : vector<16xi32>
      %max3A_220 = arith.maxsi %min3A_217, %max3A_218 : vector<16xi32>
      %min3A_221 = arith.minsi %min3A_217, %max3A_218 : vector<16xi32>
      %max3A_222 = arith.maxsi %max3A_198, %max3A_204 : vector<16xi32>
      %min3A_223 = arith.minsi %max3A_198, %max3A_204 : vector<16xi32>
      %max3A_224 = arith.maxsi %min3A_203, %min3A_209 : vector<16xi32>
      %min3A_225 = arith.minsi %min3A_203, %min3A_209 : vector<16xi32>
      %max3A_226 = arith.maxsi %min3A_223, %max3A_224 : vector<16xi32>
      %min3A_227 = arith.minsi %min3A_223, %max3A_224 : vector<16xi32>
      %max3A_228 = arith.maxsi %max3A_202, %max3A_208 : vector<16xi32>
      %min3A_229 = arith.minsi %max3A_202, %max3A_208 : vector<16xi32>
      %max3A_230 = arith.maxsi %min3A_201, %min3A_207 : vector<16xi32>
      %min3A_231 = arith.minsi %min3A_201, %min3A_207 : vector<16xi32>
      %max3A_232 = arith.maxsi %min3A_229, %max3A_230 : vector<16xi32>
      %min3A_233 = arith.minsi %min3A_229, %max3A_230 : vector<16xi32>
      %max3A_234 = arith.maxsi %max3A_228, %max3A_226 : vector<16xi32>
      %min3A_235 = arith.minsi %max3A_228, %max3A_226 : vector<16xi32>
      %max3A_236 = arith.maxsi %max3A_232, %min3A_227 : vector<16xi32>
      %min3A_237 = arith.minsi %max3A_232, %min3A_227 : vector<16xi32>
      %max3A_238 = arith.maxsi %min3A_233, %min3A_225 : vector<16xi32>
      %min3A_239 = arith.minsi %min3A_233, %min3A_225 : vector<16xi32>
      %max3A_240 = arith.maxsi %max3A_210, %max3A_216 : vector<16xi32>
      %min3A_241 = arith.minsi %max3A_210, %max3A_216 : vector<16xi32>
      %max3A_242 = arith.maxsi %min3A_215, %min3A_221 : vector<16xi32>
      %min3A_243 = arith.minsi %min3A_215, %min3A_221 : vector<16xi32>
      %max3A_244 = arith.maxsi %min3A_241, %max3A_242 : vector<16xi32>
      %min3A_245 = arith.minsi %min3A_241, %max3A_242 : vector<16xi32>
      %max3A_246 = arith.maxsi %max3A_214, %max3A_220 : vector<16xi32>
      %min3A_247 = arith.minsi %max3A_214, %max3A_220 : vector<16xi32>
      %max3A_248 = arith.maxsi %min3A_213, %min3A_219 : vector<16xi32>
      %min3A_249 = arith.minsi %min3A_213, %min3A_219 : vector<16xi32>
      %max3A_250 = arith.maxsi %min3A_247, %max3A_248 : vector<16xi32>
      %min3A_251 = arith.minsi %min3A_247, %max3A_248 : vector<16xi32>
      %max3A_252 = arith.maxsi %max3A_246, %max3A_244 : vector<16xi32>
      %min3A_253 = arith.minsi %max3A_246, %max3A_244 : vector<16xi32>
      %max3A_254 = arith.maxsi %max3A_250, %min3A_245 : vector<16xi32>
      %min3A_255 = arith.minsi %max3A_250, %min3A_245 : vector<16xi32>
      %max3A_256 = arith.maxsi %min3A_251, %min3A_243 : vector<16xi32>
      %min3A_257 = arith.minsi %min3A_251, %min3A_243 : vector<16xi32>
      %max3A_258 = arith.maxsi %max3A_222, %min3A_249 : vector<16xi32>
      %max3A_259 = arith.maxsi %max3A_234, %min3A_257 : vector<16xi32>
      %max3A_260 = arith.maxsi %min3A_235, %max3A_256 : vector<16xi32>
      %max3A_261 = arith.maxsi %max3A_236, %min3A_255 : vector<16xi32>
      %max3A_262 = arith.maxsi %min3A_237, %max3A_254 : vector<16xi32>
      %max3A_263 = arith.maxsi %max3A_238, %min3A_253 : vector<16xi32>
      %max3A_264 = arith.maxsi %min3A_239, %max3A_252 : vector<16xi32>
      %max3A_265 = arith.maxsi %min3A_231, %max3A_240 : vector<16xi32>
      %max3A_266 = arith.maxsi %max3A_258, %max3A_262 : vector<16xi32>
      %min3A_267 = arith.minsi %max3A_258, %max3A_262 : vector<16xi32>
      %max3A_268 = arith.maxsi %max3A_259, %max3A_263 : vector<16xi32>
      %min3A_269 = arith.minsi %max3A_259, %max3A_263 : vector<16xi32>
      %max3A_270 = arith.maxsi %max3A_260, %max3A_264 : vector<16xi32>
      %min3A_271 = arith.minsi %max3A_260, %max3A_264 : vector<16xi32>
      %max3A_272 = arith.maxsi %max3A_261, %max3A_265 : vector<16xi32>
      %min3A_273 = arith.minsi %max3A_261, %max3A_265 : vector<16xi32>
      %max3A_274 = arith.maxsi %max3A_266, %max3A_270 : vector<16xi32>
      %min3A_275 = arith.minsi %max3A_266, %max3A_270 : vector<16xi32>
      %max3A_276 = arith.maxsi %max3A_268, %max3A_272 : vector<16xi32>
      %min3A_277 = arith.minsi %max3A_268, %max3A_272 : vector<16xi32>
      %max3A_278 = arith.maxsi %min3A_267, %min3A_271 : vector<16xi32>
      %min3A_279 = arith.minsi %min3A_267, %min3A_271 : vector<16xi32>
      %max3A_280 = arith.maxsi %min3A_269, %min3A_273 : vector<16xi32>
      %min3A_281 = arith.minsi %min3A_269, %min3A_273 : vector<16xi32>
      %max3A_282 = arith.maxsi %max3A_274, %max3A_276 : vector<16xi32>
      %min3A_283 = arith.minsi %max3A_274, %max3A_276 : vector<16xi32>
      %max3A_284 = arith.maxsi %min3A_275, %min3A_277 : vector<16xi32>
      %min3A_285 = arith.minsi %min3A_275, %min3A_277 : vector<16xi32>
      %max3A_286 = arith.maxsi %max3A_278, %max3A_280 : vector<16xi32>
      %min3A_287 = arith.minsi %max3A_278, %max3A_280 : vector<16xi32>
      %max3A_288 = arith.maxsi %min3A_279, %min3A_281 : vector<16xi32>
      %min3A_289 = arith.minsi %min3A_279, %min3A_281 : vector<16xi32>
      %get3A_290 = arith.constant 0 : i32
      %get3A_291 = arith.constant 16 : i32
      %get3A_292 = arith.index_cast %get3A_290 : i32 to index
      %get3A_293 = arith.index_cast %get3A_291 : i32 to index
      %get3A_294 = arith.index_cast %mul3A_70 : i32 to index
      %get3A_295 = tpu.vector_load %arg5[%get3A_292, %get3A_293, %get3A_294] {strides = array<i32>} : memref<2x64x512xi32, #tpu.memory_space<vmem>>, vector<1x1x16xi32>,
      %get3A_296 = vector.shape_cast %get3A_295 : vector<1x1x16xi32> to vector<16xi32>
      %get3A_297 = arith.constant 0 : i32
      %get3A_298 = arith.constant 17 : i32
      %get3A_299 = arith.index_cast %get3A_297 : i32 to index
      %get3A_300 = arith.index_cast %get3A_298 : i32 to index
      %get3A_301 = arith.index_cast %mul3A_70 : i32 to index
      %get3A_302 = tpu.vector_load %arg5[%get3A_299, %get3A_300, %get3A_301] {strides = array<i32>} : memref<2x64x512xi32, #tpu.memory_space<vmem>>, vector<1x1x16xi32>,
      %get3A_303 = vector.shape_cast %get3A_302 : vector<1x1x16xi32> to vector<16xi32>
      %get3A_304 = arith.constant 0 : i32
      %get3A_305 = arith.constant 18 : i32
      %get3A_306 = arith.index_cast %get3A_304 : i32 to index
      %get3A_307 = arith.index_cast %get3A_305 : i32 to index
      %get3A_308 = arith.index_cast %mul3A_70 : i32 to index
      %get3A_309 = tpu.vector_load %arg5[%get3A_306, %get3A_307, %get3A_308] {strides = array<i32>} : memref<2x64x512xi32, #tpu.memory_space<vmem>>, vector<1x1x16xi32>,
      %get3A_310 = vector.shape_cast %get3A_309 : vector<1x1x16xi32> to vector<16xi32>
      %get3A_311 = arith.constant 0 : i32
      %get3A_312 = arith.constant 19 : i32
      %get3A_313 = arith.index_cast %get3A_311 : i32 to index
      %get3A_314 = arith.index_cast %get3A_312 : i32 to index
      %get3A_315 = arith.index_cast %mul3A_70 : i32 to index
      %get3A_316 = tpu.vector_load %arg5[%get3A_313, %get3A_314, %get3A_315] {strides = array<i32>} : memref<2x64x512xi32, #tpu.memory_space<vmem>>, vector<1x1x16xi32>,
      %get3A_317 = vector.shape_cast %get3A_316 : vector<1x1x16xi32> to vector<16xi32>
      %get3A_318 = arith.constant 0 : i32
      %get3A_319 = arith.constant 20 : i32
      %get3A_320 = arith.index_cast %get3A_318 : i32 to index
      %get3A_321 = arith.index_cast %get3A_319 : i32 to index
      %get3A_322 = arith.index_cast %mul3A_70 : i32 to index
      %get3A_323 = tpu.vector_load %arg5[%get3A_320, %get3A_321, %get3A_322] {strides = array<i32>} : memref<2x64x512xi32, #tpu.memory_space<vmem>>, vector<1x1x16xi32>,
      %get3A_324 = vector.shape_cast %get3A_323 : vector<1x1x16xi32> to vector<16xi32>
      %get3A_325 = arith.constant 0 : i32
      %get3A_326 = arith.constant 21 : i32
      %get3A_327 = arith.index_cast %get3A_325 : i32 to index
      %get3A_328 = arith.index_cast %get3A_326 : i32 to index
      %get3A_329 = arith.index_cast %mul3A_70 : i32 to index
      %get3A_330 = tpu.vector_load %arg5[%get3A_327, %get3A_328, %get3A_329] {strides = array<i32>} : memref<2x64x512xi32, #tpu.memory_space<vmem>>, vector<1x1x16xi32>,
      %get3A_331 = vector.shape_cast %get3A_330 : vector<1x1x16xi32> to vector<16xi32>
      %get3A_332 = arith.constant 0 : i32
      %get3A_333 = arith.constant 22 : i32
      %get3A_334 = arith.index_cast %get3A_332 : i32 to index
      %get3A_335 = arith.index_cast %get3A_333 : i32 to index
      %get3A_336 = arith.index_cast %mul3A_70 : i32 to index
      %get3A_337 = tpu.vector_load %arg5[%get3A_334, %get3A_335, %get3A_336] {strides = array<i32>} : memref<2x64x512xi32, #tpu.memory_space<vmem>>, vector<1x1x16xi32>,
      %get3A_338 = vector.shape_cast %get3A_337 : vector<1x1x16xi32> to vector<16xi32>
      %get3A_339 = arith.constant 0 : i32
      %get3A_340 = arith.constant 23 : i32
      %get3A_341 = arith.index_cast %get3A_339 : i32 to index
      %get3A_342 = arith.index_cast %get3A_340 : i32 to index
      %get3A_343 = arith.index_cast %mul3A_70 : i32 to index
      %get3A_344 = tpu.vector_load %arg5[%get3A_341, %get3A_342, %get3A_343] {strides = array<i32>} : memref<2x64x512xi32, #tpu.memory_space<vmem>>, vector<1x1x16xi32>,
      %get3A_345 = vector.shape_cast %get3A_344 : vector<1x1x16xi32> to vector<16xi32>
      %get3A_346 = arith.constant 0 : i32
      %get3A_347 = arith.constant 24 : i32
      %get3A_348 = arith.index_cast %get3A_346 : i32 to index
      %get3A_349 = arith.index_cast %get3A_347 : i32 to index
      %get3A_350 = arith.index_cast %mul3A_70 : i32 to index
      %get3A_351 = tpu.vector_load %arg5[%get3A_348, %get3A_349, %get3A_350] {strides = array<i32>} : memref<2x64x512xi32, #tpu.memory_space<vmem>>, vector<1x1x16xi32>,
      %get3A_352 = vector.shape_cast %get3A_351 : vector<1x1x16xi32> to vector<16xi32>
      %get3A_353 = arith.constant 0 : i32
      %get3A_354 = arith.constant 25 : i32
      %get3A_355 = arith.index_cast %get3A_353 : i32 to index
      %get3A_356 = arith.index_cast %get3A_354 : i32 to index
      %get3A_357 = arith.index_cast %mul3A_70 : i32 to index
      %get3A_358 = tpu.vector_load %arg5[%get3A_355, %get3A_356, %get3A_357] {strides = array<i32>} : memref<2x64x512xi32, #tpu.memory_space<vmem>>, vector<1x1x16xi32>,
      %get3A_359 = vector.shape_cast %get3A_358 : vector<1x1x16xi32> to vector<16xi32>
      %get3A_360 = arith.constant 0 : i32
      %get3A_361 = arith.constant 26 : i32
      %get3A_362 = arith.index_cast %get3A_360 : i32 to index
      %get3A_363 = arith.index_cast %get3A_361 : i32 to index
      %get3A_364 = arith.index_cast %mul3A_70 : i32 to index
      %get3A_365 = tpu.vector_load %arg5[%get3A_362, %get3A_363, %get3A_364] {strides = array<i32>} : memref<2x64x512xi32, #tpu.memory_space<vmem>>, vector<1x1x16xi32>,
      %get3A_366 = vector.shape_cast %get3A_365 : vector<1x1x16xi32> to vector<16xi32>
      %get3A_367 = arith.constant 0 : i32
      %get3A_368 = arith.constant 27 : i32
      %get3A_369 = arith.index_cast %get3A_367 : i32 to index
      %get3A_370 = arith.index_cast %get3A_368 : i32 to index
      %get3A_371 = arith.index_cast %mul3A_70 : i32 to index
      %get3A_372 = tpu.vector_load %arg5[%get3A_369, %get3A_370, %get3A_371] {strides = array<i32>} : memref<2x64x512xi32, #tpu.memory_space<vmem>>, vector<1x1x16xi32>,
      %get3A_373 = vector.shape_cast %get3A_372 : vector<1x1x16xi32> to vector<16xi32>
      %get3A_374 = arith.constant 0 : i32
      %get3A_375 = arith.constant 28 : i32
      %get3A_376 = arith.index_cast %get3A_374 : i32 to index
      %get3A_377 = arith.index_cast %get3A_375 : i32 to index
      %get3A_378 = arith.index_cast %mul3A_70 : i32 to index
      %get3A_379 = tpu.vector_load %arg5[%get3A_376, %get3A_377, %get3A_378] {strides = array<i32>} : memref<2x64x512xi32, #tpu.memory_space<vmem>>, vector<1x1x16xi32>,
      %get3A_380 = vector.shape_cast %get3A_379 : vector<1x1x16xi32> to vector<16xi32>
      %get3A_381 = arith.constant 0 : i32
      %get3A_382 = arith.constant 29 : i32
      %get3A_383 = arith.index_cast %get3A_381 : i32 to index
      %get3A_384 = arith.index_cast %get3A_382 : i32 to index
      %get3A_385 = arith.index_cast %mul3A_70 : i32 to index
      %get3A_386 = tpu.vector_load %arg5[%get3A_383, %get3A_384, %get3A_385] {strides = array<i32>} : memref<2x64x512xi32, #tpu.memory_space<vmem>>, vector<1x1x16xi32>,
      %get3A_387 = vector.shape_cast %get3A_386 : vector<1x1x16xi32> to vector<16xi32>
      %get3A_388 = arith.constant 0 : i32
      %get3A_389 = arith.constant 30 : i32
      %get3A_390 = arith.index_cast %get3A_388 : i32 to index
      %get3A_391 = arith.index_cast %get3A_389 : i32 to index
      %get3A_392 = arith.index_cast %mul3A_70 : i32 to index
      %get3A_393 = tpu.vector_load %arg5[%get3A_390, %get3A_391, %get3A_392] {strides = array<i32>} : memref<2x64x512xi32, #tpu.memory_space<vmem>>, vector<1x1x16xi32>,
      %get3A_394 = vector.shape_cast %get3A_393 : vector<1x1x16xi32> to vector<16xi32>
      %get3A_395 = arith.constant 0 : i32
      %get3A_396 = arith.constant 31 : i32
      %get3A_397 = arith.index_cast %get3A_395 : i32 to index
      %get3A_398 = arith.index_cast %get3A_396 : i32 to index
      %get3A_399 = arith.index_cast %mul3A_70 : i32 to index
      %get3A_400 = tpu.vector_load %arg5[%get3A_397, %get3A_398, %get3A_399] {strides = array<i32>} : memref<2x64x512xi32, #tpu.memory_space<vmem>>, vector<1x1x16xi32>,
      %get3A_401 = vector.shape_cast %get3A_400 : vector<1x1x16xi32> to vector<16xi32>
      %max3A_402 = arith.maxsi %get3A_296, %get3A_303 : vector<16xi32>
      %min3A_403 = arith.minsi %get3A_296, %get3A_303 : vector<16xi32>
      %max3A_404 = arith.maxsi %get3A_310, %get3A_317 : vector<16xi32>
      %min3A_405 = arith.minsi %get3A_310, %get3A_317 : vector<16xi32>
      %max3A_406 = arith.maxsi %get3A_324, %get3A_331 : vector<16xi32>
      %min3A_407 = arith.minsi %get3A_324, %get3A_331 : vector<16xi32>
      %max3A_408 = arith.maxsi %get3A_338, %get3A_345 : vector<16xi32>
      %min3A_409 = arith.minsi %get3A_338, %get3A_345 : vector<16xi32>
      %max3A_410 = arith.maxsi %get3A_352, %get3A_359 : vector<16xi32>
      %min3A_411 = arith.minsi %get3A_352, %get3A_359 : vector<16xi32>
      %max3A_412 = arith.maxsi %get3A_366, %get3A_373 : vector<16xi32>
      %min3A_413 = arith.minsi %get3A_366, %get3A_373 : vector<16xi32>
      %max3A_414 = arith.maxsi %get3A_380, %get3A_387 : vector<16xi32>
      %min3A_415 = arith.minsi %get3A_380, %get3A_387 : vector<16xi32>
      %max3A_416 = arith.maxsi %get3A_394, %get3A_401 : vector<16xi32>
      %min3A_417 = arith.minsi %get3A_394, %get3A_401 : vector<16xi32>
      %max3A_418 = arith.maxsi %max3A_402, %max3A_404 : vector<16xi32>
      %min3A_419 = arith.minsi %max3A_402, %max3A_404 : vector<16xi32>
      %max3A_420 = arith.maxsi %min3A_403, %min3A_405 : vector<16xi32>
      %min3A_421 = arith.minsi %min3A_403, %min3A_405 : vector<16xi32>
      %max3A_422 = arith.maxsi %min3A_419, %max3A_420 : vector<16xi32>
      %min3A_423 = arith.minsi %min3A_419, %max3A_420 : vector<16xi32>
      %max3A_424 = arith.maxsi %max3A_406, %max3A_408 : vector<16xi32>
      %min3A_425 = arith.minsi %max3A_406, %max3A_408 : vector<16xi32>
      %max3A_426 = arith.maxsi %min3A_407, %min3A_409 : vector<16xi32>
      %min3A_427 = arith.minsi %min3A_407, %min3A_409 : vector<16xi32>
      %max3A_428 = arith.maxsi %min3A_425, %max3A_426 : vector<16xi32>
      %min3A_429 = arith.minsi %min3A_425, %max3A_426 : vector<16xi32>
      %max3A_430 = arith.maxsi %max3A_410, %max3A_412 : vector<16xi32>
      %min3A_431 = arith.minsi %max3A_410, %max3A_412 : vector<16xi32>
      %max3A_432 = arith.maxsi %min3A_411, %min3A_413 : vector<16xi32>
      %min3A_433 = arith.minsi %min3A_411, %min3A_413 : vector<16xi32>
      %max3A_434 = arith.maxsi %min3A_431, %max3A_432 : vector<16xi32>
      %min3A_435 = arith.minsi %min3A_431, %max3A_432 : vector<16xi32>
      %max3A_436 = arith.maxsi %max3A_414, %max3A_416 : vector<16xi32>
      %min3A_437 = arith.minsi %max3A_414, %max3A_416 : vector<16xi32>
      %max3A_438 = arith.maxsi %min3A_415, %min3A_417 : vector<16xi32>
      %min3A_439 = arith.minsi %min3A_415, %min3A_417 : vector<16xi32>
      %max3A_440 = arith.maxsi %min3A_437, %max3A_438 : vector<16xi32>
      %min3A_441 = arith.minsi %min3A_437, %max3A_438 : vector<16xi32>
      %max3A_442 = arith.maxsi %max3A_418, %max3A_424 : vector<16xi32>
      %min3A_443 = arith.minsi %max3A_418, %max3A_424 : vector<16xi32>
      %max3A_444 = arith.maxsi %min3A_423, %min3A_429 : vector<16xi32>
      %min3A_445 = arith.minsi %min3A_423, %min3A_429 : vector<16xi32>
      %max3A_446 = arith.maxsi %min3A_443, %max3A_444 : vector<16xi32>
      %min3A_447 = arith.minsi %min3A_443, %max3A_444 : vector<16xi32>
      %max3A_448 = arith.maxsi %max3A_422, %max3A_428 : vector<16xi32>
      %min3A_449 = arith.minsi %max3A_422, %max3A_428 : vector<16xi32>
      %max3A_450 = arith.maxsi %min3A_421, %min3A_427 : vector<16xi32>
      %min3A_451 = arith.minsi %min3A_421, %min3A_427 : vector<16xi32>
      %max3A_452 = arith.maxsi %min3A_449, %max3A_450 : vector<16xi32>
      %min3A_453 = arith.minsi %min3A_449, %max3A_450 : vector<16xi32>
      %max3A_454 = arith.maxsi %max3A_448, %max3A_446 : vector<16xi32>
      %min3A_455 = arith.minsi %max3A_448, %max3A_446 : vector<16xi32>
      %max3A_456 = arith.maxsi %max3A_452, %min3A_447 : vector<16xi32>
      %min3A_457 = arith.minsi %max3A_452, %min3A_447 : vector<16xi32>
      %max3A_458 = arith.maxsi %min3A_453, %min3A_445 : vector<16xi32>
      %min3A_459 = arith.minsi %min3A_453, %min3A_445 : vector<16xi32>
      %max3A_460 = arith.maxsi %max3A_430, %max3A_436 : vector<16xi32>
      %min3A_461 = arith.minsi %max3A_430, %max3A_436 : vector<16xi32>
      %max3A_462 = arith.maxsi %min3A_435, %min3A_441 : vector<16xi32>
      %min3A_463 = arith.minsi %min3A_435, %min3A_441 : vector<16xi32>
      %max3A_464 = arith.maxsi %min3A_461, %max3A_462 : vector<16xi32>
      %min3A_465 = arith.minsi %min3A_461, %max3A_462 : vector<16xi32>
      %max3A_466 = arith.maxsi %max3A_434, %max3A_440 : vector<16xi32>
      %min3A_467 = arith.minsi %max3A_434, %max3A_440 : vector<16xi32>
      %max3A_468 = arith.maxsi %min3A_433, %min3A_439 : vector<16xi32>
      %min3A_469 = arith.minsi %min3A_433, %min3A_439 : vector<16xi32>
      %max3A_470 = arith.maxsi %min3A_467, %max3A_468 : vector<16xi32>
      %min3A_471 = arith.minsi %min3A_467, %max3A_468 : vector<16xi32>
      %max3A_472 = arith.maxsi %max3A_466, %max3A_464 : vector<16xi32>
      %min3A_473 = arith.minsi %max3A_466, %max3A_464 : vector<16xi32>
      %max3A_474 = arith.maxsi %max3A_470, %min3A_465 : vector<16xi32>
      %min3A_475 = arith.minsi %max3A_470, %min3A_465 : vector<16xi32>
      %max3A_476 = arith.maxsi %min3A_471, %min3A_463 : vector<16xi32>
      %min3A_477 = arith.minsi %min3A_471, %min3A_463 : vector<16xi32>
      %max3A_478 = arith.maxsi %max3A_442, %min3A_469 : vector<16xi32>
      %max3A_479 = arith.maxsi %max3A_454, %min3A_477 : vector<16xi32>
      %max3A_480 = arith.maxsi %min3A_455, %max3A_476 : vector<16xi32>
      %max3A_481 = arith.maxsi %max3A_456, %min3A_475 : vector<16xi32>
      %max3A_482 = arith.maxsi %min3A_457, %max3A_474 : vector<16xi32>
      %max3A_483 = arith.maxsi %max3A_458, %min3A_473 : vector<16xi32>
      %max3A_484 = arith.maxsi %min3A_459, %max3A_472 : vector<16xi32>
      %max3A_485 = arith.maxsi %min3A_451, %max3A_460 : vector<16xi32>
      %max3A_486 = arith.maxsi %max3A_478, %max3A_482 : vector<16xi32>
      %min3A_487 = arith.minsi %max3A_478, %max3A_482 : vector<16xi32>
      %max3A_488 = arith.maxsi %max3A_479, %max3A_483 : vector<16xi32>
      %min3A_489 = arith.minsi %max3A_479, %max3A_483 : vector<16xi32>
      %max3A_490 = arith.maxsi %max3A_480, %max3A_484 : vector<16xi32>
      %min3A_491 = arith.minsi %max3A_480, %max3A_484 : vector<16xi32>
      %max3A_492 = arith.maxsi %max3A_481, %max3A_485 : vector<16xi32>
      %min3A_493 = arith.minsi %max3A_481, %max3A_485 : vector<16xi32>
      %max3A_494 = arith.maxsi %max3A_486, %max3A_490 : vector<16xi32>
      %min3A_495 = arith.minsi %max3A_486, %max3A_490 : vector<16xi32>
      %max3A_496 = arith.maxsi %max3A_488, %max3A_492 : vector<16xi32>
      %min3A_497 = arith.minsi %max3A_488, %max3A_492 : vector<16xi32>
      %max3A_498 = arith.maxsi %min3A_487, %min3A_491 : vector<16xi32>
      %min3A_499 = arith.minsi %min3A_487, %min3A_491 : vector<16xi32>
      %max3A_500 = arith.maxsi %min3A_489, %min3A_493 : vector<16xi32>
      %min3A_501 = arith.minsi %min3A_489, %min3A_493 : vector<16xi32>
      %max3A_502 = arith.maxsi %max3A_494, %max3A_496 : vector<16xi32>
      %min3A_503 = arith.minsi %max3A_494, %max3A_496 : vector<16xi32>
      %max3A_504 = arith.maxsi %min3A_495, %min3A_497 : vector<16xi32>
      %min3A_505 = arith.minsi %min3A_495, %min3A_497 : vector<16xi32>
      %max3A_506 = arith.maxsi %max3A_498, %max3A_500 : vector<16xi32>
      %min3A_507 = arith.minsi %max3A_498, %max3A_500 : vector<16xi32>
      %max3A_508 = arith.maxsi %min3A_499, %min3A_501 : vector<16xi32>
      %min3A_509 = arith.minsi %min3A_499, %min3A_501 : vector<16xi32>
      %get3A_510 = arith.constant 0 : i32
      %get3A_511 = arith.constant 32 : i32
      %get3A_512 = arith.index_cast %get3A_510 : i32 to index
      %get3A_513 = arith.index_cast %get3A_511 : i32 to index
      %get3A_514 = arith.index_cast %mul3A_70 : i32 to index
      %get3A_515 = tpu.vector_load %arg5[%get3A_512, %get3A_513, %get3A_514] {strides = array<i32>} : memref<2x64x512xi32, #tpu.memory_space<vmem>>, vector<1x1x16xi32>,
      %get3A_516 = vector.shape_cast %get3A_515 : vector<1x1x16xi32> to vector<16xi32>
      %get3A_517 = arith.constant 0 : i32
      %get3A_518 = arith.constant 33 : i32
      %get3A_519 = arith.index_cast %get3A_517 : i32 to index
      %get3A_520 = arith.index_cast %get3A_518 : i32 to index
      %get3A_521 = arith.index_cast %mul3A_70 : i32 to index
      %get3A_522 = tpu.vector_load %arg5[%get3A_519, %get3A_520, %get3A_521] {strides = array<i32>} : memref<2x64x512xi32, #tpu.memory_space<vmem>>, vector<1x1x16xi32>,
      %get3A_523 = vector.shape_cast %get3A_522 : vector<1x1x16xi32> to vector<16xi32>
      %get3A_524 = arith.constant 0 : i32
      %get3A_525 = arith.constant 34 : i32
      %get3A_526 = arith.index_cast %get3A_524 : i32 to index
      %get3A_527 = arith.index_cast %get3A_525 : i32 to index
      %get3A_528 = arith.index_cast %mul3A_70 : i32 to index
      %get3A_529 = tpu.vector_load %arg5[%get3A_526, %get3A_527, %get3A_528] {strides = array<i32>} : memref<2x64x512xi32, #tpu.memory_space<vmem>>, vector<1x1x16xi32>,
      %get3A_530 = vector.shape_cast %get3A_529 : vector<1x1x16xi32> to vector<16xi32>
      %get3A_531 = arith.constant 0 : i32
      %get3A_532 = arith.constant 35 : i32
      %get3A_533 = arith.index_cast %get3A_531 : i32 to index
      %get3A_534 = arith.index_cast %get3A_532 : i32 to index
      %get3A_535 = arith.index_cast %mul3A_70 : i32 to index
      %get3A_536 = tpu.vector_load %arg5[%get3A_533, %get3A_534, %get3A_535] {strides = array<i32>} : memref<2x64x512xi32, #tpu.memory_space<vmem>>, vector<1x1x16xi32>,
      %get3A_537 = vector.shape_cast %get3A_536 : vector<1x1x16xi32> to vector<16xi32>
      %get3A_538 = arith.constant 0 : i32
      %get3A_539 = arith.constant 36 : i32
      %get3A_540 = arith.index_cast %get3A_538 : i32 to index
      %get3A_541 = arith.index_cast %get3A_539 : i32 to index
      %get3A_542 = arith.index_cast %mul3A_70 : i32 to index
      %get3A_543 = tpu.vector_load %arg5[%get3A_540, %get3A_541, %get3A_542] {strides = array<i32>} : memref<2x64x512xi32, #tpu.memory_space<vmem>>, vector<1x1x16xi32>,
      %get3A_544 = vector.shape_cast %get3A_543 : vector<1x1x16xi32> to vector<16xi32>
      %get3A_545 = arith.constant 0 : i32
      %get3A_546 = arith.constant 37 : i32
      %get3A_547 = arith.index_cast %get3A_545 : i32 to index
      %get3A_548 = arith.index_cast %get3A_546 : i32 to index
      %get3A_549 = arith.index_cast %mul3A_70 : i32 to index
      %get3A_550 = tpu.vector_load %arg5[%get3A_547, %get3A_548, %get3A_549] {strides = array<i32>} : memref<2x64x512xi32, #tpu.memory_space<vmem>>, vector<1x1x16xi32>,
      %get3A_551 = vector.shape_cast %get3A_550 : vector<1x1x16xi32> to vector<16xi32>
      %get3A_552 = arith.constant 0 : i32
      %get3A_553 = arith.constant 38 : i32
      %get3A_554 = arith.index_cast %get3A_552 : i32 to index
      %get3A_555 = arith.index_cast %get3A_553 : i32 to index
      %get3A_556 = arith.index_cast %mul3A_70 : i32 to index
      %get3A_557 = tpu.vector_load %arg5[%get3A_554, %get3A_555, %get3A_556] {strides = array<i32>} : memref<2x64x512xi32, #tpu.memory_space<vmem>>, vector<1x1x16xi32>,
      %get3A_558 = vector.shape_cast %get3A_557 : vector<1x1x16xi32> to vector<16xi32>
      %get3A_559 = arith.constant 0 : i32
      %get3A_560 = arith.constant 39 : i32
      %get3A_561 = arith.index_cast %get3A_559 : i32 to index
      %get3A_562 = arith.index_cast %get3A_560 : i32 to index
      %get3A_563 = arith.index_cast %mul3A_70 : i32 to index
      %get3A_564 = tpu.vector_load %arg5[%get3A_561, %get3A_562, %get3A_563] {strides = array<i32>} : memref<2x64x512xi32, #tpu.memory_space<vmem>>, vector<1x1x16xi32>,
      %get3A_565 = vector.shape_cast %get3A_564 : vector<1x1x16xi32> to vector<16xi32>
      %get3A_566 = arith.constant 0 : i32
      %get3A_567 = arith.constant 40 : i32
      %get3A_568 = arith.index_cast %get3A_566 : i32 to index
      %get3A_569 = arith.index_cast %get3A_567 : i32 to index
      %get3A_570 = arith.index_cast %mul3A_70 : i32 to index
      %get3A_571 = tpu.vector_load %arg5[%get3A_568, %get3A_569, %get3A_570] {strides = array<i32>} : memref<2x64x512xi32, #tpu.memory_space<vmem>>, vector<1x1x16xi32>,
      %get3A_572 = vector.shape_cast %get3A_571 : vector<1x1x16xi32> to vector<16xi32>
      %get3A_573 = arith.constant 0 : i32
      %get3A_574 = arith.constant 41 : i32
      %get3A_575 = arith.index_cast %get3A_573 : i32 to index
      %get3A_576 = arith.index_cast %get3A_574 : i32 to index
      %get3A_577 = arith.index_cast %mul3A_70 : i32 to index
      %get3A_578 = tpu.vector_load %arg5[%get3A_575, %get3A_576, %get3A_577] {strides = array<i32>} : memref<2x64x512xi32, #tpu.memory_space<vmem>>, vector<1x1x16xi32>,
      %get3A_579 = vector.shape_cast %get3A_578 : vector<1x1x16xi32> to vector<16xi32>
      %get3A_580 = arith.constant 0 : i32
      %get3A_581 = arith.constant 42 : i32
      %get3A_582 = arith.index_cast %get3A_580 : i32 to index
      %get3A_583 = arith.index_cast %get3A_581 : i32 to index
      %get3A_584 = arith.index_cast %mul3A_70 : i32 to index
      %get3A_585 = tpu.vector_load %arg5[%get3A_582, %get3A_583, %get3A_584] {strides = array<i32>} : memref<2x64x512xi32, #tpu.memory_space<vmem>>, vector<1x1x16xi32>,
      %get3A_586 = vector.shape_cast %get3A_585 : vector<1x1x16xi32> to vector<16xi32>
      %get3A_587 = arith.constant 0 : i32
      %get3A_588 = arith.constant 43 : i32
      %get3A_589 = arith.index_cast %get3A_587 : i32 to index
      %get3A_590 = arith.index_cast %get3A_588 : i32 to index
      %get3A_591 = arith.index_cast %mul3A_70 : i32 to index
      %get3A_592 = tpu.vector_load %arg5[%get3A_589, %get3A_590, %get3A_591] {strides = array<i32>} : memref<2x64x512xi32, #tpu.memory_space<vmem>>, vector<1x1x16xi32>,
      %get3A_593 = vector.shape_cast %get3A_592 : vector<1x1x16xi32> to vector<16xi32>
      %get3A_594 = arith.constant 0 : i32
      %get3A_595 = arith.constant 44 : i32
      %get3A_596 = arith.index_cast %get3A_594 : i32 to index
      %get3A_597 = arith.index_cast %get3A_595 : i32 to index
      %get3A_598 = arith.index_cast %mul3A_70 : i32 to index
      %get3A_599 = tpu.vector_load %arg5[%get3A_596, %get3A_597, %get3A_598] {strides = array<i32>} : memref<2x64x512xi32, #tpu.memory_space<vmem>>, vector<1x1x16xi32>,
      %get3A_600 = vector.shape_cast %get3A_599 : vector<1x1x16xi32> to vector<16xi32>
      %get3A_601 = arith.constant 0 : i32
      %get3A_602 = arith.constant 45 : i32
      %get3A_603 = arith.index_cast %get3A_601 : i32 to index
      %get3A_604 = arith.index_cast %get3A_602 : i32 to index
      %get3A_605 = arith.index_cast %mul3A_70 : i32 to index
      %get3A_606 = tpu.vector_load %arg5[%get3A_603, %get3A_604, %get3A_605] {strides = array<i32>} : memref<2x64x512xi32, #tpu.memory_space<vmem>>, vector<1x1x16xi32>,
      %get3A_607 = vector.shape_cast %get3A_606 : vector<1x1x16xi32> to vector<16xi32>
      %get3A_608 = arith.constant 0 : i32
      %get3A_609 = arith.constant 46 : i32
      %get3A_610 = arith.index_cast %get3A_608 : i32 to index
      %get3A_611 = arith.index_cast %get3A_609 : i32 to index
      %get3A_612 = arith.index_cast %mul3A_70 : i32 to index
      %get3A_613 = tpu.vector_load %arg5[%get3A_610, %get3A_611, %get3A_612] {strides = array<i32>} : memref<2x64x512xi32, #tpu.memory_space<vmem>>, vector<1x1x16xi32>,
      %get3A_614 = vector.shape_cast %get3A_613 : vector<1x1x16xi32> to vector<16xi32>
      %get3A_615 = arith.constant 0 : i32
      %get3A_616 = arith.constant 47 : i32
      %get3A_617 = arith.index_cast %get3A_615 : i32 to index
      %get3A_618 = arith.index_cast %get3A_616 : i32 to index
      %get3A_619 = arith.index_cast %mul3A_70 : i32 to index
      %get3A_620 = tpu.vector_load %arg5[%get3A_617, %get3A_618, %get3A_619] {strides = array<i32>} : memref<2x64x512xi32, #tpu.memory_space<vmem>>, vector<1x1x16xi32>,
      %get3A_621 = vector.shape_cast %get3A_620 : vector<1x1x16xi32> to vector<16xi32>
      %max3A_622 = arith.maxsi %get3A_516, %get3A_523 : vector<16xi32>
      %min3A_623 = arith.minsi %get3A_516, %get3A_523 : vector<16xi32>
      %max3A_624 = arith.maxsi %get3A_530, %get3A_537 : vector<16xi32>
      %min3A_625 = arith.minsi %get3A_530, %get3A_537 : vector<16xi32>
      %max3A_626 = arith.maxsi %get3A_544, %get3A_551 : vector<16xi32>
      %min3A_627 = arith.minsi %get3A_544, %get3A_551 : vector<16xi32>
      %max3A_628 = arith.maxsi %get3A_558, %get3A_565 : vector<16xi32>
      %min3A_629 = arith.minsi %get3A_558, %get3A_565 : vector<16xi32>
      %max3A_630 = arith.maxsi %get3A_572, %get3A_579 : vector<16xi32>
      %min3A_631 = arith.minsi %get3A_572, %get3A_579 : vector<16xi32>
      %max3A_632 = arith.maxsi %get3A_586, %get3A_593 : vector<16xi32>
      %min3A_633 = arith.minsi %get3A_586, %get3A_593 : vector<16xi32>
      %max3A_634 = arith.maxsi %get3A_600, %get3A_607 : vector<16xi32>
      %min3A_635 = arith.minsi %get3A_600, %get3A_607 : vector<16xi32>
      %max3A_636 = arith.maxsi %get3A_614, %get3A_621 : vector<16xi32>
      %min3A_637 = arith.minsi %get3A_614, %get3A_621 : vector<16xi32>
      %max3A_638 = arith.maxsi %max3A_622, %max3A_624 : vector<16xi32>
      %min3A_639 = arith.minsi %max3A_622, %max3A_624 : vector<16xi32>
      %max3A_640 = arith.maxsi %min3A_623, %min3A_625 : vector<16xi32>
      %min3A_641 = arith.minsi %min3A_623, %min3A_625 : vector<16xi32>
      %max3A_642 = arith.maxsi %min3A_639, %max3A_640 : vector<16xi32>
      %min3A_643 = arith.minsi %min3A_639, %max3A_640 : vector<16xi32>
      %max3A_644 = arith.maxsi %max3A_626, %max3A_628 : vector<16xi32>
      %min3A_645 = arith.minsi %max3A_626, %max3A_628 : vector<16xi32>
      %max3A_646 = arith.maxsi %min3A_627, %min3A_629 : vector<16xi32>
      %min3A_647 = arith.minsi %min3A_627, %min3A_629 : vector<16xi32>
      %max3A_648 = arith.maxsi %min3A_645, %max3A_646 : vector<16xi32>
      %min3A_649 = arith.minsi %min3A_645, %max3A_646 : vector<16xi32>
      %max3A_650 = arith.maxsi %max3A_630, %max3A_632 : vector<16xi32>
      %min3A_651 = arith.minsi %max3A_630, %max3A_632 : vector<16xi32>
      %max3A_652 = arith.maxsi %min3A_631, %min3A_633 : vector<16xi32>
      %min3A_653 = arith.minsi %min3A_631, %min3A_633 : vector<16xi32>
      %max3A_654 = arith.maxsi %min3A_651, %max3A_652 : vector<16xi32>
      %min3A_655 = arith.minsi %min3A_651, %max3A_652 : vector<16xi32>
      %max3A_656 = arith.maxsi %max3A_634, %max3A_636 : vector<16xi32>
      %min3A_657 = arith.minsi %max3A_634, %max3A_636 : vector<16xi32>
      %max3A_658 = arith.maxsi %min3A_635, %min3A_637 : vector<16xi32>
      %min3A_659 = arith.minsi %min3A_635, %min3A_637 : vector<16xi32>
      %max3A_660 = arith.maxsi %min3A_657, %max3A_658 : vector<16xi32>
      %min3A_661 = arith.minsi %min3A_657, %max3A_658 : vector<16xi32>
      %max3A_662 = arith.maxsi %max3A_638, %max3A_644 : vector<16xi32>
      %min3A_663 = arith.minsi %max3A_638, %max3A_644 : vector<16xi32>
      %max3A_664 = arith.maxsi %min3A_643, %min3A_649 : vector<16xi32>
      %min3A_665 = arith.minsi %min3A_643, %min3A_649 : vector<16xi32>
      %max3A_666 = arith.maxsi %min3A_663, %max3A_664 : vector<16xi32>
      %min3A_667 = arith.minsi %min3A_663, %max3A_664 : vector<16xi32>
      %max3A_668 = arith.maxsi %max3A_642, %max3A_648 : vector<16xi32>
      %min3A_669 = arith.minsi %max3A_642, %max3A_648 : vector<16xi32>
      %max3A_670 = arith.maxsi %min3A_641, %min3A_647 : vector<16xi32>
      %min3A_671 = arith.minsi %min3A_641, %min3A_647 : vector<16xi32>
      %max3A_672 = arith.maxsi %min3A_669, %max3A_670 : vector<16xi32>
      %min3A_673 = arith.minsi %min3A_669, %max3A_670 : vector<16xi32>
      %max3A_674 = arith.maxsi %max3A_668, %max3A_666 : vector<16xi32>
      %min3A_675 = arith.minsi %max3A_668, %max3A_666 : vector<16xi32>
      %max3A_676 = arith.maxsi %max3A_672, %min3A_667 : vector<16xi32>
      %min3A_677 = arith.minsi %max3A_672, %min3A_667 : vector<16xi32>
      %max3A_678 = arith.maxsi %min3A_673, %min3A_665 : vector<16xi32>
      %min3A_679 = arith.minsi %min3A_673, %min3A_665 : vector<16xi32>
      %max3A_680 = arith.maxsi %max3A_650, %max3A_656 : vector<16xi32>
      %min3A_681 = arith.minsi %max3A_650, %max3A_656 : vector<16xi32>
      %max3A_682 = arith.maxsi %min3A_655, %min3A_661 : vector<16xi32>
      %min3A_683 = arith.minsi %min3A_655, %min3A_661 : vector<16xi32>
      %max3A_684 = arith.maxsi %min3A_681, %max3A_682 : vector<16xi32>
      %min3A_685 = arith.minsi %min3A_681, %max3A_682 : vector<16xi32>
      %max3A_686 = arith.maxsi %max3A_654, %max3A_660 : vector<16xi32>
      %min3A_687 = arith.minsi %max3A_654, %max3A_660 : vector<16xi32>
      %max3A_688 = arith.maxsi %min3A_653, %min3A_659 : vector<16xi32>
      %min3A_689 = arith.minsi %min3A_653, %min3A_659 : vector<16xi32>
      %max3A_690 = arith.maxsi %min3A_687, %max3A_688 : vector<16xi32>
      %min3A_691 = arith.minsi %min3A_687, %max3A_688 : vector<16xi32>
      %max3A_692 = arith.maxsi %max3A_686, %max3A_684 : vector<16xi32>
      %min3A_693 = arith.minsi %max3A_686, %max3A_684 : vector<16xi32>
      %max3A_694 = arith.maxsi %max3A_690, %min3A_685 : vector<16xi32>
      %min3A_695 = arith.minsi %max3A_690, %min3A_685 : vector<16xi32>
      %max3A_696 = arith.maxsi %min3A_691, %min3A_683 : vector<16xi32>
      %min3A_697 = arith.minsi %min3A_691, %min3A_683 : vector<16xi32>
      %max3A_698 = arith.maxsi %max3A_662, %min3A_689 : vector<16xi32>
      %max3A_699 = arith.maxsi %max3A_674, %min3A_697 : vector<16xi32>
      %max3A_700 = arith.maxsi %min3A_675, %max3A_696 : vector<16xi32>
      %max3A_701 = arith.maxsi %max3A_676, %min3A_695 : vector<16xi32>
      %max3A_702 = arith.maxsi %min3A_677, %max3A_694 : vector<16xi32>
      %max3A_703 = arith.maxsi %max3A_678, %min3A_693 : vector<16xi32>
      %max3A_704 = arith.maxsi %min3A_679, %max3A_692 : vector<16xi32>
      %max3A_705 = arith.maxsi %min3A_671, %max3A_680 : vector<16xi32>
      %max3A_706 = arith.maxsi %max3A_698, %max3A_702 : vector<16xi32>
      %min3A_707 = arith.minsi %max3A_698, %max3A_702 : vector<16xi32>
      %max3A_708 = arith.maxsi %max3A_699, %max3A_703 : vector<16xi32>
      %min3A_709 = arith.minsi %max3A_699, %max3A_703 : vector<16xi32>
      %max3A_710 = arith.maxsi %max3A_700, %max3A_704 : vector<16xi32>
      %min3A_711 = arith.minsi %max3A_700, %max3A_704 : vector<16xi32>
      %max3A_712 = arith.maxsi %max3A_701, %max3A_705 : vector<16xi32>
      %min3A_713 = arith.minsi %max3A_701, %max3A_705 : vector<16xi32>
      %max3A_714 = arith.maxsi %max3A_706, %max3A_710 : vector<16xi32>
      %min3A_715 = arith.minsi %max3A_706, %max3A_710 : vector<16xi32>
      %max3A_716 = arith.maxsi %max3A_708, %max3A_712 : vector<16xi32>
      %min3A_717 = arith.minsi %max3A_708, %max3A_712 : vector<16xi32>
      %max3A_718 = arith.maxsi %min3A_707, %min3A_711 : vector<16xi32>
      %min3A_719 = arith.minsi %min3A_707, %min3A_711 : vector<16xi32>
      %max3A_720 = arith.maxsi %min3A_709, %min3A_713 : vector<16xi32>
      %min3A_721 = arith.minsi %min3A_709, %min3A_713 : vector<16xi32>
      %max3A_722 = arith.maxsi %max3A_714, %max3A_716 : vector<16xi32>
      %min3A_723 = arith.minsi %max3A_714, %max3A_716 : vector<16xi32>
      %max3A_724 = arith.maxsi %min3A_715, %min3A_717 : vector<16xi32>
      %min3A_725 = arith.minsi %min3A_715, %min3A_717 : vector<16xi32>
      %max3A_726 = arith.maxsi %max3A_718, %max3A_720 : vector<16xi32>
      %min3A_727 = arith.minsi %max3A_718, %max3A_720 : vector<16xi32>
      %max3A_728 = arith.maxsi %min3A_719, %min3A_721 : vector<16xi32>
      %min3A_729 = arith.minsi %min3A_719, %min3A_721 : vector<16xi32>
      %get3A_730 = arith.constant 0 : i32
      %get3A_731 = arith.constant 48 : i32
      %get3A_732 = arith.index_cast %get3A_730 : i32 to index
      %get3A_733 = arith.index_cast %get3A_731 : i32 to index
      %get3A_734 = arith.index_cast %mul3A_70 : i32 to index
      %get3A_735 = tpu.vector_load %arg5[%get3A_732, %get3A_733, %get3A_734] {strides = array<i32>} : memref<2x64x512xi32, #tpu.memory_space<vmem>>, vector<1x1x16xi32>,
      %get3A_736 = vector.shape_cast %get3A_735 : vector<1x1x16xi32> to vector<16xi32>
      %get3A_737 = arith.constant 0 : i32
      %get3A_738 = arith.constant 49 : i32
      %get3A_739 = arith.index_cast %get3A_737 : i32 to index
      %get3A_740 = arith.index_cast %get3A_738 : i32 to index
      %get3A_741 = arith.index_cast %mul3A_70 : i32 to index
      %get3A_742 = tpu.vector_load %arg5[%get3A_739, %get3A_740, %get3A_741] {strides = array<i32>} : memref<2x64x512xi32, #tpu.memory_space<vmem>>, vector<1x1x16xi32>,
      %get3A_743 = vector.shape_cast %get3A_742 : vector<1x1x16xi32> to vector<16xi32>
      %get3A_744 = arith.constant 0 : i32
      %get3A_745 = arith.constant 50 : i32
      %get3A_746 = arith.index_cast %get3A_744 : i32 to index
      %get3A_747 = arith.index_cast %get3A_745 : i32 to index
      %get3A_748 = arith.index_cast %mul3A_70 : i32 to index
      %get3A_749 = tpu.vector_load %arg5[%get3A_746, %get3A_747, %get3A_748] {strides = array<i32>} : memref<2x64x512xi32, #tpu.memory_space<vmem>>, vector<1x1x16xi32>,
      %get3A_750 = vector.shape_cast %get3A_749 : vector<1x1x16xi32> to vector<16xi32>
      %get3A_751 = arith.constant 0 : i32
      %get3A_752 = arith.constant 51 : i32
      %get3A_753 = arith.index_cast %get3A_751 : i32 to index
      %get3A_754 = arith.index_cast %get3A_752 : i32 to index
      %get3A_755 = arith.index_cast %mul3A_70 : i32 to index
      %get3A_756 = tpu.vector_load %arg5[%get3A_753, %get3A_754, %get3A_755] {strides = array<i32>} : memref<2x64x512xi32, #tpu.memory_space<vmem>>, vector<1x1x16xi32>,
      %get3A_757 = vector.shape_cast %get3A_756 : vector<1x1x16xi32> to vector<16xi32>
      %get3A_758 = arith.constant 0 : i32
      %get3A_759 = arith.constant 52 : i32
      %get3A_760 = arith.index_cast %get3A_758 : i32 to index
      %get3A_761 = arith.index_cast %get3A_759 : i32 to index
      %get3A_762 = arith.index_cast %mul3A_70 : i32 to index
      %get3A_763 = tpu.vector_load %arg5[%get3A_760, %get3A_761, %get3A_762] {strides = array<i32>} : memref<2x64x512xi32, #tpu.memory_space<vmem>>, vector<1x1x16xi32>,
      %get3A_764 = vector.shape_cast %get3A_763 : vector<1x1x16xi32> to vector<16xi32>
      %get3A_765 = arith.constant 0 : i32
      %get3A_766 = arith.constant 53 : i32
      %get3A_767 = arith.index_cast %get3A_765 : i32 to index
      %get3A_768 = arith.index_cast %get3A_766 : i32 to index
      %get3A_769 = arith.index_cast %mul3A_70 : i32 to index
      %get3A_770 = tpu.vector_load %arg5[%get3A_767, %get3A_768, %get3A_769] {strides = array<i32>} : memref<2x64x512xi32, #tpu.memory_space<vmem>>, vector<1x1x16xi32>,
      %get3A_771 = vector.shape_cast %get3A_770 : vector<1x1x16xi32> to vector<16xi32>
      %get3A_772 = arith.constant 0 : i32
      %get3A_773 = arith.constant 54 : i32
      %get3A_774 = arith.index_cast %get3A_772 : i32 to index
      %get3A_775 = arith.index_cast %get3A_773 : i32 to index
      %get3A_776 = arith.index_cast %mul3A_70 : i32 to index
      %get3A_777 = tpu.vector_load %arg5[%get3A_774, %get3A_775, %get3A_776] {strides = array<i32>} : memref<2x64x512xi32, #tpu.memory_space<vmem>>, vector<1x1x16xi32>,
      %get3A_778 = vector.shape_cast %get3A_777 : vector<1x1x16xi32> to vector<16xi32>
      %get3A_779 = arith.constant 0 : i32
      %get3A_780 = arith.constant 55 : i32
      %get3A_781 = arith.index_cast %get3A_779 : i32 to index
      %get3A_782 = arith.index_cast %get3A_780 : i32 to index
      %get3A_783 = arith.index_cast %mul3A_70 : i32 to index
      %get3A_784 = tpu.vector_load %arg5[%get3A_781, %get3A_782, %get3A_783] {strides = array<i32>} : memref<2x64x512xi32, #tpu.memory_space<vmem>>, vector<1x1x16xi32>,
      %get3A_785 = vector.shape_cast %get3A_784 : vector<1x1x16xi32> to vector<16xi32>
      %get3A_786 = arith.constant 0 : i32
      %get3A_787 = arith.constant 56 : i32
      %get3A_788 = arith.index_cast %get3A_786 : i32 to index
      %get3A_789 = arith.index_cast %get3A_787 : i32 to index
      %get3A_790 = arith.index_cast %mul3A_70 : i32 to index
      %get3A_791 = tpu.vector_load %arg5[%get3A_788, %get3A_789, %get3A_790] {strides = array<i32>} : memref<2x64x512xi32, #tpu.memory_space<vmem>>, vector<1x1x16xi32>,
      %get3A_792 = vector.shape_cast %get3A_791 : vector<1x1x16xi32> to vector<16xi32>
      %get3A_793 = arith.constant 0 : i32
      %get3A_794 = arith.constant 57 : i32
      %get3A_795 = arith.index_cast %get3A_793 : i32 to index
      %get3A_796 = arith.index_cast %get3A_794 : i32 to index
      %get3A_797 = arith.index_cast %mul3A_70 : i32 to index
      %get3A_798 = tpu.vector_load %arg5[%get3A_795, %get3A_796, %get3A_797] {strides = array<i32>} : memref<2x64x512xi32, #tpu.memory_space<vmem>>, vector<1x1x16xi32>,
      %get3A_799 = vector.shape_cast %get3A_798 : vector<1x1x16xi32> to vector<16xi32>
      %get3A_800 = arith.constant 0 : i32
      %get3A_801 = arith.constant 58 : i32
      %get3A_802 = arith.index_cast %get3A_800 : i32 to index
      %get3A_803 = arith.index_cast %get3A_801 : i32 to index
      %get3A_804 = arith.index_cast %mul3A_70 : i32 to index
      %get3A_805 = tpu.vector_load %arg5[%get3A_802, %get3A_803, %get3A_804] {strides = array<i32>} : memref<2x64x512xi32, #tpu.memory_space<vmem>>, vector<1x1x16xi32>,
      %get3A_806 = vector.shape_cast %get3A_805 : vector<1x1x16xi32> to vector<16xi32>
      %get3A_807 = arith.constant 0 : i32
      %get3A_808 = arith.constant 59 : i32
      %get3A_809 = arith.index_cast %get3A_807 : i32 to index
      %get3A_810 = arith.index_cast %get3A_808 : i32 to index
      %get3A_811 = arith.index_cast %mul3A_70 : i32 to index
      %get3A_812 = tpu.vector_load %arg5[%get3A_809, %get3A_810, %get3A_811] {strides = array<i32>} : memref<2x64x512xi32, #tpu.memory_space<vmem>>, vector<1x1x16xi32>,
      %get3A_813 = vector.shape_cast %get3A_812 : vector<1x1x16xi32> to vector<16xi32>
      %get3A_814 = arith.constant 0 : i32
      %get3A_815 = arith.constant 60 : i32
      %get3A_816 = arith.index_cast %get3A_814 : i32 to index
      %get3A_817 = arith.index_cast %get3A_815 : i32 to index
      %get3A_818 = arith.index_cast %mul3A_70 : i32 to index
      %get3A_819 = tpu.vector_load %arg5[%get3A_816, %get3A_817, %get3A_818] {strides = array<i32>} : memref<2x64x512xi32, #tpu.memory_space<vmem>>, vector<1x1x16xi32>,
      %get3A_820 = vector.shape_cast %get3A_819 : vector<1x1x16xi32> to vector<16xi32>
      %get3A_821 = arith.constant 0 : i32
      %get3A_822 = arith.constant 61 : i32
      %get3A_823 = arith.index_cast %get3A_821 : i32 to index
      %get3A_824 = arith.index_cast %get3A_822 : i32 to index
      %get3A_825 = arith.index_cast %mul3A_70 : i32 to index
      %get3A_826 = tpu.vector_load %arg5[%get3A_823, %get3A_824, %get3A_825] {strides = array<i32>} : memref<2x64x512xi32, #tpu.memory_space<vmem>>, vector<1x1x16xi32>,
      %get3A_827 = vector.shape_cast %get3A_826 : vector<1x1x16xi32> to vector<16xi32>
      %get3A_828 = arith.constant 0 : i32
      %get3A_829 = arith.constant 62 : i32
      %get3A_830 = arith.index_cast %get3A_828 : i32 to index
      %get3A_831 = arith.index_cast %get3A_829 : i32 to index
      %get3A_832 = arith.index_cast %mul3A_70 : i32 to index
      %get3A_833 = tpu.vector_load %arg5[%get3A_830, %get3A_831, %get3A_832] {strides = array<i32>} : memref<2x64x512xi32, #tpu.memory_space<vmem>>, vector<1x1x16xi32>,
      %get3A_834 = vector.shape_cast %get3A_833 : vector<1x1x16xi32> to vector<16xi32>
      %get3A_835 = arith.constant 0 : i32
      %get3A_836 = arith.constant 63 : i32
      %get3A_837 = arith.index_cast %get3A_835 : i32 to index
      %get3A_838 = arith.index_cast %get3A_836 : i32 to index
      %get3A_839 = arith.index_cast %mul3A_70 : i32 to index
      %get3A_840 = tpu.vector_load %arg5[%get3A_837, %get3A_838, %get3A_839] {strides = array<i32>} : memref<2x64x512xi32, #tpu.memory_space<vmem>>, vector<1x1x16xi32>,
      %get3A_841 = vector.shape_cast %get3A_840 : vector<1x1x16xi32> to vector<16xi32>
      %max3A_842 = arith.maxsi %get3A_736, %get3A_743 : vector<16xi32>
      %min3A_843 = arith.minsi %get3A_736, %get3A_743 : vector<16xi32>
      %max3A_844 = arith.maxsi %get3A_750, %get3A_757 : vector<16xi32>
      %min3A_845 = arith.minsi %get3A_750, %get3A_757 : vector<16xi32>
      %max3A_846 = arith.maxsi %get3A_764, %get3A_771 : vector<16xi32>
      %min3A_847 = arith.minsi %get3A_764, %get3A_771 : vector<16xi32>
      %max3A_848 = arith.maxsi %get3A_778, %get3A_785 : vector<16xi32>
      %min3A_849 = arith.minsi %get3A_778, %get3A_785 : vector<16xi32>
      %max3A_850 = arith.maxsi %get3A_792, %get3A_799 : vector<16xi32>
      %min3A_851 = arith.minsi %get3A_792, %get3A_799 : vector<16xi32>
      %max3A_852 = arith.maxsi %get3A_806, %get3A_813 : vector<16xi32>
      %min3A_853 = arith.minsi %get3A_806, %get3A_813 : vector<16xi32>
      %max3A_854 = arith.maxsi %get3A_820, %get3A_827 : vector<16xi32>
      %min3A_855 = arith.minsi %get3A_820, %get3A_827 : vector<16xi32>
      %max3A_856 = arith.maxsi %get3A_834, %get3A_841 : vector<16xi32>
      %min3A_857 = arith.minsi %get3A_834, %get3A_841 : vector<16xi32>
      %max3A_858 = arith.maxsi %max3A_842, %max3A_844 : vector<16xi32>
      %min3A_859 = arith.minsi %max3A_842, %max3A_844 : vector<16xi32>
      %max3A_860 = arith.maxsi %min3A_843, %min3A_845 : vector<16xi32>
      %min3A_861 = arith.minsi %min3A_843, %min3A_845 : vector<16xi32>
      %max3A_862 = arith.maxsi %min3A_859, %max3A_860 : vector<16xi32>
      %min3A_863 = arith.minsi %min3A_859, %max3A_860 : vector<16xi32>
      %max3A_864 = arith.maxsi %max3A_846, %max3A_848 : vector<16xi32>
      %min3A_865 = arith.minsi %max3A_846, %max3A_848 : vector<16xi32>
      %max3A_866 = arith.maxsi %min3A_847, %min3A_849 : vector<16xi32>
      %min3A_867 = arith.minsi %min3A_847, %min3A_849 : vector<16xi32>
      %max3A_868 = arith.maxsi %min3A_865, %max3A_866 : vector<16xi32>
      %min3A_869 = arith.minsi %min3A_865, %max3A_866 : vector<16xi32>
      %max3A_870 = arith.maxsi %max3A_850, %max3A_852 : vector<16xi32>
      %min3A_871 = arith.minsi %max3A_850, %max3A_852 : vector<16xi32>
      %max3A_872 = arith.maxsi %min3A_851, %min3A_853 : vector<16xi32>
      %min3A_873 = arith.minsi %min3A_851, %min3A_853 : vector<16xi32>
      %max3A_874 = arith.maxsi %min3A_871, %max3A_872 : vector<16xi32>
      %min3A_875 = arith.minsi %min3A_871, %max3A_872 : vector<16xi32>
      %max3A_876 = arith.maxsi %max3A_854, %max3A_856 : vector<16xi32>
      %min3A_877 = arith.minsi %max3A_854, %max3A_856 : vector<16xi32>
      %max3A_878 = arith.maxsi %min3A_855, %min3A_857 : vector<16xi32>
      %min3A_879 = arith.minsi %min3A_855, %min3A_857 : vector<16xi32>
      %max3A_880 = arith.maxsi %min3A_877, %max3A_878 : vector<16xi32>
      %min3A_881 = arith.minsi %min3A_877, %max3A_878 : vector<16xi32>
      %max3A_882 = arith.maxsi %max3A_858, %max3A_864 : vector<16xi32>
      %min3A_883 = arith.minsi %max3A_858, %max3A_864 : vector<16xi32>
      %max3A_884 = arith.maxsi %min3A_863, %min3A_869 : vector<16xi32>
      %min3A_885 = arith.minsi %min3A_863, %min3A_869 : vector<16xi32>
      %max3A_886 = arith.maxsi %min3A_883, %max3A_884 : vector<16xi32>
      %min3A_887 = arith.minsi %min3A_883, %max3A_884 : vector<16xi32>
      %max3A_888 = arith.maxsi %max3A_862, %max3A_868 : vector<16xi32>
      %min3A_889 = arith.minsi %max3A_862, %max3A_868 : vector<16xi32>
      %max3A_890 = arith.maxsi %min3A_861, %min3A_867 : vector<16xi32>
      %min3A_891 = arith.minsi %min3A_861, %min3A_867 : vector<16xi32>
      %max3A_892 = arith.maxsi %min3A_889, %max3A_890 : vector<16xi32>
      %min3A_893 = arith.minsi %min3A_889, %max3A_890 : vector<16xi32>
      %max3A_894 = arith.maxsi %max3A_888, %max3A_886 : vector<16xi32>
      %min3A_895 = arith.minsi %max3A_888, %max3A_886 : vector<16xi32>
      %max3A_896 = arith.maxsi %max3A_892, %min3A_887 : vector<16xi32>
      %min3A_897 = arith.minsi %max3A_892, %min3A_887 : vector<16xi32>
      %max3A_898 = arith.maxsi %min3A_893, %min3A_885 : vector<16xi32>
      %min3A_899 = arith.minsi %min3A_893, %min3A_885 : vector<16xi32>
      %max3A_900 = arith.maxsi %max3A_870, %max3A_876 : vector<16xi32>
      %min3A_901 = arith.minsi %max3A_870, %max3A_876 : vector<16xi32>
      %max3A_902 = arith.maxsi %min3A_875, %min3A_881 : vector<16xi32>
      %min3A_903 = arith.minsi %min3A_875, %min3A_881 : vector<16xi32>
      %max3A_904 = arith.maxsi %min3A_901, %max3A_902 : vector<16xi32>
      %min3A_905 = arith.minsi %min3A_901, %max3A_902 : vector<16xi32>
      %max3A_906 = arith.maxsi %max3A_874, %max3A_880 : vector<16xi32>
      %min3A_907 = arith.minsi %max3A_874, %max3A_880 : vector<16xi32>
      %max3A_908 = arith.maxsi %min3A_873, %min3A_879 : vector<16xi32>
      %min3A_909 = arith.minsi %min3A_873, %min3A_879 : vector<16xi32>
      %max3A_910 = arith.maxsi %min3A_907, %max3A_908 : vector<16xi32>
      %min3A_911 = arith.minsi %min3A_907, %max3A_908 : vector<16xi32>
      %max3A_912 = arith.maxsi %max3A_906, %max3A_904 : vector<16xi32>
      %min3A_913 = arith.minsi %max3A_906, %max3A_904 : vector<16xi32>
      %max3A_914 = arith.maxsi %max3A_910, %min3A_905 : vector<16xi32>
      %min3A_915 = arith.minsi %max3A_910, %min3A_905 : vector<16xi32>
      %max3A_916 = arith.maxsi %min3A_911, %min3A_903 : vector<16xi32>
      %min3A_917 = arith.minsi %min3A_911, %min3A_903 : vector<16xi32>
      %max3A_918 = arith.maxsi %max3A_882, %min3A_909 : vector<16xi32>
      %max3A_919 = arith.maxsi %max3A_894, %min3A_917 : vector<16xi32>
      %max3A_920 = arith.maxsi %min3A_895, %max3A_916 : vector<16xi32>
      %max3A_921 = arith.maxsi %max3A_896, %min3A_915 : vector<16xi32>
      %max3A_922 = arith.maxsi %min3A_897, %max3A_914 : vector<16xi32>
      %max3A_923 = arith.maxsi %max3A_898, %min3A_913 : vector<16xi32>
      %max3A_924 = arith.maxsi %min3A_899, %max3A_912 : vector<16xi32>
      %max3A_925 = arith.maxsi %min3A_891, %max3A_900 : vector<16xi32>
      %max3A_926 = arith.maxsi %max3A_918, %max3A_922 : vector<16xi32>
      %min3A_927 = arith.minsi %max3A_918, %max3A_922 : vector<16xi32>
      %max3A_928 = arith.maxsi %max3A_919, %max3A_923 : vector<16xi32>
      %min3A_929 = arith.minsi %max3A_919, %max3A_923 : vector<16xi32>
      %max3A_930 = arith.maxsi %max3A_920, %max3A_924 : vector<16xi32>
      %min3A_931 = arith.minsi %max3A_920, %max3A_924 : vector<16xi32>
      %max3A_932 = arith.maxsi %max3A_921, %max3A_925 : vector<16xi32>
      %min3A_933 = arith.minsi %max3A_921, %max3A_925 : vector<16xi32>
      %max3A_934 = arith.maxsi %max3A_926, %max3A_930 : vector<16xi32>
      %min3A_935 = arith.minsi %max3A_926, %max3A_930 : vector<16xi32>
      %max3A_936 = arith.maxsi %max3A_928, %max3A_932 : vector<16xi32>
      %min3A_937 = arith.minsi %max3A_928, %max3A_932 : vector<16xi32>
      %max3A_938 = arith.maxsi %min3A_927, %min3A_931 : vector<16xi32>
      %min3A_939 = arith.minsi %min3A_927, %min3A_931 : vector<16xi32>
      %max3A_940 = arith.maxsi %min3A_929, %min3A_933 : vector<16xi32>
      %min3A_941 = arith.minsi %min3A_929, %min3A_933 : vector<16xi32>
      %max3A_942 = arith.maxsi %max3A_934, %max3A_936 : vector<16xi32>
      %min3A_943 = arith.minsi %max3A_934, %max3A_936 : vector<16xi32>
      %max3A_944 = arith.maxsi %min3A_935, %min3A_937 : vector<16xi32>
      %min3A_945 = arith.minsi %min3A_935, %min3A_937 : vector<16xi32>
      %max3A_946 = arith.maxsi %max3A_938, %max3A_940 : vector<16xi32>
      %min3A_947 = arith.minsi %max3A_938, %max3A_940 : vector<16xi32>
      %max3A_948 = arith.maxsi %min3A_939, %min3A_941 : vector<16xi32>
      %min3A_949 = arith.minsi %min3A_939, %min3A_941 : vector<16xi32>
      %max3A_950 = arith.maxsi %max3A_282, %min3A_509 : vector<16xi32>
      %max3A_951 = arith.maxsi %min3A_283, %max3A_508 : vector<16xi32>
      %max3A_952 = arith.maxsi %max3A_284, %min3A_507 : vector<16xi32>
      %max3A_953 = arith.maxsi %min3A_285, %max3A_506 : vector<16xi32>
      %max3A_954 = arith.maxsi %max3A_286, %min3A_505 : vector<16xi32>
      %max3A_955 = arith.maxsi %min3A_287, %max3A_504 : vector<16xi32>
      %max3A_956 = arith.maxsi %max3A_288, %min3A_503 : vector<16xi32>
      %max3A_957 = arith.maxsi %min3A_289, %max3A_502 : vector<16xi32>
      %max3A_958 = arith.maxsi %max3A_950, %max3A_954 : vector<16xi32>
      %min3A_959 = arith.minsi %max3A_950, %max3A_954 : vector<16xi32>
      %max3A_960 = arith.maxsi %max3A_951, %max3A_955 : vector<16xi32>
      %min3A_961 = arith.minsi %max3A_951, %max3A_955 : vector<16xi32>
      %max3A_962 = arith.maxsi %max3A_952, %max3A_956 : vector<16xi32>
      %min3A_963 = arith.minsi %max3A_952, %max3A_956 : vector<16xi32>
      %max3A_964 = arith.maxsi %max3A_953, %max3A_957 : vector<16xi32>
      %min3A_965 = arith.minsi %max3A_953, %max3A_957 : vector<16xi32>
      %max3A_966 = arith.maxsi %max3A_958, %max3A_962 : vector<16xi32>
      %min3A_967 = arith.minsi %max3A_958, %max3A_962 : vector<16xi32>
      %max3A_968 = arith.maxsi %max3A_960, %max3A_964 : vector<16xi32>
      %min3A_969 = arith.minsi %max3A_960, %max3A_964 : vector<16xi32>
      %max3A_970 = arith.maxsi %min3A_959, %min3A_963 : vector<16xi32>
      %min3A_971 = arith.minsi %min3A_959, %min3A_963 : vector<16xi32>
      %max3A_972 = arith.maxsi %min3A_961, %min3A_965 : vector<16xi32>
      %min3A_973 = arith.minsi %min3A_961, %min3A_965 : vector<16xi32>
      %max3A_974 = arith.maxsi %max3A_966, %max3A_968 : vector<16xi32>
      %min3A_975 = arith.minsi %max3A_966, %max3A_968 : vector<16xi32>
      %max3A_976 = arith.maxsi %min3A_967, %min3A_969 : vector<16xi32>
      %min3A_977 = arith.minsi %min3A_967, %min3A_969 : vector<16xi32>
      %max3A_978 = arith.maxsi %max3A_970, %max3A_972 : vector<16xi32>
      %min3A_979 = arith.minsi %max3A_970, %max3A_972 : vector<16xi32>
      %max3A_980 = arith.maxsi %min3A_971, %min3A_973 : vector<16xi32>
      %min3A_981 = arith.minsi %min3A_971, %min3A_973 : vector<16xi32>
      %max3A_982 = arith.maxsi %max3A_722, %min3A_949 : vector<16xi32>
      %max3A_983 = arith.maxsi %min3A_723, %max3A_948 : vector<16xi32>
      %max3A_984 = arith.maxsi %max3A_724, %min3A_947 : vector<16xi32>
      %max3A_985 = arith.maxsi %min3A_725, %max3A_946 : vector<16xi32>
      %max3A_986 = arith.maxsi %max3A_726, %min3A_945 : vector<16xi32>
      %max3A_987 = arith.maxsi %min3A_727, %max3A_944 : vector<16xi32>
      %max3A_988 = arith.maxsi %max3A_728, %min3A_943 : vector<16xi32>
      %max3A_989 = arith.maxsi %min3A_729, %max3A_942 : vector<16xi32>
      %max3A_990 = arith.maxsi %max3A_982, %max3A_986 : vector<16xi32>
      %min3A_991 = arith.minsi %max3A_982, %max3A_986 : vector<16xi32>
      %max3A_992 = arith.maxsi %max3A_983, %max3A_987 : vector<16xi32>
      %min3A_993 = arith.minsi %max3A_983, %max3A_987 : vector<16xi32>
      %max3A_994 = arith.maxsi %max3A_984, %max3A_988 : vector<16xi32>
      %min3A_995 = arith.minsi %max3A_984, %max3A_988 : vector<16xi32>
      %max3A_996 = arith.maxsi %max3A_985, %max3A_989 : vector<16xi32>
      %min3A_997 = arith.minsi %max3A_985, %max3A_989 : vector<16xi32>
      %max3A_998 = arith.maxsi %max3A_990, %max3A_994 : vector<16xi32>
      %min3A_999 = arith.minsi %max3A_990, %max3A_994 : vector<16xi32>
      %max3A_1000 = arith.maxsi %max3A_992, %max3A_996 : vector<16xi32>
      %min3A_1001 = arith.minsi %max3A_992, %max3A_996 : vector<16xi32>
      %max3A_1002 = arith.maxsi %min3A_991, %min3A_995 : vector<16xi32>
      %min3A_1003 = arith.minsi %min3A_991, %min3A_995 : vector<16xi32>
      %max3A_1004 = arith.maxsi %min3A_993, %min3A_997 : vector<16xi32>
      %min3A_1005 = arith.minsi %min3A_993, %min3A_997 : vector<16xi32>
      %max3A_1006 = arith.maxsi %max3A_998, %max3A_1000 : vector<16xi32>
      %min3A_1007 = arith.minsi %max3A_998, %max3A_1000 : vector<16xi32>
      %max3A_1008 = arith.maxsi %min3A_999, %min3A_1001 : vector<16xi32>
      %min3A_1009 = arith.minsi %min3A_999, %min3A_1001 : vector<16xi32>
      %max3A_1010 = arith.maxsi %max3A_1002, %max3A_1004 : vector<16xi32>
      %min3A_1011 = arith.minsi %max3A_1002, %max3A_1004 : vector<16xi32>
      %max3A_1012 = arith.maxsi %min3A_1003, %min3A_1005 : vector<16xi32>
      %min3A_1013 = arith.minsi %min3A_1003, %min3A_1005 : vector<16xi32>
      %max3A_1014 = arith.maxsi %max3A_974, %min3A_1013 : vector<16xi32>
      %max3A_1015 = arith.maxsi %min3A_975, %max3A_1012 : vector<16xi32>
      %max3A_1016 = arith.maxsi %max3A_976, %min3A_1011 : vector<16xi32>
      %max3A_1017 = arith.maxsi %min3A_977, %max3A_1010 : vector<16xi32>
      %max3A_1018 = arith.maxsi %max3A_978, %min3A_1009 : vector<16xi32>
      %max3A_1019 = arith.maxsi %min3A_979, %max3A_1008 : vector<16xi32>
      %max3A_1020 = arith.maxsi %max3A_980, %min3A_1007 : vector<16xi32>
      %max3A_1021 = arith.maxsi %min3A_981, %max3A_1006 : vector<16xi32>
      %max3A_1022 = arith.maxsi %max3A_1014, %max3A_1018 : vector<16xi32>
      %min3A_1023 = arith.minsi %max3A_1014, %max3A_1018 : vector<16xi32>
      %max3A_1024 = arith.maxsi %max3A_1015, %max3A_1019 : vector<16xi32>
      %min3A_1025 = arith.minsi %max3A_1015, %max3A_1019 : vector<16xi32>
      %max3A_1026 = arith.maxsi %max3A_1016, %max3A_1020 : vector<16xi32>
      %min3A_1027 = arith.minsi %max3A_1016, %max3A_1020 : vector<16xi32>
      %max3A_1028 = arith.maxsi %max3A_1017, %max3A_1021 : vector<16xi32>
      %min3A_1029 = arith.minsi %max3A_1017, %max3A_1021 : vector<16xi32>
      %max3A_1030 = arith.maxsi %max3A_1022, %max3A_1026 : vector<16xi32>
      %min3A_1031 = arith.minsi %max3A_1022, %max3A_1026 : vector<16xi32>
      %max3A_1032 = arith.maxsi %max3A_1024, %max3A_1028 : vector<16xi32>
      %min3A_1033 = arith.minsi %max3A_1024, %max3A_1028 : vector<16xi32>
      %max3A_1034 = arith.maxsi %min3A_1023, %min3A_1027 : vector<16xi32>
      %min3A_1035 = arith.minsi %min3A_1023, %min3A_1027 : vector<16xi32>
      %max3A_1036 = arith.maxsi %min3A_1025, %min3A_1029 : vector<16xi32>
      %min3A_1037 = arith.minsi %min3A_1025, %min3A_1029 : vector<16xi32>
      %max3A_1038 = arith.maxsi %max3A_1030, %max3A_1032 : vector<16xi32>
      %min3A_1039 = arith.minsi %max3A_1030, %max3A_1032 : vector<16xi32>
      %max3A_1040 = arith.maxsi %min3A_1031, %min3A_1033 : vector<16xi32>
      %min3A_1041 = arith.minsi %min3A_1031, %min3A_1033 : vector<16xi32>
      %max3A_1042 = arith.maxsi %max3A_1034, %max3A_1036 : vector<16xi32>
      %min3A_1043 = arith.minsi %max3A_1034, %max3A_1036 : vector<16xi32>
      %max3A_1044 = arith.maxsi %min3A_1035, %min3A_1037 : vector<16xi32>
      %min3A_1045 = arith.minsi %min3A_1035, %min3A_1037 : vector<16xi32>
      %and3A = arith.constant 63 : i32
      %and3A_1046 = vector.broadcast %and3A : i32 to vector<16xi32>
      %and3A_1047 = arith.andi %max3A_1038, %and3A_1046 : vector<16xi32>
      %sub3A = arith.constant 63 : i32
      %sub3A_1048 = vector.broadcast %sub3A : i32 to vector<16xi32>
      %sub3A_1049 = arith.subi %sub3A_1048, %and3A_1047 : vector<16xi32>
      %swap3A = arith.constant 0 : i32
      %swap3A_1050 = arith.index_cast %swap3A : i32 to index
      %swap3A_1051 = arith.index_cast %add3A_72 : i32 to index
      %swap3A_1052 = tpu.vector_load %arg6[%swap3A_1050, %swap3A_1051] {strides = array<i32>} : memref<8x1024xi32, #tpu.memory_space<vmem>>, vector<1x16xi32>,
      %swap3A_1053 = vector.shape_cast %swap3A_1052 : vector<1x16xi32> to vector<16xi32>
      %swap3A_1054 = vector.shape_cast %sub3A_1049 : vector<16xi32> to vector<1x16xi32>
      tpu.vector_store %arg6[%swap3A_1050, %swap3A_1051], %swap3A_1054 {strides = array<i32>} : memref<8x1024xi32, #tpu.memory_space<vmem>>, vector<1x16xi32>,
      %and3A_1055 = arith.constant -64 : i32
      %and3A_1056 = vector.broadcast %and3A_1055 : i32 to vector<16xi32>
      %and3A_1057 = arith.andi %max3A_1038, %and3A_1056 : vector<16xi32>
      %shift_right_arithmetic3A = arith.constant 31 : i32
      %shift_right_arithmetic3A_1058 = vector.broadcast %shift_right_arithmetic3A : i32 to vector<16xi32>
      %shift_right_arithmetic3A_1059 = arith.shrsi %and3A_1057, %shift_right_arithmetic3A_1058 : vector<16xi32>
      %and3A_1060 = arith.constant 2147483647 : i32
      %and3A_1061 = vector.broadcast %and3A_1060 : i32 to vector<16xi32>
      %and3A_1062 = arith.andi %shift_right_arithmetic3A_1059, %and3A_1061 : vector<16xi32>
      %xor3A = arith.xori %and3A_1057, %and3A_1062 : vector<16xi32>
      %bitcast_convert_type3A = tpu.bitcast %xor3A : vector<16xi32> -> vector<16xf32>
      %and3A_1063 = arith.constant 63 : i32
      %and3A_1064 = vector.broadcast %and3A_1063 : i32 to vector<16xi32>
      %and3A_1065 = arith.andi %min3A_1039, %and3A_1064 : vector<16xi32>
      %sub3A_1066 = arith.constant 63 : i32
      %sub3A_1067 = vector.broadcast %sub3A_1066 : i32 to vector<16xi32>
      %sub3A_1068 = arith.subi %sub3A_1067, %and3A_1065 : vector<16xi32>
      %swap3A_1069 = arith.constant 1 : i32
      %swap3A_1070 = arith.index_cast %swap3A_1069 : i32 to index
      %swap3A_1071 = arith.index_cast %add3A_72 : i32 to index
      %swap3A_1072 = tpu.vector_load %arg6[%swap3A_1070, %swap3A_1071] {strides = array<i32>} : memref<8x1024xi32, #tpu.memory_space<vmem>>, vector<1x16xi32>,
      %swap3A_1073 = vector.shape_cast %swap3A_1072 : vector<1x16xi32> to vector<16xi32>
      %swap3A_1074 = vector.shape_cast %sub3A_1068 : vector<16xi32> to vector<1x16xi32>
      tpu.vector_store %arg6[%swap3A_1070, %swap3A_1071], %swap3A_1074 {strides = array<i32>} : memref<8x1024xi32, #tpu.memory_space<vmem>>, vector<1x16xi32>,
      %and3A_1075 = arith.constant -64 : i32
      %and3A_1076 = vector.broadcast %and3A_1075 : i32 to vector<16xi32>
      %and3A_1077 = arith.andi %min3A_1039, %and3A_1076 : vector<16xi32>
      %shift_right_arithmetic3A_1078 = arith.constant 31 : i32
      %shift_right_arithmetic3A_1079 = vector.broadcast %shift_right_arithmetic3A_1078 : i32 to vector<16xi32>
      %shift_right_arithmetic3A_1080 = arith.shrsi %and3A_1077, %shift_right_arithmetic3A_1079 : vector<16xi32>
      %and3A_1081 = arith.constant 2147483647 : i32
      %and3A_1082 = vector.broadcast %and3A_1081 : i32 to vector<16xi32>
      %and3A_1083 = arith.andi %shift_right_arithmetic3A_1080, %and3A_1082 : vector<16xi32>
      %xor3A_1084 = arith.xori %and3A_1077, %and3A_1083 : vector<16xi32>
      %bitcast_convert_type3A_1085 = tpu.bitcast %xor3A_1084 : vector<16xi32> -> vector<16xf32>
      %and3A_1086 = arith.constant 63 : i32
      %and3A_1087 = vector.broadcast %and3A_1086 : i32 to vector<16xi32>
      %and3A_1088 = arith.andi %max3A_1040, %and3A_1087 : vector<16xi32>
      %sub3A_1089 = arith.constant 63 : i32
      %sub3A_1090 = vector.broadcast %sub3A_1089 : i32 to vector<16xi32>
      %sub3A_1091 = arith.subi %sub3A_1090, %and3A_1088 : vector<16xi32>
      %swap3A_1092 = arith.constant 2 : i32
      %swap3A_1093 = arith.index_cast %swap3A_1092 : i32 to index
      %swap3A_1094 = arith.index_cast %add3A_72 : i32 to index
      %swap3A_1095 = tpu.vector_load %arg6[%swap3A_1093, %swap3A_1094] {strides = array<i32>} : memref<8x1024xi32, #tpu.memory_space<vmem>>, vector<1x16xi32>,
      %swap3A_1096 = vector.shape_cast %swap3A_1095 : vector<1x16xi32> to vector<16xi32>
      %swap3A_1097 = vector.shape_cast %sub3A_1091 : vector<16xi32> to vector<1x16xi32>
      tpu.vector_store %arg6[%swap3A_1093, %swap3A_1094], %swap3A_1097 {strides = array<i32>} : memref<8x1024xi32, #tpu.memory_space<vmem>>, vector<1x16xi32>,
      %and3A_1098 = arith.constant -64 : i32
      %and3A_1099 = vector.broadcast %and3A_1098 : i32 to vector<16xi32>
      %and3A_1100 = arith.andi %max3A_1040, %and3A_1099 : vector<16xi32>
      %shift_right_arithmetic3A_1101 = arith.constant 31 : i32
      %shift_right_arithmetic3A_1102 = vector.broadcast %shift_right_arithmetic3A_1101 : i32 to vector<16xi32>
      %shift_right_arithmetic3A_1103 = arith.shrsi %and3A_1100, %shift_right_arithmetic3A_1102 : vector<16xi32>
      %and3A_1104 = arith.constant 2147483647 : i32
      %and3A_1105 = vector.broadcast %and3A_1104 : i32 to vector<16xi32>
      %and3A_1106 = arith.andi %shift_right_arithmetic3A_1103, %and3A_1105 : vector<16xi32>
      %xor3A_1107 = arith.xori %and3A_1100, %and3A_1106 : vector<16xi32>
      %bitcast_convert_type3A_1108 = tpu.bitcast %xor3A_1107 : vector<16xi32> -> vector<16xf32>
      %and3A_1109 = arith.constant 63 : i32
      %and3A_1110 = vector.broadcast %and3A_1109 : i32 to vector<16xi32>
      %and3A_1111 = arith.andi %min3A_1041, %and3A_1110 : vector<16xi32>
      %sub3A_1112 = arith.constant 63 : i32
      %sub3A_1113 = vector.broadcast %sub3A_1112 : i32 to vector<16xi32>
      %sub3A_1114 = arith.subi %sub3A_1113, %and3A_1111 : vector<16xi32>
      %swap3A_1115 = arith.constant 3 : i32
      %swap3A_1116 = arith.index_cast %swap3A_1115 : i32 to index
      %swap3A_1117 = arith.index_cast %add3A_72 : i32 to index
      %swap3A_1118 = tpu.vector_load %arg6[%swap3A_1116, %swap3A_1117] {strides = array<i32>} : memref<8x1024xi32, #tpu.memory_space<vmem>>, vector<1x16xi32>,
      %swap3A_1119 = vector.shape_cast %swap3A_1118 : vector<1x16xi32> to vector<16xi32>
      %swap3A_1120 = vector.shape_cast %sub3A_1114 : vector<16xi32> to vector<1x16xi32>
      tpu.vector_store %arg6[%swap3A_1116, %swap3A_1117], %swap3A_1120 {strides = array<i32>} : memref<8x1024xi32, #tpu.memory_space<vmem>>, vector<1x16xi32>,
      %and3A_1121 = arith.constant -64 : i32
      %and3A_1122 = vector.broadcast %and3A_1121 : i32 to vector<16xi32>
      %and3A_1123 = arith.andi %min3A_1041, %and3A_1122 : vector<16xi32>
      %shift_right_arithmetic3A_1124 = arith.constant 31 : i32
      %shift_right_arithmetic3A_1125 = vector.broadcast %shift_right_arithmetic3A_1124 : i32 to vector<16xi32>
      %shift_right_arithmetic3A_1126 = arith.shrsi %and3A_1123, %shift_right_arithmetic3A_1125 : vector<16xi32>
      %and3A_1127 = arith.constant 2147483647 : i32
      %and3A_1128 = vector.broadcast %and3A_1127 : i32 to vector<16xi32>
      %and3A_1129 = arith.andi %shift_right_arithmetic3A_1126, %and3A_1128 : vector<16xi32>
      %xor3A_1130 = arith.xori %and3A_1123, %and3A_1129 : vector<16xi32>
      %bitcast_convert_type3A_1131 = tpu.bitcast %xor3A_1130 : vector<16xi32> -> vector<16xf32>
      %and3A_1132 = arith.constant 63 : i32
      %and3A_1133 = vector.broadcast %and3A_1132 : i32 to vector<16xi32>
      %and3A_1134 = arith.andi %max3A_1042, %and3A_1133 : vector<16xi32>
      %sub3A_1135 = arith.constant 63 : i32
      %sub3A_1136 = vector.broadcast %sub3A_1135 : i32 to vector<16xi32>
      %sub3A_1137 = arith.subi %sub3A_1136, %and3A_1134 : vector<16xi32>
      %swap3A_1138 = arith.constant 4 : i32
      %swap3A_1139 = arith.index_cast %swap3A_1138 : i32 to index
      %swap3A_1140 = arith.index_cast %add3A_72 : i32 to index
      %swap3A_1141 = tpu.vector_load %arg6[%swap3A_1139, %swap3A_1140] {strides = array<i32>} : memref<8x1024xi32, #tpu.memory_space<vmem>>, vector<1x16xi32>,
      %swap3A_1142 = vector.shape_cast %swap3A_1141 : vector<1x16xi32> to vector<16xi32>
      %swap3A_1143 = vector.shape_cast %sub3A_1137 : vector<16xi32> to vector<1x16xi32>
      tpu.vector_store %arg6[%swap3A_1139, %swap3A_1140], %swap3A_1143 {strides = array<i32>} : memref<8x1024xi32, #tpu.memory_space<vmem>>, vector<1x16xi32>,
      %and3A_1144 = arith.constant -64 : i32
      %and3A_1145 = vector.broadcast %and3A_1144 : i32 to vector<16xi32>
      %and3A_1146 = arith.andi %max3A_1042, %and3A_1145 : vector<16xi32>
      %shift_right_arithmetic3A_1147 = arith.constant 31 : i32
      %shift_right_arithmetic3A_1148 = vector.broadcast %shift_right_arithmetic3A_1147 : i32 to vector<16xi32>
      %shift_right_arithmetic3A_1149 = arith.shrsi %and3A_1146, %shift_right_arithmetic3A_1148 : vector<16xi32>
      %and3A_1150 = arith.constant 2147483647 : i32
      %and3A_1151 = vector.broadcast %and3A_1150 : i32 to vector<16xi32>
      %and3A_1152 = arith.andi %shift_right_arithmetic3A_1149, %and3A_1151 : vector<16xi32>
      %xor3A_1153 = arith.xori %and3A_1146, %and3A_1152 : vector<16xi32>
      %bitcast_convert_type3A_1154 = tpu.bitcast %xor3A_1153 : vector<16xi32> -> vector<16xf32>
      %and3A_1155 = arith.constant 63 : i32
      %and3A_1156 = vector.broadcast %and3A_1155 : i32 to vector<16xi32>
      %and3A_1157 = arith.andi %min3A_1043, %and3A_1156 : vector<16xi32>
      %sub3A_1158 = arith.constant 63 : i32
      %sub3A_1159 = vector.broadcast %sub3A_1158 : i32 to vector<16xi32>
      %sub3A_1160 = arith.subi %sub3A_1159, %and3A_1157 : vector<16xi32>
      %swap3A_1161 = arith.constant 5 : i32
      %swap3A_1162 = arith.index_cast %swap3A_1161 : i32 to index
      %swap3A_1163 = arith.index_cast %add3A_72 : i32 to index
      %swap3A_1164 = tpu.vector_load %arg6[%swap3A_1162, %swap3A_1163] {strides = array<i32>} : memref<8x1024xi32, #tpu.memory_space<vmem>>, vector<1x16xi32>,
      %swap3A_1165 = vector.shape_cast %swap3A_1164 : vector<1x16xi32> to vector<16xi32>
      %swap3A_1166 = vector.shape_cast %sub3A_1160 : vector<16xi32> to vector<1x16xi32>
      tpu.vector_store %arg6[%swap3A_1162, %swap3A_1163], %swap3A_1166 {strides = array<i32>} : memref<8x1024xi32, #tpu.memory_space<vmem>>, vector<1x16xi32>,
      %and3A_1167 = arith.constant -64 : i32
      %and3A_1168 = vector.broadcast %and3A_1167 : i32 to vector<16xi32>
      %and3A_1169 = arith.andi %min3A_1043, %and3A_1168 : vector<16xi32>
      %shift_right_arithmetic3A_1170 = arith.constant 31 : i32
      %shift_right_arithmetic3A_1171 = vector.broadcast %shift_right_arithmetic3A_1170 : i32 to vector<16xi32>
      %shift_right_arithmetic3A_1172 = arith.shrsi %and3A_1169, %shift_right_arithmetic3A_1171 : vector<16xi32>
      %and3A_1173 = arith.constant 2147483647 : i32
      %and3A_1174 = vector.broadcast %and3A_1173 : i32 to vector<16xi32>
      %and3A_1175 = arith.andi %shift_right_arithmetic3A_1172, %and3A_1174 : vector<16xi32>
      %xor3A_1176 = arith.xori %and3A_1169, %and3A_1175 : vector<16xi32>
      %bitcast_convert_type3A_1177 = tpu.bitcast %xor3A_1176 : vector<16xi32> -> vector<16xf32>
      %and3A_1178 = arith.constant 63 : i32
      %and3A_1179 = vector.broadcast %and3A_1178 : i32 to vector<16xi32>
      %and3A_1180 = arith.andi %max3A_1044, %and3A_1179 : vector<16xi32>
      %sub3A_1181 = arith.constant 63 : i32
      %sub3A_1182 = vector.broadcast %sub3A_1181 : i32 to vector<16xi32>
      %sub3A_1183 = arith.subi %sub3A_1182, %and3A_1180 : vector<16xi32>
      %swap3A_1184 = arith.constant 6 : i32
      %swap3A_1185 = arith.index_cast %swap3A_1184 : i32 to index
      %swap3A_1186 = arith.index_cast %add3A_72 : i32 to index
      %swap3A_1187 = tpu.vector_load %arg6[%swap3A_1185, %swap3A_1186] {strides = array<i32>} : memref<8x1024xi32, #tpu.memory_space<vmem>>, vector<1x16xi32>,
      %swap3A_1188 = vector.shape_cast %swap3A_1187 : vector<1x16xi32> to vector<16xi32>
      %swap3A_1189 = vector.shape_cast %sub3A_1183 : vector<16xi32> to vector<1x16xi32>
      tpu.vector_store %arg6[%swap3A_1185, %swap3A_1186], %swap3A_1189 {strides = array<i32>} : memref<8x1024xi32, #tpu.memory_space<vmem>>, vector<1x16xi32>,
      %and3A_1190 = arith.constant -64 : i32
      %and3A_1191 = vector.broadcast %and3A_1190 : i32 to vector<16xi32>
      %and3A_1192 = arith.andi %max3A_1044, %and3A_1191 : vector<16xi32>
      %shift_right_arithmetic3A_1193 = arith.constant 31 : i32
      %shift_right_arithmetic3A_1194 = vector.broadcast %shift_right_arithmetic3A_1193 : i32 to vector<16xi32>
      %shift_right_arithmetic3A_1195 = arith.shrsi %and3A_1192, %shift_right_arithmetic3A_1194 : vector<16xi32>
      %and3A_1196 = arith.constant 2147483647 : i32
      %and3A_1197 = vector.broadcast %and3A_1196 : i32 to vector<16xi32>
      %and3A_1198 = arith.andi %shift_right_arithmetic3A_1195, %and3A_1197 : vector<16xi32>
      %xor3A_1199 = arith.xori %and3A_1192, %and3A_1198 : vector<16xi32>
      %bitcast_convert_type3A_1200 = tpu.bitcast %xor3A_1199 : vector<16xi32> -> vector<16xf32>
      %and3A_1201 = arith.constant 63 : i32
      %and3A_1202 = vector.broadcast %and3A_1201 : i32 to vector<16xi32>
      %and3A_1203 = arith.andi %min3A_1045, %and3A_1202 : vector<16xi32>
      %sub3A_1204 = arith.constant 63 : i32
      %sub3A_1205 = vector.broadcast %sub3A_1204 : i32 to vector<16xi32>
      %sub3A_1206 = arith.subi %sub3A_1205, %and3A_1203 : vector<16xi32>
      %swap3A_1207 = arith.constant 7 : i32
      %swap3A_1208 = arith.index_cast %swap3A_1207 : i32 to index
      %swap3A_1209 = arith.index_cast %add3A_72 : i32 to index
      %swap3A_1210 = tpu.vector_load %arg6[%swap3A_1208, %swap3A_1209] {strides = array<i32>} : memref<8x1024xi32, #tpu.memory_space<vmem>>, vector<1x16xi32>,
      %swap3A_1211 = vector.shape_cast %swap3A_1210 : vector<1x16xi32> to vector<16xi32>
      %swap3A_1212 = vector.shape_cast %sub3A_1206 : vector<16xi32> to vector<1x16xi32>
      tpu.vector_store %arg6[%swap3A_1208, %swap3A_1209], %swap3A_1212 {strides = array<i32>} : memref<8x1024xi32, #tpu.memory_space<vmem>>, vector<1x16xi32>,
      %and3A_1213 = arith.constant -64 : i32
      %and3A_1214 = vector.broadcast %and3A_1213 : i32 to vector<16xi32>
      %and3A_1215 = arith.andi %min3A_1045, %and3A_1214 : vector<16xi32>
      %shift_right_arithmetic3A_1216 = arith.constant 31 : i32
      %shift_right_arithmetic3A_1217 = vector.broadcast %shift_right_arithmetic3A_1216 : i32 to vector<16xi32>
      %shift_right_arithmetic3A_1218 = arith.shrsi %and3A_1215, %shift_right_arithmetic3A_1217 : vector<16xi32>
      %and3A_1219 = arith.constant 2147483647 : i32
      %and3A_1220 = vector.broadcast %and3A_1219 : i32 to vector<16xi32>
      %and3A_1221 = arith.andi %shift_right_arithmetic3A_1218, %and3A_1220 : vector<16xi32>
      %xor3A_1222 = arith.xori %and3A_1215, %and3A_1221 : vector<16xi32>
      %bitcast_convert_type3A_1223 = tpu.bitcast %xor3A_1222 : vector<16xi32> -> vector<16xf32>
      %sub3A_1224 = arith.subf %bitcast_convert_type3A, %bitcast_convert_type3A : vector<16xf32>
      %exp3A = math.exp %sub3A_1224 : vector<16xf32>
      %sub3A_1225 = arith.subf %bitcast_convert_type3A_1085, %bitcast_convert_type3A : vector<16xf32>
      %exp3A_1226 = math.exp %sub3A_1225 : vector<16xf32>
      %sub3A_1227 = arith.subf %bitcast_convert_type3A_1108, %bitcast_convert_type3A : vector<16xf32>
      %exp3A_1228 = math.exp %sub3A_1227 : vector<16xf32>
      %sub3A_1229 = arith.subf %bitcast_convert_type3A_1131, %bitcast_convert_type3A : vector<16xf32>
      %exp3A_1230 = math.exp %sub3A_1229 : vector<16xf32>
      %sub3A_1231 = arith.subf %bitcast_convert_type3A_1154, %bitcast_convert_type3A : vector<16xf32>
      %exp3A_1232 = math.exp %sub3A_1231 : vector<16xf32>
      %sub3A_1233 = arith.subf %bitcast_convert_type3A_1177, %bitcast_convert_type3A : vector<16xf32>
      %exp3A_1234 = math.exp %sub3A_1233 : vector<16xf32>
      %sub3A_1235 = arith.subf %bitcast_convert_type3A_1200, %bitcast_convert_type3A : vector<16xf32>
      %exp3A_1236 = math.exp %sub3A_1235 : vector<16xf32>
      %sub3A_1237 = arith.subf %bitcast_convert_type3A_1223, %bitcast_convert_type3A : vector<16xf32>
      %exp3A_1238 = math.exp %sub3A_1237 : vector<16xf32>
      %add3A_1239 = arith.addf %exp3A, %exp3A_1226 : vector<16xf32>
      %add3A_1240 = arith.addf %add3A_1239, %exp3A_1228 : vector<16xf32>
      %add3A_1241 = arith.addf %add3A_1240, %exp3A_1230 : vector<16xf32>
      %add3A_1242 = arith.addf %add3A_1241, %exp3A_1232 : vector<16xf32>
      %add3A_1243 = arith.addf %add3A_1242, %exp3A_1234 : vector<16xf32>
      %add3A_1244 = arith.addf %add3A_1243, %exp3A_1236 : vector<16xf32>
      %add3A_1245 = arith.addf %add3A_1244, %exp3A_1238 : vector<16xf32>
      %div3A = arith.divf %exp3A, %add3A_1245 : vector<16xf32>
      %swap3A_1246 = arith.constant 0 : i32
      %swap3A_1247 = arith.index_cast %swap3A_1246 : i32 to index
      %swap3A_1248 = arith.index_cast %add3A_72 : i32 to index
      %swap3A_1249 = tpu.vector_load %arg7[%swap3A_1247, %swap3A_1248] {strides = array<i32>} : memref<8x1024xf32, #tpu.memory_space<vmem>>, vector<1x16xf32>,
      %swap3A_1250 = vector.shape_cast %swap3A_1249 : vector<1x16xf32> to vector<16xf32>
      %swap3A_1251 = vector.shape_cast %div3A : vector<16xf32> to vector<1x16xf32>
      tpu.vector_store %arg7[%swap3A_1247, %swap3A_1248], %swap3A_1251 {strides = array<i32>} : memref<8x1024xf32, #tpu.memory_space<vmem>>, vector<1x16xf32>,
      %div3A_1252 = arith.divf %exp3A_1226, %add3A_1245 : vector<16xf32>
      %swap3A_1253 = arith.constant 1 : i32
      %swap3A_1254 = arith.index_cast %swap3A_1253 : i32 to index
      %swap3A_1255 = arith.index_cast %add3A_72 : i32 to index
      %swap3A_1256 = tpu.vector_load %arg7[%swap3A_1254, %swap3A_1255] {strides = array<i32>} : memref<8x1024xf32, #tpu.memory_space<vmem>>, vector<1x16xf32>,
      %swap3A_1257 = vector.shape_cast %swap3A_1256 : vector<1x16xf32> to vector<16xf32>
      %swap3A_1258 = vector.shape_cast %div3A_1252 : vector<16xf32> to vector<1x16xf32>
      tpu.vector_store %arg7[%swap3A_1254, %swap3A_1255], %swap3A_1258 {strides = array<i32>} : memref<8x1024xf32, #tpu.memory_space<vmem>>, vector<1x16xf32>,
      %div3A_1259 = arith.divf %exp3A_1228, %add3A_1245 : vector<16xf32>
      %swap3A_1260 = arith.constant 2 : i32
      %swap3A_1261 = arith.index_cast %swap3A_1260 : i32 to index
      %swap3A_1262 = arith.index_cast %add3A_72 : i32 to index
      %swap3A_1263 = tpu.vector_load %arg7[%swap3A_1261, %swap3A_1262] {strides = array<i32>} : memref<8x1024xf32, #tpu.memory_space<vmem>>, vector<1x16xf32>,
      %swap3A_1264 = vector.shape_cast %swap3A_1263 : vector<1x16xf32> to vector<16xf32>
      %swap3A_1265 = vector.shape_cast %div3A_1259 : vector<16xf32> to vector<1x16xf32>
      tpu.vector_store %arg7[%swap3A_1261, %swap3A_1262], %swap3A_1265 {strides = array<i32>} : memref<8x1024xf32, #tpu.memory_space<vmem>>, vector<1x16xf32>,
      %div3A_1266 = arith.divf %exp3A_1230, %add3A_1245 : vector<16xf32>
      %swap3A_1267 = arith.constant 3 : i32
      %swap3A_1268 = arith.index_cast %swap3A_1267 : i32 to index
      %swap3A_1269 = arith.index_cast %add3A_72 : i32 to index
      %swap3A_1270 = tpu.vector_load %arg7[%swap3A_1268, %swap3A_1269] {strides = array<i32>} : memref<8x1024xf32, #tpu.memory_space<vmem>>, vector<1x16xf32>,
      %swap3A_1271 = vector.shape_cast %swap3A_1270 : vector<1x16xf32> to vector<16xf32>
      %swap3A_1272 = vector.shape_cast %div3A_1266 : vector<16xf32> to vector<1x16xf32>
      tpu.vector_store %arg7[%swap3A_1268, %swap3A_1269], %swap3A_1272 {strides = array<i32>} : memref<8x1024xf32, #tpu.memory_space<vmem>>, vector<1x16xf32>,
      %div3A_1273 = arith.divf %exp3A_1232, %add3A_1245 : vector<16xf32>
      %swap3A_1274 = arith.constant 4 : i32
      %swap3A_1275 = arith.index_cast %swap3A_1274 : i32 to index
      %swap3A_1276 = arith.index_cast %add3A_72 : i32 to index
      %swap3A_1277 = tpu.vector_load %arg7[%swap3A_1275, %swap3A_1276] {strides = array<i32>} : memref<8x1024xf32, #tpu.memory_space<vmem>>, vector<1x16xf32>,
      %swap3A_1278 = vector.shape_cast %swap3A_1277 : vector<1x16xf32> to vector<16xf32>
      %swap3A_1279 = vector.shape_cast %div3A_1273 : vector<16xf32> to vector<1x16xf32>
      tpu.vector_store %arg7[%swap3A_1275, %swap3A_1276], %swap3A_1279 {strides = array<i32>} : memref<8x1024xf32, #tpu.memory_space<vmem>>, vector<1x16xf32>,
      %div3A_1280 = arith.divf %exp3A_1234, %add3A_1245 : vector<16xf32>
      %swap3A_1281 = arith.constant 5 : i32
      %swap3A_1282 = arith.index_cast %swap3A_1281 : i32 to index
      %swap3A_1283 = arith.index_cast %add3A_72 : i32 to index
      %swap3A_1284 = tpu.vector_load %arg7[%swap3A_1282, %swap3A_1283] {strides = array<i32>} : memref<8x1024xf32, #tpu.memory_space<vmem>>, vector<1x16xf32>,
      %swap3A_1285 = vector.shape_cast %swap3A_1284 : vector<1x16xf32> to vector<16xf32>
      %swap3A_1286 = vector.shape_cast %div3A_1280 : vector<16xf32> to vector<1x16xf32>
      tpu.vector_store %arg7[%swap3A_1282, %swap3A_1283], %swap3A_1286 {strides = array<i32>} : memref<8x1024xf32, #tpu.memory_space<vmem>>, vector<1x16xf32>,
      %div3A_1287 = arith.divf %exp3A_1236, %add3A_1245 : vector<16xf32>
      %swap3A_1288 = arith.constant 6 : i32
      %swap3A_1289 = arith.index_cast %swap3A_1288 : i32 to index
      %swap3A_1290 = arith.index_cast %add3A_72 : i32 to index
      %swap3A_1291 = tpu.vector_load %arg7[%swap3A_1289, %swap3A_1290] {strides = array<i32>} : memref<8x1024xf32, #tpu.memory_space<vmem>>, vector<1x16xf32>,
      %swap3A_1292 = vector.shape_cast %swap3A_1291 : vector<1x16xf32> to vector<16xf32>
      %swap3A_1293 = vector.shape_cast %div3A_1287 : vector<16xf32> to vector<1x16xf32>
      tpu.vector_store %arg7[%swap3A_1289, %swap3A_1290], %swap3A_1293 {strides = array<i32>} : memref<8x1024xf32, #tpu.memory_space<vmem>>, vector<1x16xf32>,
      %div3A_1294 = arith.divf %exp3A_1238, %add3A_1245 : vector<16xf32>
      %swap3A_1295 = arith.constant 7 : i32
      %swap3A_1296 = arith.index_cast %swap3A_1295 : i32 to index
      %swap3A_1297 = arith.index_cast %add3A_72 : i32 to index
      %swap3A_1298 = tpu.vector_load %arg7[%swap3A_1296, %swap3A_1297] {strides = array<i32>} : memref<8x1024xf32, #tpu.memory_space<vmem>>, vector<1x16xf32>,
      %swap3A_1299 = vector.shape_cast %swap3A_1298 : vector<1x16xf32> to vector<16xf32>
      %swap3A_1300 = vector.shape_cast %div3A_1294 : vector<16xf32> to vector<1x16xf32>
      tpu.vector_store %arg7[%swap3A_1296, %swap3A_1297], %swap3A_1300 {strides = array<i32>} : memref<8x1024xf32, #tpu.memory_space<vmem>>, vector<1x16xf32>,
    }
    %scan3A_48 = arith.constant 32 : i32
    %dma_wait3A_49 = arith.constant 1 : i32
    %dma_wait3A_50 = arith.constant 0 : i32
    %dma_wait3A_51 = arith.constant 0 : i32
    %dma_wait3A_52 = tpu.memref_slice %arg5[%dma_wait3A_49, %dma_wait3A_50, %dma_wait3A_51] : memref<2x64x512xi32, #tpu.memory_space<vmem>> -> memref<1x64x512xi32, #tpu.memory_space<vmem>>
    %dma_wait3A_53 = tpu.memref_squeeze %dma_wait3A_52 : memref<1x64x512xi32, #tpu.memory_space<vmem>> -> memref<64x512xi32, #tpu.memory_space<vmem>>
    %dma_wait3A_54 = arith.constant 0 : i32
    %dma_wait3A_55 = tpu.memref_slice %arg2[%dma_wait3A_54, %add3A_30] : memref<64x32768xi32, #tpu.memory_space<hbm>> -> memref<64x512xi32, #tpu.memory_space<hbm>>
    %dma_wait3A_56 = arith.constant 0 : i32
    %dma_wait3A_57 = arith.constant 0 : i32
    %dma_wait3A_58 = tpu.memref_slice %arg5[%dma_wait3A_49, %dma_wait3A_56, %dma_wait3A_57] : memref<2x64x512xi32, #tpu.memory_space<vmem>> -> memref<1x64x512xi32, #tpu.memory_space<vmem>>
    %dma_wait3A_59 = tpu.memref_squeeze %dma_wait3A_58 : memref<1x64x512xi32, #tpu.memory_space<vmem>> -> memref<64x512xi32, #tpu.memory_space<vmem>>
    %dma_wait3A_60 = arith.constant 0 : i32
    %dma_wait3A_61 = tpu.memref_slice %arg2[%dma_wait3A_60, %add3A_30] : memref<64x32768xi32, #tpu.memory_space<hbm>> -> memref<64x512xi32, #tpu.memory_space<hbm>>
    tpu.wait_dma2 semaphore(%arg9 : memref<!tpu.dma_semaphore, #tpu.memory_space<semaphore_mem>>) src(%dma_wait3A_61 : memref<64x512xi32, #tpu.memory_space<hbm>>) dst(%dma_wait3A_59 : memref<64x512xi32, #tpu.memory_space<vmem>>)
    %scan3A_62 = arith.constant 0 : i32
    %scan3A_63 = arith.constant 0 : i32
    %scan3A_64 = arith.constant 32 : i32
    %scan3A_65 = arith.addi %scan3A_63, %scan3A_64 : i32
    %scan3A_66 = arith.constant 1 : i32
    scf.for %scan3A_68 = %scan3A_63 to %scan3A_65 step %scan3A_66  : i32 {
      %mul3A_69 = arith.constant 16 : i32
      %mul3A_70 = arith.muli %scan3A_68, %mul3A_69 : i32
      %add3A_71 = arith.constant 512 : i32
      %add3A_72 = arith.addi %add3A_71, %mul3A_70 : i32
      %get3A = arith.constant 1 : i32
      %get3A_73 = arith.constant 0 : i32
      %get3A_74 = arith.index_cast %get3A : i32 to index
      %get3A_75 = arith.index_cast %get3A_73 : i32 to index
      %get3A_76 = arith.index_cast %mul3A_70 : i32 to index
      %get3A_77 = tpu.vector_load %arg5[%get3A_74, %get3A_75, %get3A_76] {strides = array<i32>} : memref<2x64x512xi32, #tpu.memory_space<vmem>>, vector<1x1x16xi32>,
      %get3A_78 = vector.shape_cast %get3A_77 : vector<1x1x16xi32> to vector<16xi32>
      %get3A_79 = arith.constant 1 : i32
      %get3A_80 = arith.constant 1 : i32
      %get3A_81 = arith.index_cast %get3A_79 : i32 to index
      %get3A_82 = arith.index_cast %get3A_80 : i32 to index
      %get3A_83 = arith.index_cast %mul3A_70 : i32 to index
      %get3A_84 = tpu.vector_load %arg5[%get3A_81, %get3A_82, %get3A_83] {strides = array<i32>} : memref<2x64x512xi32, #tpu.memory_space<vmem>>, vector<1x1x16xi32>,
      %get3A_85 = vector.shape_cast %get3A_84 : vector<1x1x16xi32> to vector<16xi32>
      %get3A_86 = arith.constant 1 : i32
      %get3A_87 = arith.constant 2 : i32
      %get3A_88 = arith.index_cast %get3A_86 : i32 to index
      %get3A_89 = arith.index_cast %get3A_87 : i32 to index
      %get3A_90 = arith.index_cast %mul3A_70 : i32 to index
      %get3A_91 = tpu.vector_load %arg5[%get3A_88, %get3A_89, %get3A_90] {strides = array<i32>} : memref<2x64x512xi32, #tpu.memory_space<vmem>>, vector<1x1x16xi32>,
      %get3A_92 = vector.shape_cast %get3A_91 : vector<1x1x16xi32> to vector<16xi32>
      %get3A_93 = arith.constant 1 : i32
      %get3A_94 = arith.constant 3 : i32
      %get3A_95 = arith.index_cast %get3A_93 : i32 to index
      %get3A_96 = arith.index_cast %get3A_94 : i32 to index
      %get3A_97 = arith.index_cast %mul3A_70 : i32 to index
      %get3A_98 = tpu.vector_load %arg5[%get3A_95, %get3A_96, %get3A_97] {strides = array<i32>} : memref<2x64x512xi32, #tpu.memory_space<vmem>>, vector<1x1x16xi32>,
      %get3A_99 = vector.shape_cast %get3A_98 : vector<1x1x16xi32> to vector<16xi32>
      %get3A_100 = arith.constant 1 : i32
      %get3A_101 = arith.constant 4 : i32
      %get3A_102 = arith.index_cast %get3A_100 : i32 to index
      %get3A_103 = arith.index_cast %get3A_101 : i32 to index
      %get3A_104 = arith.index_cast %mul3A_70 : i32 to index
      %get3A_105 = tpu.vector_load %arg5[%get3A_102, %get3A_103, %get3A_104] {strides = array<i32>} : memref<2x64x512xi32, #tpu.memory_space<vmem>>, vector<1x1x16xi32>,
      %get3A_106 = vector.shape_cast %get3A_105 : vector<1x1x16xi32> to vector<16xi32>
      %get3A_107 = arith.constant 1 : i32
      %get3A_108 = arith.constant 5 : i32
      %get3A_109 = arith.index_cast %get3A_107 : i32 to index
      %get3A_110 = arith.index_cast %get3A_108 : i32 to index
      %get3A_111 = arith.index_cast %mul3A_70 : i32 to index
      %get3A_112 = tpu.vector_load %arg5[%get3A_109, %get3A_110, %get3A_111] {strides = array<i32>} : memref<2x64x512xi32, #tpu.memory_space<vmem>>, vector<1x1x16xi32>,
      %get3A_113 = vector.shape_cast %get3A_112 : vector<1x1x16xi32> to vector<16xi32>
      %get3A_114 = arith.constant 1 : i32
      %get3A_115 = arith.constant 6 : i32
      %get3A_116 = arith.index_cast %get3A_114 : i32 to index
      %get3A_117 = arith.index_cast %get3A_115 : i32 to index
      %get3A_118 = arith.index_cast %mul3A_70 : i32 to index
      %get3A_119 = tpu.vector_load %arg5[%get3A_116, %get3A_117, %get3A_118] {strides = array<i32>} : memref<2x64x512xi32, #tpu.memory_space<vmem>>, vector<1x1x16xi32>,
      %get3A_120 = vector.shape_cast %get3A_119 : vector<1x1x16xi32> to vector<16xi32>
      %get3A_121 = arith.constant 1 : i32
      %get3A_122 = arith.constant 7 : i32
      %get3A_123 = arith.index_cast %get3A_121 : i32 to index
      %get3A_124 = arith.index_cast %get3A_122 : i32 to index
      %get3A_125 = arith.index_cast %mul3A_70 : i32 to index
      %get3A_126 = tpu.vector_load %arg5[%get3A_123, %get3A_124, %get3A_125] {strides = array<i32>} : memref<2x64x512xi32, #tpu.memory_space<vmem>>, vector<1x1x16xi32>,
      %get3A_127 = vector.shape_cast %get3A_126 : vector<1x1x16xi32> to vector<16xi32>
      %get3A_128 = arith.constant 1 : i32
      %get3A_129 = arith.constant 8 : i32
      %get3A_130 = arith.index_cast %get3A_128 : i32 to index
      %get3A_131 = arith.index_cast %get3A_129 : i32 to index
      %get3A_132 = arith.index_cast %mul3A_70 : i32 to index
      %get3A_133 = tpu.vector_load %arg5[%get3A_130, %get3A_131, %get3A_132] {strides = array<i32>} : memref<2x64x512xi32, #tpu.memory_space<vmem>>, vector<1x1x16xi32>,
      %get3A_134 = vector.shape_cast %get3A_133 : vector<1x1x16xi32> to vector<16xi32>
      %get3A_135 = arith.constant 1 : i32
      %get3A_136 = arith.constant 9 : i32
      %get3A_137 = arith.index_cast %get3A_135 : i32 to index
      %get3A_138 = arith.index_cast %get3A_136 : i32 to index
      %get3A_139 = arith.index_cast %mul3A_70 : i32 to index
      %get3A_140 = tpu.vector_load %arg5[%get3A_137, %get3A_138, %get3A_139] {strides = array<i32>} : memref<2x64x512xi32, #tpu.memory_space<vmem>>, vector<1x1x16xi32>,
      %get3A_141 = vector.shape_cast %get3A_140 : vector<1x1x16xi32> to vector<16xi32>
      %get3A_142 = arith.constant 1 : i32
      %get3A_143 = arith.constant 10 : i32
      %get3A_144 = arith.index_cast %get3A_142 : i32 to index
      %get3A_145 = arith.index_cast %get3A_143 : i32 to index
      %get3A_146 = arith.index_cast %mul3A_70 : i32 to index
      %get3A_147 = tpu.vector_load %arg5[%get3A_144, %get3A_145, %get3A_146] {strides = array<i32>} : memref<2x64x512xi32, #tpu.memory_space<vmem>>, vector<1x1x16xi32>,
      %get3A_148 = vector.shape_cast %get3A_147 : vector<1x1x16xi32> to vector<16xi32>
      %get3A_149 = arith.constant 1 : i32
      %get3A_150 = arith.constant 11 : i32
      %get3A_151 = arith.index_cast %get3A_149 : i32 to index
      %get3A_152 = arith.index_cast %get3A_150 : i32 to index
      %get3A_153 = arith.index_cast %mul3A_70 : i32 to index
      %get3A_154 = tpu.vector_load %arg5[%get3A_151, %get3A_152, %get3A_153] {strides = array<i32>} : memref<2x64x512xi32, #tpu.memory_space<vmem>>, vector<1x1x16xi32>,
      %get3A_155 = vector.shape_cast %get3A_154 : vector<1x1x16xi32> to vector<16xi32>
      %get3A_156 = arith.constant 1 : i32
      %get3A_157 = arith.constant 12 : i32
      %get3A_158 = arith.index_cast %get3A_156 : i32 to index
      %get3A_159 = arith.index_cast %get3A_157 : i32 to index
      %get3A_160 = arith.index_cast %mul3A_70 : i32 to index
      %get3A_161 = tpu.vector_load %arg5[%get3A_158, %get3A_159, %get3A_160] {strides = array<i32>} : memref<2x64x512xi32, #tpu.memory_space<vmem>>, vector<1x1x16xi32>,
      %get3A_162 = vector.shape_cast %get3A_161 : vector<1x1x16xi32> to vector<16xi32>
      %get3A_163 = arith.constant 1 : i32
      %get3A_164 = arith.constant 13 : i32
      %get3A_165 = arith.index_cast %get3A_163 : i32 to index
      %get3A_166 = arith.index_cast %get3A_164 : i32 to index
      %get3A_167 = arith.index_cast %mul3A_70 : i32 to index
      %get3A_168 = tpu.vector_load %arg5[%get3A_165, %get3A_166, %get3A_167] {strides = array<i32>} : memref<2x64x512xi32, #tpu.memory_space<vmem>>, vector<1x1x16xi32>,
      %get3A_169 = vector.shape_cast %get3A_168 : vector<1x1x16xi32> to vector<16xi32>
      %get3A_170 = arith.constant 1 : i32
      %get3A_171 = arith.constant 14 : i32
      %get3A_172 = arith.index_cast %get3A_170 : i32 to index
      %get3A_173 = arith.index_cast %get3A_171 : i32 to index
      %get3A_174 = arith.index_cast %mul3A_70 : i32 to index
      %get3A_175 = tpu.vector_load %arg5[%get3A_172, %get3A_173, %get3A_174] {strides = array<i32>} : memref<2x64x512xi32, #tpu.memory_space<vmem>>, vector<1x1x16xi32>,
      %get3A_176 = vector.shape_cast %get3A_175 : vector<1x1x16xi32> to vector<16xi32>
      %get3A_177 = arith.constant 1 : i32
      %get3A_178 = arith.constant 15 : i32
      %get3A_179 = arith.index_cast %get3A_177 : i32 to index
      %get3A_180 = arith.index_cast %get3A_178 : i32 to index
      %get3A_181 = arith.index_cast %mul3A_70 : i32 to index
      %get3A_182 = tpu.vector_load %arg5[%get3A_179, %get3A_180, %get3A_181] {strides = array<i32>} : memref<2x64x512xi32, #tpu.memory_space<vmem>>, vector<1x1x16xi32>,
      %get3A_183 = vector.shape_cast %get3A_182 : vector<1x1x16xi32> to vector<16xi32>
      %max3A = arith.maxsi %get3A_78, %get3A_85 : vector<16xi32>
      %min3A = arith.minsi %get3A_78, %get3A_85 : vector<16xi32>
      %max3A_184 = arith.maxsi %get3A_92, %get3A_99 : vector<16xi32>
      %min3A_185 = arith.minsi %get3A_92, %get3A_99 : vector<16xi32>
      %max3A_186 = arith.maxsi %get3A_106, %get3A_113 : vector<16xi32>
      %min3A_187 = arith.minsi %get3A_106, %get3A_113 : vector<16xi32>
      %max3A_188 = arith.maxsi %get3A_120, %get3A_127 : vector<16xi32>
      %min3A_189 = arith.minsi %get3A_120, %get3A_127 : vector<16xi32>
      %max3A_190 = arith.maxsi %get3A_134, %get3A_141 : vector<16xi32>
      %min3A_191 = arith.minsi %get3A_134, %get3A_141 : vector<16xi32>
      %max3A_192 = arith.maxsi %get3A_148, %get3A_155 : vector<16xi32>
      %min3A_193 = arith.minsi %get3A_148, %get3A_155 : vector<16xi32>
      %max3A_194 = arith.maxsi %get3A_162, %get3A_169 : vector<16xi32>
      %min3A_195 = arith.minsi %get3A_162, %get3A_169 : vector<16xi32>
      %max3A_196 = arith.maxsi %get3A_176, %get3A_183 : vector<16xi32>
      %min3A_197 = arith.minsi %get3A_176, %get3A_183 : vector<16xi32>
      %max3A_198 = arith.maxsi %max3A, %max3A_184 : vector<16xi32>
      %min3A_199 = arith.minsi %max3A, %max3A_184 : vector<16xi32>
      %max3A_200 = arith.maxsi %min3A, %min3A_185 : vector<16xi32>
      %min3A_201 = arith.minsi %min3A, %min3A_185 : vector<16xi32>
      %max3A_202 = arith.maxsi %min3A_199, %max3A_200 : vector<16xi32>
      %min3A_203 = arith.minsi %min3A_199, %max3A_200 : vector<16xi32>
      %max3A_204 = arith.maxsi %max3A_186, %max3A_188 : vector<16xi32>
      %min3A_205 = arith.minsi %max3A_186, %max3A_188 : vector<16xi32>
      %max3A_206 = arith.maxsi %min3A_187, %min3A_189 : vector<16xi32>
      %min3A_207 = arith.minsi %min3A_187, %min3A_189 : vector<16xi32>
      %max3A_208 = arith.maxsi %min3A_205, %max3A_206 : vector<16xi32>
      %min3A_209 = arith.minsi %min3A_205, %max3A_206 : vector<16xi32>
      %max3A_210 = arith.maxsi %max3A_190, %max3A_192 : vector<16xi32>
      %min3A_211 = arith.minsi %max3A_190, %max3A_192 : vector<16xi32>
      %max3A_212 = arith.maxsi %min3A_191, %min3A_193 : vector<16xi32>
      %min3A_213 = arith.minsi %min3A_191, %min3A_193 : vector<16xi32>
      %max3A_214 = arith.maxsi %min3A_211, %max3A_212 : vector<16xi32>
      %min3A_215 = arith.minsi %min3A_211, %max3A_212 : vector<16xi32>
      %max3A_216 = arith.maxsi %max3A_194, %max3A_196 : vector<16xi32>
      %min3A_217 = arith.minsi %max3A_194, %max3A_196 : vector<16xi32>
      %max3A_218 = arith.maxsi %min3A_195, %min3A_197 : vector<16xi32>
      %min3A_219 = arith.minsi %min3A_195, %min3A_197 : vector<16xi32>
      %max3A_220 = arith.maxsi %min3A_217, %max3A_218 : vector<16xi32>
      %min3A_221 = arith.minsi %min3A_217, %max3A_218 : vector<16xi32>
      %max3A_222 = arith.maxsi %max3A_198, %max3A_204 : vector<16xi32>
      %min3A_223 = arith.minsi %max3A_198, %max3A_204 : vector<16xi32>
      %max3A_224 = arith.maxsi %min3A_203, %min3A_209 : vector<16xi32>
      %min3A_225 = arith.minsi %min3A_203, %min3A_209 : vector<16xi32>
      %max3A_226 = arith.maxsi %min3A_223, %max3A_224 : vector<16xi32>
      %min3A_227 = arith.minsi %min3A_223, %max3A_224 : vector<16xi32>
      %max3A_228 = arith.maxsi %max3A_202, %max3A_208 : vector<16xi32>
      %min3A_229 = arith.minsi %max3A_202, %max3A_208 : vector<16xi32>
      %max3A_230 = arith.maxsi %min3A_201, %min3A_207 : vector<16xi32>
      %min3A_231 = arith.minsi %min3A_201, %min3A_207 : vector<16xi32>
      %max3A_232 = arith.maxsi %min3A_229, %max3A_230 : vector<16xi32>
      %min3A_233 = arith.minsi %min3A_229, %max3A_230 : vector<16xi32>
      %max3A_234 = arith.maxsi %max3A_228, %max3A_226 : vector<16xi32>
      %min3A_235 = arith.minsi %max3A_228, %max3A_226 : vector<16xi32>
      %max3A_236 = arith.maxsi %max3A_232, %min3A_227 : vector<16xi32>
      %min3A_237 = arith.minsi %max3A_232, %min3A_227 : vector<16xi32>
      %max3A_238 = arith.maxsi %min3A_233, %min3A_225 : vector<16xi32>
      %min3A_239 = arith.minsi %min3A_233, %min3A_225 : vector<16xi32>
      %max3A_240 = arith.maxsi %max3A_210, %max3A_216 : vector<16xi32>
      %min3A_241 = arith.minsi %max3A_210, %max3A_216 : vector<16xi32>
      %max3A_242 = arith.maxsi %min3A_215, %min3A_221 : vector<16xi32>
      %min3A_243 = arith.minsi %min3A_215, %min3A_221 : vector<16xi32>
      %max3A_244 = arith.maxsi %min3A_241, %max3A_242 : vector<16xi32>
      %min3A_245 = arith.minsi %min3A_241, %max3A_242 : vector<16xi32>
      %max3A_246 = arith.maxsi %max3A_214, %max3A_220 : vector<16xi32>
      %min3A_247 = arith.minsi %max3A_214, %max3A_220 : vector<16xi32>
      %max3A_248 = arith.maxsi %min3A_213, %min3A_219 : vector<16xi32>
      %min3A_249 = arith.minsi %min3A_213, %min3A_219 : vector<16xi32>
      %max3A_250 = arith.maxsi %min3A_247, %max3A_248 : vector<16xi32>
      %min3A_251 = arith.minsi %min3A_247, %max3A_248 : vector<16xi32>
      %max3A_252 = arith.maxsi %max3A_246, %max3A_244 : vector<16xi32>
      %min3A_253 = arith.minsi %max3A_246, %max3A_244 : vector<16xi32>
      %max3A_254 = arith.maxsi %max3A_250, %min3A_245 : vector<16xi32>
      %min3A_255 = arith.minsi %max3A_250, %min3A_245 : vector<16xi32>
      %max3A_256 = arith.maxsi %min3A_251, %min3A_243 : vector<16xi32>
      %min3A_257 = arith.minsi %min3A_251, %min3A_243 : vector<16xi32>
      %max3A_258 = arith.maxsi %max3A_222, %min3A_249 : vector<16xi32>
      %max3A_259 = arith.maxsi %max3A_234, %min3A_257 : vector<16xi32>
      %max3A_260 = arith.maxsi %min3A_235, %max3A_256 : vector<16xi32>
      %max3A_261 = arith.maxsi %max3A_236, %min3A_255 : vector<16xi32>
      %max3A_262 = arith.maxsi %min3A_237, %max3A_254 : vector<16xi32>
      %max3A_263 = arith.maxsi %max3A_238, %min3A_253 : vector<16xi32>
      %max3A_264 = arith.maxsi %min3A_239, %max3A_252 : vector<16xi32>
      %max3A_265 = arith.maxsi %min3A_231, %max3A_240 : vector<16xi32>
      %max3A_266 = arith.maxsi %max3A_258, %max3A_262 : vector<16xi32>
      %min3A_267 = arith.minsi %max3A_258, %max3A_262 : vector<16xi32>
      %max3A_268 = arith.maxsi %max3A_259, %max3A_263 : vector<16xi32>
      %min3A_269 = arith.minsi %max3A_259, %max3A_263 : vector<16xi32>
      %max3A_270 = arith.maxsi %max3A_260, %max3A_264 : vector<16xi32>
      %min3A_271 = arith.minsi %max3A_260, %max3A_264 : vector<16xi32>
      %max3A_272 = arith.maxsi %max3A_261, %max3A_265 : vector<16xi32>
      %min3A_273 = arith.minsi %max3A_261, %max3A_265 : vector<16xi32>
      %max3A_274 = arith.maxsi %max3A_266, %max3A_270 : vector<16xi32>
      %min3A_275 = arith.minsi %max3A_266, %max3A_270 : vector<16xi32>
      %max3A_276 = arith.maxsi %max3A_268, %max3A_272 : vector<16xi32>
      %min3A_277 = arith.minsi %max3A_268, %max3A_272 : vector<16xi32>
      %max3A_278 = arith.maxsi %min3A_267, %min3A_271 : vector<16xi32>
      %min3A_279 = arith.minsi %min3A_267, %min3A_271 : vector<16xi32>
      %max3A_280 = arith.maxsi %min3A_269, %min3A_273 : vector<16xi32>
      %min3A_281 = arith.minsi %min3A_269, %min3A_273 : vector<16xi32>
      %max3A_282 = arith.maxsi %max3A_274, %max3A_276 : vector<16xi32>
      %min3A_283 = arith.minsi %max3A_274, %max3A_276 : vector<16xi32>
      %max3A_284 = arith.maxsi %min3A_275, %min3A_277 : vector<16xi32>
      %min3A_285 = arith.minsi %min3A_275, %min3A_277 : vector<16xi32>
      %max3A_286 = arith.maxsi %max3A_278, %max3A_280 : vector<16xi32>
      %min3A_287 = arith.minsi %max3A_278, %max3A_280 : vector<16xi32>
      %max3A_288 = arith.maxsi %min3A_279, %min3A_281 : vector<16xi32>
      %min3A_289 = arith.minsi %min3A_279, %min3A_281 : vector<16xi32>
      %get3A_290 = arith.constant 1 : i32
      %get3A_291 = arith.constant 16 : i32
      %get3A_292 = arith.index_cast %get3A_290 : i32 to index
      %get3A_293 = arith.index_cast %get3A_291 : i32 to index
      %get3A_294 = arith.index_cast %mul3A_70 : i32 to index
      %get3A_295 = tpu.vector_load %arg5[%get3A_292, %get3A_293, %get3A_294] {strides = array<i32>} : memref<2x64x512xi32, #tpu.memory_space<vmem>>, vector<1x1x16xi32>,
      %get3A_296 = vector.shape_cast %get3A_295 : vector<1x1x16xi32> to vector<16xi32>
      %get3A_297 = arith.constant 1 : i32
      %get3A_298 = arith.constant 17 : i32
      %get3A_299 = arith.index_cast %get3A_297 : i32 to index
      %get3A_300 = arith.index_cast %get3A_298 : i32 to index
      %get3A_301 = arith.index_cast %mul3A_70 : i32 to index
      %get3A_302 = tpu.vector_load %arg5[%get3A_299, %get3A_300, %get3A_301] {strides = array<i32>} : memref<2x64x512xi32, #tpu.memory_space<vmem>>, vector<1x1x16xi32>,
      %get3A_303 = vector.shape_cast %get3A_302 : vector<1x1x16xi32> to vector<16xi32>
      %get3A_304 = arith.constant 1 : i32
      %get3A_305 = arith.constant 18 : i32
      %get3A_306 = arith.index_cast %get3A_304 : i32 to index
      %get3A_307 = arith.index_cast %get3A_305 : i32 to index
      %get3A_308 = arith.index_cast %mul3A_70 : i32 to index
      %get3A_309 = tpu.vector_load %arg5[%get3A_306, %get3A_307, %get3A_308] {strides = array<i32>} : memref<2x64x512xi32, #tpu.memory_space<vmem>>, vector<1x1x16xi32>,
      %get3A_310 = vector.shape_cast %get3A_309 : vector<1x1x16xi32> to vector<16xi32>
      %get3A_311 = arith.constant 1 : i32
      %get3A_312 = arith.constant 19 : i32
      %get3A_313 = arith.index_cast %get3A_311 : i32 to index
      %get3A_314 = arith.index_cast %get3A_312 : i32 to index
      %get3A_315 = arith.index_cast %mul3A_70 : i32 to index
      %get3A_316 = tpu.vector_load %arg5[%get3A_313, %get3A_314, %get3A_315] {strides = array<i32>} : memref<2x64x512xi32, #tpu.memory_space<vmem>>, vector<1x1x16xi32>,
      %get3A_317 = vector.shape_cast %get3A_316 : vector<1x1x16xi32> to vector<16xi32>
      %get3A_318 = arith.constant 1 : i32
      %get3A_319 = arith.constant 20 : i32
      %get3A_320 = arith.index_cast %get3A_318 : i32 to index
      %get3A_321 = arith.index_cast %get3A_319 : i32 to index
      %get3A_322 = arith.index_cast %mul3A_70 : i32 to index
      %get3A_323 = tpu.vector_load %arg5[%get3A_320, %get3A_321, %get3A_322] {strides = array<i32>} : memref<2x64x512xi32, #tpu.memory_space<vmem>>, vector<1x1x16xi32>,
      %get3A_324 = vector.shape_cast %get3A_323 : vector<1x1x16xi32> to vector<16xi32>
      %get3A_325 = arith.constant 1 : i32
      %get3A_326 = arith.constant 21 : i32
      %get3A_327 = arith.index_cast %get3A_325 : i32 to index
      %get3A_328 = arith.index_cast %get3A_326 : i32 to index
      %get3A_329 = arith.index_cast %mul3A_70 : i32 to index
      %get3A_330 = tpu.vector_load %arg5[%get3A_327, %get3A_328, %get3A_329] {strides = array<i32>} : memref<2x64x512xi32, #tpu.memory_space<vmem>>, vector<1x1x16xi32>,
      %get3A_331 = vector.shape_cast %get3A_330 : vector<1x1x16xi32> to vector<16xi32>
      %get3A_332 = arith.constant 1 : i32
      %get3A_333 = arith.constant 22 : i32
      %get3A_334 = arith.index_cast %get3A_332 : i32 to index
      %get3A_335 = arith.index_cast %get3A_333 : i32 to index
      %get3A_336 = arith.index_cast %mul3A_70 : i32 to index
      %get3A_337 = tpu.vector_load %arg5[%get3A_334, %get3A_335, %get3A_336] {strides = array<i32>} : memref<2x64x512xi32, #tpu.memory_space<vmem>>, vector<1x1x16xi32>,
      %get3A_338 = vector.shape_cast %get3A_337 : vector<1x1x16xi32> to vector<16xi32>
      %get3A_339 = arith.constant 1 : i32
      %get3A_340 = arith.constant 23 : i32
      %get3A_341 = arith.index_cast %get3A_339 : i32 to index
      %get3A_342 = arith.index_cast %get3A_340 : i32 to index
      %get3A_343 = arith.index_cast %mul3A_70 : i32 to index
      %get3A_344 = tpu.vector_load %arg5[%get3A_341, %get3A_342, %get3A_343] {strides = array<i32>} : memref<2x64x512xi32, #tpu.memory_space<vmem>>, vector<1x1x16xi32>,
      %get3A_345 = vector.shape_cast %get3A_344 : vector<1x1x16xi32> to vector<16xi32>
      %get3A_346 = arith.constant 1 : i32
      %get3A_347 = arith.constant 24 : i32
      %get3A_348 = arith.index_cast %get3A_346 : i32 to index
      %get3A_349 = arith.index_cast %get3A_347 : i32 to index
      %get3A_350 = arith.index_cast %mul3A_70 : i32 to index
      %get3A_351 = tpu.vector_load %arg5[%get3A_348, %get3A_349, %get3A_350] {strides = array<i32>} : memref<2x64x512xi32, #tpu.memory_space<vmem>>, vector<1x1x16xi32>,
      %get3A_352 = vector.shape_cast %get3A_351 : vector<1x1x16xi32> to vector<16xi32>
      %get3A_353 = arith.constant 1 : i32
      %get3A_354 = arith.constant 25 : i32
      %get3A_355 = arith.index_cast %get3A_353 : i32 to index
      %get3A_356 = arith.index_cast %get3A_354 : i32 to index
      %get3A_357 = arith.index_cast %mul3A_70 : i32 to index
      %get3A_358 = tpu.vector_load %arg5[%get3A_355, %get3A_356, %get3A_357] {strides = array<i32>} : memref<2x64x512xi32, #tpu.memory_space<vmem>>, vector<1x1x16xi32>,
      %get3A_359 = vector.shape_cast %get3A_358 : vector<1x1x16xi32> to vector<16xi32>
      %get3A_360 = arith.constant 1 : i32
      %get3A_361 = arith.constant 26 : i32
      %get3A_362 = arith.index_cast %get3A_360 : i32 to index
      %get3A_363 = arith.index_cast %get3A_361 : i32 to index
      %get3A_364 = arith.index_cast %mul3A_70 : i32 to index
      %get3A_365 = tpu.vector_load %arg5[%get3A_362, %get3A_363, %get3A_364] {strides = array<i32>} : memref<2x64x512xi32, #tpu.memory_space<vmem>>, vector<1x1x16xi32>,
      %get3A_366 = vector.shape_cast %get3A_365 : vector<1x1x16xi32> to vector<16xi32>
      %get3A_367 = arith.constant 1 : i32
      %get3A_368 = arith.constant 27 : i32
      %get3A_369 = arith.index_cast %get3A_367 : i32 to index
      %get3A_370 = arith.index_cast %get3A_368 : i32 to index
      %get3A_371 = arith.index_cast %mul3A_70 : i32 to index
      %get3A_372 = tpu.vector_load %arg5[%get3A_369, %get3A_370, %get3A_371] {strides = array<i32>} : memref<2x64x512xi32, #tpu.memory_space<vmem>>, vector<1x1x16xi32>,
      %get3A_373 = vector.shape_cast %get3A_372 : vector<1x1x16xi32> to vector<16xi32>
      %get3A_374 = arith.constant 1 : i32
      %get3A_375 = arith.constant 28 : i32
      %get3A_376 = arith.index_cast %get3A_374 : i32 to index
      %get3A_377 = arith.index_cast %get3A_375 : i32 to index
      %get3A_378 = arith.index_cast %mul3A_70 : i32 to index
      %get3A_379 = tpu.vector_load %arg5[%get3A_376, %get3A_377, %get3A_378] {strides = array<i32>} : memref<2x64x512xi32, #tpu.memory_space<vmem>>, vector<1x1x16xi32>,
      %get3A_380 = vector.shape_cast %get3A_379 : vector<1x1x16xi32> to vector<16xi32>
      %get3A_381 = arith.constant 1 : i32
      %get3A_382 = arith.constant 29 : i32
      %get3A_383 = arith.index_cast %get3A_381 : i32 to index
      %get3A_384 = arith.index_cast %get3A_382 : i32 to index
      %get3A_385 = arith.index_cast %mul3A_70 : i32 to index
      %get3A_386 = tpu.vector_load %arg5[%get3A_383, %get3A_384, %get3A_385] {strides = array<i32>} : memref<2x64x512xi32, #tpu.memory_space<vmem>>, vector<1x1x16xi32>,
      %get3A_387 = vector.shape_cast %get3A_386 : vector<1x1x16xi32> to vector<16xi32>
      %get3A_388 = arith.constant 1 : i32
      %get3A_389 = arith.constant 30 : i32
      %get3A_390 = arith.index_cast %get3A_388 : i32 to index
      %get3A_391 = arith.index_cast %get3A_389 : i32 to index
      %get3A_392 = arith.index_cast %mul3A_70 : i32 to index
      %get3A_393 = tpu.vector_load %arg5[%get3A_390, %get3A_391, %get3A_392] {strides = array<i32>} : memref<2x64x512xi32, #tpu.memory_space<vmem>>, vector<1x1x16xi32>,
      %get3A_394 = vector.shape_cast %get3A_393 : vector<1x1x16xi32> to vector<16xi32>
      %get3A_395 = arith.constant 1 : i32
      %get3A_396 = arith.constant 31 : i32
      %get3A_397 = arith.index_cast %get3A_395 : i32 to index
      %get3A_398 = arith.index_cast %get3A_396 : i32 to index
      %get3A_399 = arith.index_cast %mul3A_70 : i32 to index
      %get3A_400 = tpu.vector_load %arg5[%get3A_397, %get3A_398, %get3A_399] {strides = array<i32>} : memref<2x64x512xi32, #tpu.memory_space<vmem>>, vector<1x1x16xi32>,
      %get3A_401 = vector.shape_cast %get3A_400 : vector<1x1x16xi32> to vector<16xi32>
      %max3A_402 = arith.maxsi %get3A_296, %get3A_303 : vector<16xi32>
      %min3A_403 = arith.minsi %get3A_296, %get3A_303 : vector<16xi32>
      %max3A_404 = arith.maxsi %get3A_310, %get3A_317 : vector<16xi32>
      %min3A_405 = arith.minsi %get3A_310, %get3A_317 : vector<16xi32>
      %max3A_406 = arith.maxsi %get3A_324, %get3A_331 : vector<16xi32>
      %min3A_407 = arith.minsi %get3A_324, %get3A_331 : vector<16xi32>
      %max3A_408 = arith.maxsi %get3A_338, %get3A_345 : vector<16xi32>
      %min3A_409 = arith.minsi %get3A_338, %get3A_345 : vector<16xi32>
      %max3A_410 = arith.maxsi %get3A_352, %get3A_359 : vector<16xi32>
      %min3A_411 = arith.minsi %get3A_352, %get3A_359 : vector<16xi32>
      %max3A_412 = arith.maxsi %get3A_366, %get3A_373 : vector<16xi32>
      %min3A_413 = arith.minsi %get3A_366, %get3A_373 : vector<16xi32>
      %max3A_414 = arith.maxsi %get3A_380, %get3A_387 : vector<16xi32>
      %min3A_415 = arith.minsi %get3A_380, %get3A_387 : vector<16xi32>
      %max3A_416 = arith.maxsi %get3A_394, %get3A_401 : vector<16xi32>
      %min3A_417 = arith.minsi %get3A_394, %get3A_401 : vector<16xi32>
      %max3A_418 = arith.maxsi %max3A_402, %max3A_404 : vector<16xi32>
      %min3A_419 = arith.minsi %max3A_402, %max3A_404 : vector<16xi32>
      %max3A_420 = arith.maxsi %min3A_403, %min3A_405 : vector<16xi32>
      %min3A_421 = arith.minsi %min3A_403, %min3A_405 : vector<16xi32>
      %max3A_422 = arith.maxsi %min3A_419, %max3A_420 : vector<16xi32>
      %min3A_423 = arith.minsi %min3A_419, %max3A_420 : vector<16xi32>
      %max3A_424 = arith.maxsi %max3A_406, %max3A_408 : vector<16xi32>
      %min3A_425 = arith.minsi %max3A_406, %max3A_408 : vector<16xi32>
      %max3A_426 = arith.maxsi %min3A_407, %min3A_409 : vector<16xi32>
      %min3A_427 = arith.minsi %min3A_407, %min3A_409 : vector<16xi32>
      %max3A_428 = arith.maxsi %min3A_425, %max3A_426 : vector<16xi32>
      %min3A_429 = arith.minsi %min3A_425, %max3A_426 : vector<16xi32>
      %max3A_430 = arith.maxsi %max3A_410, %max3A_412 : vector<16xi32>
      %min3A_431 = arith.minsi %max3A_410, %max3A_412 : vector<16xi32>
      %max3A_432 = arith.maxsi %min3A_411, %min3A_413 : vector<16xi32>
      %min3A_433 = arith.minsi %min3A_411, %min3A_413 : vector<16xi32>
      %max3A_434 = arith.maxsi %min3A_431, %max3A_432 : vector<16xi32>
      %min3A_435 = arith.minsi %min3A_431, %max3A_432 : vector<16xi32>
      %max3A_436 = arith.maxsi %max3A_414, %max3A_416 : vector<16xi32>
      %min3A_437 = arith.minsi %max3A_414, %max3A_416 : vector<16xi32>
      %max3A_438 = arith.maxsi %min3A_415, %min3A_417 : vector<16xi32>
      %min3A_439 = arith.minsi %min3A_415, %min3A_417 : vector<16xi32>
      %max3A_440 = arith.maxsi %min3A_437, %max3A_438 : vector<16xi32>
      %min3A_441 = arith.minsi %min3A_437, %max3A_438 : vector<16xi32>
      %max3A_442 = arith.maxsi %max3A_418, %max3A_424 : vector<16xi32>
      %min3A_443 = arith.minsi %max3A_418, %max3A_424 : vector<16xi32>
      %max3A_444 = arith.maxsi %min3A_423, %min3A_429 : vector<16xi32>
      %min3A_445 = arith.minsi %min3A_423, %min3A_429 : vector<16xi32>
      %max3A_446 = arith.maxsi %min3A_443, %max3A_444 : vector<16xi32>
      %min3A_447 = arith.minsi %min3A_443, %max3A_444 : vector<16xi32>
      %max3A_448 = arith.maxsi %max3A_422, %max3A_428 : vector<16xi32>
      %min3A_449 = arith.minsi %max3A_422, %max3A_428 : vector<16xi32>
      %max3A_450 = arith.maxsi %min3A_421, %min3A_427 : vector<16xi32>
      %min3A_451 = arith.minsi %min3A_421, %min3A_427 : vector<16xi32>
      %max3A_452 = arith.maxsi %min3A_449, %max3A_450 : vector<16xi32>
      %min3A_453 = arith.minsi %min3A_449, %max3A_450 : vector<16xi32>
      %max3A_454 = arith.maxsi %max3A_448, %max3A_446 : vector<16xi32>
      %min3A_455 = arith.minsi %max3A_448, %max3A_446 : vector<16xi32>
      %max3A_456 = arith.maxsi %max3A_452, %min3A_447 : vector<16xi32>
      %min3A_457 = arith.minsi %max3A_452, %min3A_447 : vector<16xi32>
      %max3A_458 = arith.maxsi %min3A_453, %min3A_445 : vector<16xi32>
      %min3A_459 = arith.minsi %min3A_453, %min3A_445 : vector<16xi32>
      %max3A_460 = arith.maxsi %max3A_430, %max3A_436 : vector<16xi32>
      %min3A_461 = arith.minsi %max3A_430, %max3A_436 : vector<16xi32>
      %max3A_462 = arith.maxsi %min3A_435, %min3A_441 : vector<16xi32>
      %min3A_463 = arith.minsi %min3A_435, %min3A_441 : vector<16xi32>
      %max3A_464 = arith.maxsi %min3A_461, %max3A_462 : vector<16xi32>
      %min3A_465 = arith.minsi %min3A_461, %max3A_462 : vector<16xi32>
      %max3A_466 = arith.maxsi %max3A_434, %max3A_440 : vector<16xi32>
      %min3A_467 = arith.minsi %max3A_434, %max3A_440 : vector<16xi32>
      %max3A_468 = arith.maxsi %min3A_433, %min3A_439 : vector<16xi32>
      %min3A_469 = arith.minsi %min3A_433, %min3A_439 : vector<16xi32>
      %max3A_470 = arith.maxsi %min3A_467, %max3A_468 : vector<16xi32>
      %min3A_471 = arith.minsi %min3A_467, %max3A_468 : vector<16xi32>
      %max3A_472 = arith.maxsi %max3A_466, %max3A_464 : vector<16xi32>
      %min3A_473 = arith.minsi %max3A_466, %max3A_464 : vector<16xi32>
      %max3A_474 = arith.maxsi %max3A_470, %min3A_465 : vector<16xi32>
      %min3A_475 = arith.minsi %max3A_470, %min3A_465 : vector<16xi32>
      %max3A_476 = arith.maxsi %min3A_471, %min3A_463 : vector<16xi32>
      %min3A_477 = arith.minsi %min3A_471, %min3A_463 : vector<16xi32>
      %max3A_478 = arith.maxsi %max3A_442, %min3A_469 : vector<16xi32>
      %max3A_479 = arith.maxsi %max3A_454, %min3A_477 : vector<16xi32>
      %max3A_480 = arith.maxsi %min3A_455, %max3A_476 : vector<16xi32>
      %max3A_481 = arith.maxsi %max3A_456, %min3A_475 : vector<16xi32>
      %max3A_482 = arith.maxsi %min3A_457, %max3A_474 : vector<16xi32>
      %max3A_483 = arith.maxsi %max3A_458, %min3A_473 : vector<16xi32>
      %max3A_484 = arith.maxsi %min3A_459, %max3A_472 : vector<16xi32>
      %max3A_485 = arith.maxsi %min3A_451, %max3A_460 : vector<16xi32>
      %max3A_486 = arith.maxsi %max3A_478, %max3A_482 : vector<16xi32>
      %min3A_487 = arith.minsi %max3A_478, %max3A_482 : vector<16xi32>
      %max3A_488 = arith.maxsi %max3A_479, %max3A_483 : vector<16xi32>
      %min3A_489 = arith.minsi %max3A_479, %max3A_483 : vector<16xi32>
      %max3A_490 = arith.maxsi %max3A_480, %max3A_484 : vector<16xi32>
      %min3A_491 = arith.minsi %max3A_480, %max3A_484 : vector<16xi32>
      %max3A_492 = arith.maxsi %max3A_481, %max3A_485 : vector<16xi32>
      %min3A_493 = arith.minsi %max3A_481, %max3A_485 : vector<16xi32>
      %max3A_494 = arith.maxsi %max3A_486, %max3A_490 : vector<16xi32>
      %min3A_495 = arith.minsi %max3A_486, %max3A_490 : vector<16xi32>
      %max3A_496 = arith.maxsi %max3A_488, %max3A_492 : vector<16xi32>
      %min3A_497 = arith.minsi %max3A_488, %max3A_492 : vector<16xi32>
      %max3A_498 = arith.maxsi %min3A_487, %min3A_491 : vector<16xi32>
      %min3A_499 = arith.minsi %min3A_487, %min3A_491 : vector<16xi32>
      %max3A_500 = arith.maxsi %min3A_489, %min3A_493 : vector<16xi32>
      %min3A_501 = arith.minsi %min3A_489, %min3A_493 : vector<16xi32>
      %max3A_502 = arith.maxsi %max3A_494, %max3A_496 : vector<16xi32>
      %min3A_503 = arith.minsi %max3A_494, %max3A_496 : vector<16xi32>
      %max3A_504 = arith.maxsi %min3A_495, %min3A_497 : vector<16xi32>
      %min3A_505 = arith.minsi %min3A_495, %min3A_497 : vector<16xi32>
      %max3A_506 = arith.maxsi %max3A_498, %max3A_500 : vector<16xi32>
      %min3A_507 = arith.minsi %max3A_498, %max3A_500 : vector<16xi32>
      %max3A_508 = arith.maxsi %min3A_499, %min3A_501 : vector<16xi32>
      %min3A_509 = arith.minsi %min3A_499, %min3A_501 : vector<16xi32>
      %get3A_510 = arith.constant 1 : i32
      %get3A_511 = arith.constant 32 : i32
      %get3A_512 = arith.index_cast %get3A_510 : i32 to index
      %get3A_513 = arith.index_cast %get3A_511 : i32 to index
      %get3A_514 = arith.index_cast %mul3A_70 : i32 to index
      %get3A_515 = tpu.vector_load %arg5[%get3A_512, %get3A_513, %get3A_514] {strides = array<i32>} : memref<2x64x512xi32, #tpu.memory_space<vmem>>, vector<1x1x16xi32>,
      %get3A_516 = vector.shape_cast %get3A_515 : vector<1x1x16xi32> to vector<16xi32>
      %get3A_517 = arith.constant 1 : i32
      %get3A_518 = arith.constant 33 : i32
      %get3A_519 = arith.index_cast %get3A_517 : i32 to index
      %get3A_520 = arith.index_cast %get3A_518 : i32 to index
      %get3A_521 = arith.index_cast %mul3A_70 : i32 to index
      %get3A_522 = tpu.vector_load %arg5[%get3A_519, %get3A_520, %get3A_521] {strides = array<i32>} : memref<2x64x512xi32, #tpu.memory_space<vmem>>, vector<1x1x16xi32>,
      %get3A_523 = vector.shape_cast %get3A_522 : vector<1x1x16xi32> to vector<16xi32>
      %get3A_524 = arith.constant 1 : i32
      %get3A_525 = arith.constant 34 : i32
      %get3A_526 = arith.index_cast %get3A_524 : i32 to index
      %get3A_527 = arith.index_cast %get3A_525 : i32 to index
      %get3A_528 = arith.index_cast %mul3A_70 : i32 to index
      %get3A_529 = tpu.vector_load %arg5[%get3A_526, %get3A_527, %get3A_528] {strides = array<i32>} : memref<2x64x512xi32, #tpu.memory_space<vmem>>, vector<1x1x16xi32>,
      %get3A_530 = vector.shape_cast %get3A_529 : vector<1x1x16xi32> to vector<16xi32>
      %get3A_531 = arith.constant 1 : i32
      %get3A_532 = arith.constant 35 : i32
      %get3A_533 = arith.index_cast %get3A_531 : i32 to index
      %get3A_534 = arith.index_cast %get3A_532 : i32 to index
      %get3A_535 = arith.index_cast %mul3A_70 : i32 to index
      %get3A_536 = tpu.vector_load %arg5[%get3A_533, %get3A_534, %get3A_535] {strides = array<i32>} : memref<2x64x512xi32, #tpu.memory_space<vmem>>, vector<1x1x16xi32>,
      %get3A_537 = vector.shape_cast %get3A_536 : vector<1x1x16xi32> to vector<16xi32>
      %get3A_538 = arith.constant 1 : i32
      %get3A_539 = arith.constant 36 : i32
      %get3A_540 = arith.index_cast %get3A_538 : i32 to index
      %get3A_541 = arith.index_cast %get3A_539 : i32 to index
      %get3A_542 = arith.index_cast %mul3A_70 : i32 to index
      %get3A_543 = tpu.vector_load %arg5[%get3A_540, %get3A_541, %get3A_542] {strides = array<i32>} : memref<2x64x512xi32, #tpu.memory_space<vmem>>, vector<1x1x16xi32>,
      %get3A_544 = vector.shape_cast %get3A_543 : vector<1x1x16xi32> to vector<16xi32>
      %get3A_545 = arith.constant 1 : i32
      %get3A_546 = arith.constant 37 : i32
      %get3A_547 = arith.index_cast %get3A_545 : i32 to index
      %get3A_548 = arith.index_cast %get3A_546 : i32 to index
      %get3A_549 = arith.index_cast %mul3A_70 : i32 to index
      %get3A_550 = tpu.vector_load %arg5[%get3A_547, %get3A_548, %get3A_549] {strides = array<i32>} : memref<2x64x512xi32, #tpu.memory_space<vmem>>, vector<1x1x16xi32>,
      %get3A_551 = vector.shape_cast %get3A_550 : vector<1x1x16xi32> to vector<16xi32>
      %get3A_552 = arith.constant 1 : i32
      %get3A_553 = arith.constant 38 : i32
      %get3A_554 = arith.index_cast %get3A_552 : i32 to index
      %get3A_555 = arith.index_cast %get3A_553 : i32 to index
      %get3A_556 = arith.index_cast %mul3A_70 : i32 to index
      %get3A_557 = tpu.vector_load %arg5[%get3A_554, %get3A_555, %get3A_556] {strides = array<i32>} : memref<2x64x512xi32, #tpu.memory_space<vmem>>, vector<1x1x16xi32>,
      %get3A_558 = vector.shape_cast %get3A_557 : vector<1x1x16xi32> to vector<16xi32>
      %get3A_559 = arith.constant 1 : i32
      %get3A_560 = arith.constant 39 : i32
      %get3A_561 = arith.index_cast %get3A_559 : i32 to index
      %get3A_562 = arith.index_cast %get3A_560 : i32 to index
      %get3A_563 = arith.index_cast %mul3A_70 : i32 to index
      %get3A_564 = tpu.vector_load %arg5[%get3A_561, %get3A_562, %get3A_563] {strides = array<i32>} : memref<2x64x512xi32, #tpu.memory_space<vmem>>, vector<1x1x16xi32>,
      %get3A_565 = vector.shape_cast %get3A_564 : vector<1x1x16xi32> to vector<16xi32>
      %get3A_566 = arith.constant 1 : i32
      %get3A_567 = arith.constant 40 : i32
      %get3A_568 = arith.index_cast %get3A_566 : i32 to index
      %get3A_569 = arith.index_cast %get3A_567 : i32 to index
      %get3A_570 = arith.index_cast %mul3A_70 : i32 to index
      %get3A_571 = tpu.vector_load %arg5[%get3A_568, %get3A_569, %get3A_570] {strides = array<i32>} : memref<2x64x512xi32, #tpu.memory_space<vmem>>, vector<1x1x16xi32>,
      %get3A_572 = vector.shape_cast %get3A_571 : vector<1x1x16xi32> to vector<16xi32>
      %get3A_573 = arith.constant 1 : i32
      %get3A_574 = arith.constant 41 : i32
      %get3A_575 = arith.index_cast %get3A_573 : i32 to index
      %get3A_576 = arith.index_cast %get3A_574 : i32 to index
      %get3A_577 = arith.index_cast %mul3A_70 : i32 to index
      %get3A_578 = tpu.vector_load %arg5[%get3A_575, %get3A_576, %get3A_577] {strides = array<i32>} : memref<2x64x512xi32, #tpu.memory_space<vmem>>, vector<1x1x16xi32>,
      %get3A_579 = vector.shape_cast %get3A_578 : vector<1x1x16xi32> to vector<16xi32>
      %get3A_580 = arith.constant 1 : i32
      %get3A_581 = arith.constant 42 : i32
      %get3A_582 = arith.index_cast %get3A_580 : i32 to index
      %get3A_583 = arith.index_cast %get3A_581 : i32 to index
      %get3A_584 = arith.index_cast %mul3A_70 : i32 to index
      %get3A_585 = tpu.vector_load %arg5[%get3A_582, %get3A_583, %get3A_584] {strides = array<i32>} : memref<2x64x512xi32, #tpu.memory_space<vmem>>, vector<1x1x16xi32>,
      %get3A_586 = vector.shape_cast %get3A_585 : vector<1x1x16xi32> to vector<16xi32>
      %get3A_587 = arith.constant 1 : i32
      %get3A_588 = arith.constant 43 : i32
      %get3A_589 = arith.index_cast %get3A_587 : i32 to index
      %get3A_590 = arith.index_cast %get3A_588 : i32 to index
      %get3A_591 = arith.index_cast %mul3A_70 : i32 to index
      %get3A_592 = tpu.vector_load %arg5[%get3A_589, %get3A_590, %get3A_591] {strides = array<i32>} : memref<2x64x512xi32, #tpu.memory_space<vmem>>, vector<1x1x16xi32>,
      %get3A_593 = vector.shape_cast %get3A_592 : vector<1x1x16xi32> to vector<16xi32>
      %get3A_594 = arith.constant 1 : i32
      %get3A_595 = arith.constant 44 : i32
      %get3A_596 = arith.index_cast %get3A_594 : i32 to index
      %get3A_597 = arith.index_cast %get3A_595 : i32 to index
      %get3A_598 = arith.index_cast %mul3A_70 : i32 to index
      %get3A_599 = tpu.vector_load %arg5[%get3A_596, %get3A_597, %get3A_598] {strides = array<i32>} : memref<2x64x512xi32, #tpu.memory_space<vmem>>, vector<1x1x16xi32>,
      %get3A_600 = vector.shape_cast %get3A_599 : vector<1x1x16xi32> to vector<16xi32>
      %get3A_601 = arith.constant 1 : i32
      %get3A_602 = arith.constant 45 : i32
      %get3A_603 = arith.index_cast %get3A_601 : i32 to index
      %get3A_604 = arith.index_cast %get3A_602 : i32 to index
      %get3A_605 = arith.index_cast %mul3A_70 : i32 to index
      %get3A_606 = tpu.vector_load %arg5[%get3A_603, %get3A_604, %get3A_605] {strides = array<i32>} : memref<2x64x512xi32, #tpu.memory_space<vmem>>, vector<1x1x16xi32>,
      %get3A_607 = vector.shape_cast %get3A_606 : vector<1x1x16xi32> to vector<16xi32>
      %get3A_608 = arith.constant 1 : i32
      %get3A_609 = arith.constant 46 : i32
      %get3A_610 = arith.index_cast %get3A_608 : i32 to index
      %get3A_611 = arith.index_cast %get3A_609 : i32 to index
      %get3A_612 = arith.index_cast %mul3A_70 : i32 to index
      %get3A_613 = tpu.vector_load %arg5[%get3A_610, %get3A_611, %get3A_612] {strides = array<i32>} : memref<2x64x512xi32, #tpu.memory_space<vmem>>, vector<1x1x16xi32>,
      %get3A_614 = vector.shape_cast %get3A_613 : vector<1x1x16xi32> to vector<16xi32>
      %get3A_615 = arith.constant 1 : i32
      %get3A_616 = arith.constant 47 : i32
      %get3A_617 = arith.index_cast %get3A_615 : i32 to index
      %get3A_618 = arith.index_cast %get3A_616 : i32 to index
      %get3A_619 = arith.index_cast %mul3A_70 : i32 to index
      %get3A_620 = tpu.vector_load %arg5[%get3A_617, %get3A_618, %get3A_619] {strides = array<i32>} : memref<2x64x512xi32, #tpu.memory_space<vmem>>, vector<1x1x16xi32>,
      %get3A_621 = vector.shape_cast %get3A_620 : vector<1x1x16xi32> to vector<16xi32>
      %max3A_622 = arith.maxsi %get3A_516, %get3A_523 : vector<16xi32>
      %min3A_623 = arith.minsi %get3A_516, %get3A_523 : vector<16xi32>
      %max3A_624 = arith.maxsi %get3A_530, %get3A_537 : vector<16xi32>
      %min3A_625 = arith.minsi %get3A_530, %get3A_537 : vector<16xi32>
      %max3A_626 = arith.maxsi %get3A_544, %get3A_551 : vector<16xi32>
      %min3A_627 = arith.minsi %get3A_544, %get3A_551 : vector<16xi32>
      %max3A_628 = arith.maxsi %get3A_558, %get3A_565 : vector<16xi32>
      %min3A_629 = arith.minsi %get3A_558, %get3A_565 : vector<16xi32>
      %max3A_630 = arith.maxsi %get3A_572, %get3A_579 : vector<16xi32>
      %min3A_631 = arith.minsi %get3A_572, %get3A_579 : vector<16xi32>
      %max3A_632 = arith.maxsi %get3A_586, %get3A_593 : vector<16xi32>
      %min3A_633 = arith.minsi %get3A_586, %get3A_593 : vector<16xi32>
      %max3A_634 = arith.maxsi %get3A_600, %get3A_607 : vector<16xi32>
      %min3A_635 = arith.minsi %get3A_600, %get3A_607 : vector<16xi32>
      %max3A_636 = arith.maxsi %get3A_614, %get3A_621 : vector<16xi32>
      %min3A_637 = arith.minsi %get3A_614, %get3A_621 : vector<16xi32>
      %max3A_638 = arith.maxsi %max3A_622, %max3A_624 : vector<16xi32>
      %min3A_639 = arith.minsi %max3A_622, %max3A_624 : vector<16xi32>
      %max3A_640 = arith.maxsi %min3A_623, %min3A_625 : vector<16xi32>
      %min3A_641 = arith.minsi %min3A_623, %min3A_625 : vector<16xi32>
      %max3A_642 = arith.maxsi %min3A_639, %max3A_640 : vector<16xi32>
      %min3A_643 = arith.minsi %min3A_639, %max3A_640 : vector<16xi32>
      %max3A_644 = arith.maxsi %max3A_626, %max3A_628 : vector<16xi32>
      %min3A_645 = arith.minsi %max3A_626, %max3A_628 : vector<16xi32>
      %max3A_646 = arith.maxsi %min3A_627, %min3A_629 : vector<16xi32>
      %min3A_647 = arith.minsi %min3A_627, %min3A_629 : vector<16xi32>
      %max3A_648 = arith.maxsi %min3A_645, %max3A_646 : vector<16xi32>
      %min3A_649 = arith.minsi %min3A_645, %max3A_646 : vector<16xi32>
      %max3A_650 = arith.maxsi %max3A_630, %max3A_632 : vector<16xi32>
      %min3A_651 = arith.minsi %max3A_630, %max3A_632 : vector<16xi32>
      %max3A_652 = arith.maxsi %min3A_631, %min3A_633 : vector<16xi32>
      %min3A_653 = arith.minsi %min3A_631, %min3A_633 : vector<16xi32>
      %max3A_654 = arith.maxsi %min3A_651, %max3A_652 : vector<16xi32>
      %min3A_655 = arith.minsi %min3A_651, %max3A_652 : vector<16xi32>
      %max3A_656 = arith.maxsi %max3A_634, %max3A_636 : vector<16xi32>
      %min3A_657 = arith.minsi %max3A_634, %max3A_636 : vector<16xi32>
      %max3A_658 = arith.maxsi %min3A_635, %min3A_637 : vector<16xi32>
      %min3A_659 = arith.minsi %min3A_635, %min3A_637 : vector<16xi32>
      %max3A_660 = arith.maxsi %min3A_657, %max3A_658 : vector<16xi32>
      %min3A_661 = arith.minsi %min3A_657, %max3A_658 : vector<16xi32>
      %max3A_662 = arith.maxsi %max3A_638, %max3A_644 : vector<16xi32>
      %min3A_663 = arith.minsi %max3A_638, %max3A_644 : vector<16xi32>
      %max3A_664 = arith.maxsi %min3A_643, %min3A_649 : vector<16xi32>
      %min3A_665 = arith.minsi %min3A_643, %min3A_649 : vector<16xi32>
      %max3A_666 = arith.maxsi %min3A_663, %max3A_664 : vector<16xi32>
      %min3A_667 = arith.minsi %min3A_663, %max3A_664 : vector<16xi32>
      %max3A_668 = arith.maxsi %max3A_642, %max3A_648 : vector<16xi32>
      %min3A_669 = arith.minsi %max3A_642, %max3A_648 : vector<16xi32>
      %max3A_670 = arith.maxsi %min3A_641, %min3A_647 : vector<16xi32>
      %min3A_671 = arith.minsi %min3A_641, %min3A_647 : vector<16xi32>
      %max3A_672 = arith.maxsi %min3A_669, %max3A_670 : vector<16xi32>
      %min3A_673 = arith.minsi %min3A_669, %max3A_670 : vector<16xi32>
      %max3A_674 = arith.maxsi %max3A_668, %max3A_666 : vector<16xi32>
      %min3A_675 = arith.minsi %max3A_668, %max3A_666 : vector<16xi32>
      %max3A_676 = arith.maxsi %max3A_672, %min3A_667 : vector<16xi32>
      %min3A_677 = arith.minsi %max3A_672, %min3A_667 : vector<16xi32>
      %max3A_678 = arith.maxsi %min3A_673, %min3A_665 : vector<16xi32>
      %min3A_679 = arith.minsi %min3A_673, %min3A_665 : vector<16xi32>
      %max3A_680 = arith.maxsi %max3A_650, %max3A_656 : vector<16xi32>
      %min3A_681 = arith.minsi %max3A_650, %max3A_656 : vector<16xi32>
      %max3A_682 = arith.maxsi %min3A_655, %min3A_661 : vector<16xi32>
      %min3A_683 = arith.minsi %min3A_655, %min3A_661 : vector<16xi32>
      %max3A_684 = arith.maxsi %min3A_681, %max3A_682 : vector<16xi32>
      %min3A_685 = arith.minsi %min3A_681, %max3A_682 : vector<16xi32>
      %max3A_686 = arith.maxsi %max3A_654, %max3A_660 : vector<16xi32>
      %min3A_687 = arith.minsi %max3A_654, %max3A_660 : vector<16xi32>
      %max3A_688 = arith.maxsi %min3A_653, %min3A_659 : vector<16xi32>
      %min3A_689 = arith.minsi %min3A_653, %min3A_659 : vector<16xi32>
      %max3A_690 = arith.maxsi %min3A_687, %max3A_688 : vector<16xi32>
      %min3A_691 = arith.minsi %min3A_687, %max3A_688 : vector<16xi32>
      %max3A_692 = arith.maxsi %max3A_686, %max3A_684 : vector<16xi32>
      %min3A_693 = arith.minsi %max3A_686, %max3A_684 : vector<16xi32>
      %max3A_694 = arith.maxsi %max3A_690, %min3A_685 : vector<16xi32>
      %min3A_695 = arith.minsi %max3A_690, %min3A_685 : vector<16xi32>
      %max3A_696 = arith.maxsi %min3A_691, %min3A_683 : vector<16xi32>
      %min3A_697 = arith.minsi %min3A_691, %min3A_683 : vector<16xi32>
      %max3A_698 = arith.maxsi %max3A_662, %min3A_689 : vector<16xi32>
      %max3A_699 = arith.maxsi %max3A_674, %min3A_697 : vector<16xi32>
      %max3A_700 = arith.maxsi %min3A_675, %max3A_696 : vector<16xi32>
      %max3A_701 = arith.maxsi %max3A_676, %min3A_695 : vector<16xi32>
      %max3A_702 = arith.maxsi %min3A_677, %max3A_694 : vector<16xi32>
      %max3A_703 = arith.maxsi %max3A_678, %min3A_693 : vector<16xi32>
      %max3A_704 = arith.maxsi %min3A_679, %max3A_692 : vector<16xi32>
      %max3A_705 = arith.maxsi %min3A_671, %max3A_680 : vector<16xi32>
      %max3A_706 = arith.maxsi %max3A_698, %max3A_702 : vector<16xi32>
      %min3A_707 = arith.minsi %max3A_698, %max3A_702 : vector<16xi32>
      %max3A_708 = arith.maxsi %max3A_699, %max3A_703 : vector<16xi32>
      %min3A_709 = arith.minsi %max3A_699, %max3A_703 : vector<16xi32>
      %max3A_710 = arith.maxsi %max3A_700, %max3A_704 : vector<16xi32>
      %min3A_711 = arith.minsi %max3A_700, %max3A_704 : vector<16xi32>
      %max3A_712 = arith.maxsi %max3A_701, %max3A_705 : vector<16xi32>
      %min3A_713 = arith.minsi %max3A_701, %max3A_705 : vector<16xi32>
      %max3A_714 = arith.maxsi %max3A_706, %max3A_710 : vector<16xi32>
      %min3A_715 = arith.minsi %max3A_706, %max3A_710 : vector<16xi32>
      %max3A_716 = arith.maxsi %max3A_708, %max3A_712 : vector<16xi32>
      %min3A_717 = arith.minsi %max3A_708, %max3A_712 : vector<16xi32>
      %max3A_718 = arith.maxsi %min3A_707, %min3A_711 : vector<16xi32>
      %min3A_719 = arith.minsi %min3A_707, %min3A_711 : vector<16xi32>
      %max3A_720 = arith.maxsi %min3A_709, %min3A_713 : vector<16xi32>
      %min3A_721 = arith.minsi %min3A_709, %min3A_713 : vector<16xi32>
      %max3A_722 = arith.maxsi %max3A_714, %max3A_716 : vector<16xi32>
      %min3A_723 = arith.minsi %max3A_714, %max3A_716 : vector<16xi32>
      %max3A_724 = arith.maxsi %min3A_715, %min3A_717 : vector<16xi32>
      %min3A_725 = arith.minsi %min3A_715, %min3A_717 : vector<16xi32>
      %max3A_726 = arith.maxsi %max3A_718, %max3A_720 : vector<16xi32>
      %min3A_727 = arith.minsi %max3A_718, %max3A_720 : vector<16xi32>
      %max3A_728 = arith.maxsi %min3A_719, %min3A_721 : vector<16xi32>
      %min3A_729 = arith.minsi %min3A_719, %min3A_721 : vector<16xi32>
      %get3A_730 = arith.constant 1 : i32
      %get3A_731 = arith.constant 48 : i32
      %get3A_732 = arith.index_cast %get3A_730 : i32 to index
      %get3A_733 = arith.index_cast %get3A_731 : i32 to index
      %get3A_734 = arith.index_cast %mul3A_70 : i32 to index
      %get3A_735 = tpu.vector_load %arg5[%get3A_732, %get3A_733, %get3A_734] {strides = array<i32>} : memref<2x64x512xi32, #tpu.memory_space<vmem>>, vector<1x1x16xi32>,
      %get3A_736 = vector.shape_cast %get3A_735 : vector<1x1x16xi32> to vector<16xi32>
      %get3A_737 = arith.constant 1 : i32
      %get3A_738 = arith.constant 49 : i32
      %get3A_739 = arith.index_cast %get3A_737 : i32 to index
      %get3A_740 = arith.index_cast %get3A_738 : i32 to index
      %get3A_741 = arith.index_cast %mul3A_70 : i32 to index
      %get3A_742 = tpu.vector_load %arg5[%get3A_739, %get3A_740, %get3A_741] {strides = array<i32>} : memref<2x64x512xi32, #tpu.memory_space<vmem>>, vector<1x1x16xi32>,
      %get3A_743 = vector.shape_cast %get3A_742 : vector<1x1x16xi32> to vector<16xi32>
      %get3A_744 = arith.constant 1 : i32
      %get3A_745 = arith.constant 50 : i32
      %get3A_746 = arith.index_cast %get3A_744 : i32 to index
      %get3A_747 = arith.index_cast %get3A_745 : i32 to index
      %get3A_748 = arith.index_cast %mul3A_70 : i32 to index
      %get3A_749 = tpu.vector_load %arg5[%get3A_746, %get3A_747, %get3A_748] {strides = array<i32>} : memref<2x64x512xi32, #tpu.memory_space<vmem>>, vector<1x1x16xi32>,
      %get3A_750 = vector.shape_cast %get3A_749 : vector<1x1x16xi32> to vector<16xi32>
      %get3A_751 = arith.constant 1 : i32
      %get3A_752 = arith.constant 51 : i32
      %get3A_753 = arith.index_cast %get3A_751 : i32 to index
      %get3A_754 = arith.index_cast %get3A_752 : i32 to index
      %get3A_755 = arith.index_cast %mul3A_70 : i32 to index
      %get3A_756 = tpu.vector_load %arg5[%get3A_753, %get3A_754, %get3A_755] {strides = array<i32>} : memref<2x64x512xi32, #tpu.memory_space<vmem>>, vector<1x1x16xi32>,
      %get3A_757 = vector.shape_cast %get3A_756 : vector<1x1x16xi32> to vector<16xi32>
      %get3A_758 = arith.constant 1 : i32
      %get3A_759 = arith.constant 52 : i32
      %get3A_760 = arith.index_cast %get3A_758 : i32 to index
      %get3A_761 = arith.index_cast %get3A_759 : i32 to index
      %get3A_762 = arith.index_cast %mul3A_70 : i32 to index
      %get3A_763 = tpu.vector_load %arg5[%get3A_760, %get3A_761, %get3A_762] {strides = array<i32>} : memref<2x64x512xi32, #tpu.memory_space<vmem>>, vector<1x1x16xi32>,
      %get3A_764 = vector.shape_cast %get3A_763 : vector<1x1x16xi32> to vector<16xi32>
      %get3A_765 = arith.constant 1 : i32
      %get3A_766 = arith.constant 53 : i32
      %get3A_767 = arith.index_cast %get3A_765 : i32 to index
      %get3A_768 = arith.index_cast %get3A_766 : i32 to index
      %get3A_769 = arith.index_cast %mul3A_70 : i32 to index
      %get3A_770 = tpu.vector_load %arg5[%get3A_767, %get3A_768, %get3A_769] {strides = array<i32>} : memref<2x64x512xi32, #tpu.memory_space<vmem>>, vector<1x1x16xi32>,
      %get3A_771 = vector.shape_cast %get3A_770 : vector<1x1x16xi32> to vector<16xi32>
      %get3A_772 = arith.constant 1 : i32
      %get3A_773 = arith.constant 54 : i32
      %get3A_774 = arith.index_cast %get3A_772 : i32 to index
      %get3A_775 = arith.index_cast %get3A_773 : i32 to index
      %get3A_776 = arith.index_cast %mul3A_70 : i32 to index
      %get3A_777 = tpu.vector_load %arg5[%get3A_774, %get3A_775, %get3A_776] {strides = array<i32>} : memref<2x64x512xi32, #tpu.memory_space<vmem>>, vector<1x1x16xi32>,
      %get3A_778 = vector.shape_cast %get3A_777 : vector<1x1x16xi32> to vector<16xi32>
      %get3A_779 = arith.constant 1 : i32
      %get3A_780 = arith.constant 55 : i32
      %get3A_781 = arith.index_cast %get3A_779 : i32 to index
      %get3A_782 = arith.index_cast %get3A_780 : i32 to index
      %get3A_783 = arith.index_cast %mul3A_70 : i32 to index
      %get3A_784 = tpu.vector_load %arg5[%get3A_781, %get3A_782, %get3A_783] {strides = array<i32>} : memref<2x64x512xi32, #tpu.memory_space<vmem>>, vector<1x1x16xi32>,
      %get3A_785 = vector.shape_cast %get3A_784 : vector<1x1x16xi32> to vector<16xi32>
      %get3A_786 = arith.constant 1 : i32
      %get3A_787 = arith.constant 56 : i32
      %get3A_788 = arith.index_cast %get3A_786 : i32 to index
      %get3A_789 = arith.index_cast %get3A_787 : i32 to index
      %get3A_790 = arith.index_cast %mul3A_70 : i32 to index
      %get3A_791 = tpu.vector_load %arg5[%get3A_788, %get3A_789, %get3A_790] {strides = array<i32>} : memref<2x64x512xi32, #tpu.memory_space<vmem>>, vector<1x1x16xi32>,
      %get3A_792 = vector.shape_cast %get3A_791 : vector<1x1x16xi32> to vector<16xi32>
      %get3A_793 = arith.constant 1 : i32
      %get3A_794 = arith.constant 57 : i32
      %get3A_795 = arith.index_cast %get3A_793 : i32 to index
      %get3A_796 = arith.index_cast %get3A_794 : i32 to index
      %get3A_797 = arith.index_cast %mul3A_70 : i32 to index
      %get3A_798 = tpu.vector_load %arg5[%get3A_795, %get3A_796, %get3A_797] {strides = array<i32>} : memref<2x64x512xi32, #tpu.memory_space<vmem>>, vector<1x1x16xi32>,
      %get3A_799 = vector.shape_cast %get3A_798 : vector<1x1x16xi32> to vector<16xi32>
      %get3A_800 = arith.constant 1 : i32
      %get3A_801 = arith.constant 58 : i32
      %get3A_802 = arith.index_cast %get3A_800 : i32 to index
      %get3A_803 = arith.index_cast %get3A_801 : i32 to index
      %get3A_804 = arith.index_cast %mul3A_70 : i32 to index
      %get3A_805 = tpu.vector_load %arg5[%get3A_802, %get3A_803, %get3A_804] {strides = array<i32>} : memref<2x64x512xi32, #tpu.memory_space<vmem>>, vector<1x1x16xi32>,
      %get3A_806 = vector.shape_cast %get3A_805 : vector<1x1x16xi32> to vector<16xi32>
      %get3A_807 = arith.constant 1 : i32
      %get3A_808 = arith.constant 59 : i32
      %get3A_809 = arith.index_cast %get3A_807 : i32 to index
      %get3A_810 = arith.index_cast %get3A_808 : i32 to index
      %get3A_811 = arith.index_cast %mul3A_70 : i32 to index
      %get3A_812 = tpu.vector_load %arg5[%get3A_809, %get3A_810, %get3A_811] {strides = array<i32>} : memref<2x64x512xi32, #tpu.memory_space<vmem>>, vector<1x1x16xi32>,
      %get3A_813 = vector.shape_cast %get3A_812 : vector<1x1x16xi32> to vector<16xi32>
      %get3A_814 = arith.constant 1 : i32
      %get3A_815 = arith.constant 60 : i32
      %get3A_816 = arith.index_cast %get3A_814 : i32 to index
      %get3A_817 = arith.index_cast %get3A_815 : i32 to index
      %get3A_818 = arith.index_cast %mul3A_70 : i32 to index
      %get3A_819 = tpu.vector_load %arg5[%get3A_816, %get3A_817, %get3A_818] {strides = array<i32>} : memref<2x64x512xi32, #tpu.memory_space<vmem>>, vector<1x1x16xi32>,
      %get3A_820 = vector.shape_cast %get3A_819 : vector<1x1x16xi32> to vector<16xi32>
      %get3A_821 = arith.constant 1 : i32
      %get3A_822 = arith.constant 61 : i32
      %get3A_823 = arith.index_cast %get3A_821 : i32 to index
      %get3A_824 = arith.index_cast %get3A_822 : i32 to index
      %get3A_825 = arith.index_cast %mul3A_70 : i32 to index
      %get3A_826 = tpu.vector_load %arg5[%get3A_823, %get3A_824, %get3A_825] {strides = array<i32>} : memref<2x64x512xi32, #tpu.memory_space<vmem>>, vector<1x1x16xi32>,
      %get3A_827 = vector.shape_cast %get3A_826 : vector<1x1x16xi32> to vector<16xi32>
      %get3A_828 = arith.constant 1 : i32
      %get3A_829 = arith.constant 62 : i32
      %get3A_830 = arith.index_cast %get3A_828 : i32 to index
      %get3A_831 = arith.index_cast %get3A_829 : i32 to index
      %get3A_832 = arith.index_cast %mul3A_70 : i32 to index
      %get3A_833 = tpu.vector_load %arg5[%get3A_830, %get3A_831, %get3A_832] {strides = array<i32>} : memref<2x64x512xi32, #tpu.memory_space<vmem>>, vector<1x1x16xi32>,
      %get3A_834 = vector.shape_cast %get3A_833 : vector<1x1x16xi32> to vector<16xi32>
      %get3A_835 = arith.constant 1 : i32
      %get3A_836 = arith.constant 63 : i32
      %get3A_837 = arith.index_cast %get3A_835 : i32 to index
      %get3A_838 = arith.index_cast %get3A_836 : i32 to index
      %get3A_839 = arith.index_cast %mul3A_70 : i32 to index
      %get3A_840 = tpu.vector_load %arg5[%get3A_837, %get3A_838, %get3A_839] {strides = array<i32>} : memref<2x64x512xi32, #tpu.memory_space<vmem>>, vector<1x1x16xi32>,
      %get3A_841 = vector.shape_cast %get3A_840 : vector<1x1x16xi32> to vector<16xi32>
      %max3A_842 = arith.maxsi %get3A_736, %get3A_743 : vector<16xi32>
      %min3A_843 = arith.minsi %get3A_736, %get3A_743 : vector<16xi32>
      %max3A_844 = arith.maxsi %get3A_750, %get3A_757 : vector<16xi32>
      %min3A_845 = arith.minsi %get3A_750, %get3A_757 : vector<16xi32>
      %max3A_846 = arith.maxsi %get3A_764, %get3A_771 : vector<16xi32>
      %min3A_847 = arith.minsi %get3A_764, %get3A_771 : vector<16xi32>
      %max3A_848 = arith.maxsi %get3A_778, %get3A_785 : vector<16xi32>
      %min3A_849 = arith.minsi %get3A_778, %get3A_785 : vector<16xi32>
      %max3A_850 = arith.maxsi %get3A_792, %get3A_799 : vector<16xi32>
      %min3A_851 = arith.minsi %get3A_792, %get3A_799 : vector<16xi32>
      %max3A_852 = arith.maxsi %get3A_806, %get3A_813 : vector<16xi32>
      %min3A_853 = arith.minsi %get3A_806, %get3A_813 : vector<16xi32>
      %max3A_854 = arith.maxsi %get3A_820, %get3A_827 : vector<16xi32>
      %min3A_855 = arith.minsi %get3A_820, %get3A_827 : vector<16xi32>
      %max3A_856 = arith.maxsi %get3A_834, %get3A_841 : vector<16xi32>
      %min3A_857 = arith.minsi %get3A_834, %get3A_841 : vector<16xi32>
      %max3A_858 = arith.maxsi %max3A_842, %max3A_844 : vector<16xi32>
      %min3A_859 = arith.minsi %max3A_842, %max3A_844 : vector<16xi32>
      %max3A_860 = arith.maxsi %min3A_843, %min3A_845 : vector<16xi32>
      %min3A_861 = arith.minsi %min3A_843, %min3A_845 : vector<16xi32>
      %max3A_862 = arith.maxsi %min3A_859, %max3A_860 : vector<16xi32>
      %min3A_863 = arith.minsi %min3A_859, %max3A_860 : vector<16xi32>
      %max3A_864 = arith.maxsi %max3A_846, %max3A_848 : vector<16xi32>
      %min3A_865 = arith.minsi %max3A_846, %max3A_848 : vector<16xi32>
      %max3A_866 = arith.maxsi %min3A_847, %min3A_849 : vector<16xi32>
      %min3A_867 = arith.minsi %min3A_847, %min3A_849 : vector<16xi32>
      %max3A_868 = arith.maxsi %min3A_865, %max3A_866 : vector<16xi32>
      %min3A_869 = arith.minsi %min3A_865, %max3A_866 : vector<16xi32>
      %max3A_870 = arith.maxsi %max3A_850, %max3A_852 : vector<16xi32>
      %min3A_871 = arith.minsi %max3A_850, %max3A_852 : vector<16xi32>
      %max3A_872 = arith.maxsi %min3A_851, %min3A_853 : vector<16xi32>
      %min3A_873 = arith.minsi %min3A_851, %min3A_853 : vector<16xi32>
      %max3A_874 = arith.maxsi %min3A_871, %max3A_872 : vector<16xi32>
      %min3A_875 = arith.minsi %min3A_871, %max3A_872 : vector<16xi32>
      %max3A_876 = arith.maxsi %max3A_854, %max3A_856 : vector<16xi32>
      %min3A_877 = arith.minsi %max3A_854, %max3A_856 : vector<16xi32>
      %max3A_878 = arith.maxsi %min3A_855, %min3A_857 : vector<16xi32>
      %min3A_879 = arith.minsi %min3A_855, %min3A_857 : vector<16xi32>
      %max3A_880 = arith.maxsi %min3A_877, %max3A_878 : vector<16xi32>
      %min3A_881 = arith.minsi %min3A_877, %max3A_878 : vector<16xi32>
      %max3A_882 = arith.maxsi %max3A_858, %max3A_864 : vector<16xi32>
      %min3A_883 = arith.minsi %max3A_858, %max3A_864 : vector<16xi32>
      %max3A_884 = arith.maxsi %min3A_863, %min3A_869 : vector<16xi32>
      %min3A_885 = arith.minsi %min3A_863, %min3A_869 : vector<16xi32>
      %max3A_886 = arith.maxsi %min3A_883, %max3A_884 : vector<16xi32>
      %min3A_887 = arith.minsi %min3A_883, %max3A_884 : vector<16xi32>
      %max3A_888 = arith.maxsi %max3A_862, %max3A_868 : vector<16xi32>
      %min3A_889 = arith.minsi %max3A_862, %max3A_868 : vector<16xi32>
      %max3A_890 = arith.maxsi %min3A_861, %min3A_867 : vector<16xi32>
      %min3A_891 = arith.minsi %min3A_861, %min3A_867 : vector<16xi32>
      %max3A_892 = arith.maxsi %min3A_889, %max3A_890 : vector<16xi32>
      %min3A_893 = arith.minsi %min3A_889, %max3A_890 : vector<16xi32>
      %max3A_894 = arith.maxsi %max3A_888, %max3A_886 : vector<16xi32>
      %min3A_895 = arith.minsi %max3A_888, %max3A_886 : vector<16xi32>
      %max3A_896 = arith.maxsi %max3A_892, %min3A_887 : vector<16xi32>
      %min3A_897 = arith.minsi %max3A_892, %min3A_887 : vector<16xi32>
      %max3A_898 = arith.maxsi %min3A_893, %min3A_885 : vector<16xi32>
      %min3A_899 = arith.minsi %min3A_893, %min3A_885 : vector<16xi32>
      %max3A_900 = arith.maxsi %max3A_870, %max3A_876 : vector<16xi32>
      %min3A_901 = arith.minsi %max3A_870, %max3A_876 : vector<16xi32>
      %max3A_902 = arith.maxsi %min3A_875, %min3A_881 : vector<16xi32>
      %min3A_903 = arith.minsi %min3A_875, %min3A_881 : vector<16xi32>
      %max3A_904 = arith.maxsi %min3A_901, %max3A_902 : vector<16xi32>
      %min3A_905 = arith.minsi %min3A_901, %max3A_902 : vector<16xi32>
      %max3A_906 = arith.maxsi %max3A_874, %max3A_880 : vector<16xi32>
      %min3A_907 = arith.minsi %max3A_874, %max3A_880 : vector<16xi32>
      %max3A_908 = arith.maxsi %min3A_873, %min3A_879 : vector<16xi32>
      %min3A_909 = arith.minsi %min3A_873, %min3A_879 : vector<16xi32>
      %max3A_910 = arith.maxsi %min3A_907, %max3A_908 : vector<16xi32>
      %min3A_911 = arith.minsi %min3A_907, %max3A_908 : vector<16xi32>
      %max3A_912 = arith.maxsi %max3A_906, %max3A_904 : vector<16xi32>
      %min3A_913 = arith.minsi %max3A_906, %max3A_904 : vector<16xi32>
      %max3A_914 = arith.maxsi %max3A_910, %min3A_905 : vector<16xi32>
      %min3A_915 = arith.minsi %max3A_910, %min3A_905 : vector<16xi32>
      %max3A_916 = arith.maxsi %min3A_911, %min3A_903 : vector<16xi32>
      %min3A_917 = arith.minsi %min3A_911, %min3A_903 : vector<16xi32>
      %max3A_918 = arith.maxsi %max3A_882, %min3A_909 : vector<16xi32>
      %max3A_919 = arith.maxsi %max3A_894, %min3A_917 : vector<16xi32>
      %max3A_920 = arith.maxsi %min3A_895, %max3A_916 : vector<16xi32>
      %max3A_921 = arith.maxsi %max3A_896, %min3A_915 : vector<16xi32>
      %max3A_922 = arith.maxsi %min3A_897, %max3A_914 : vector<16xi32>
      %max3A_923 = arith.maxsi %max3A_898, %min3A_913 : vector<16xi32>
      %max3A_924 = arith.maxsi %min3A_899, %max3A_912 : vector<16xi32>
      %max3A_925 = arith.maxsi %min3A_891, %max3A_900 : vector<16xi32>
      %max3A_926 = arith.maxsi %max3A_918, %max3A_922 : vector<16xi32>
      %min3A_927 = arith.minsi %max3A_918, %max3A_922 : vector<16xi32>
      %max3A_928 = arith.maxsi %max3A_919, %max3A_923 : vector<16xi32>
      %min3A_929 = arith.minsi %max3A_919, %max3A_923 : vector<16xi32>
      %max3A_930 = arith.maxsi %max3A_920, %max3A_924 : vector<16xi32>
      %min3A_931 = arith.minsi %max3A_920, %max3A_924 : vector<16xi32>
      %max3A_932 = arith.maxsi %max3A_921, %max3A_925 : vector<16xi32>
      %min3A_933 = arith.minsi %max3A_921, %max3A_925 : vector<16xi32>
      %max3A_934 = arith.maxsi %max3A_926, %max3A_930 : vector<16xi32>
      %min3A_935 = arith.minsi %max3A_926, %max3A_930 : vector<16xi32>
      %max3A_936 = arith.maxsi %max3A_928, %max3A_932 : vector<16xi32>
      %min3A_937 = arith.minsi %max3A_928, %max3A_932 : vector<16xi32>
      %max3A_938 = arith.maxsi %min3A_927, %min3A_931 : vector<16xi32>
      %min3A_939 = arith.minsi %min3A_927, %min3A_931 : vector<16xi32>
      %max3A_940 = arith.maxsi %min3A_929, %min3A_933 : vector<16xi32>
      %min3A_941 = arith.minsi %min3A_929, %min3A_933 : vector<16xi32>
      %max3A_942 = arith.maxsi %max3A_934, %max3A_936 : vector<16xi32>
      %min3A_943 = arith.minsi %max3A_934, %max3A_936 : vector<16xi32>
      %max3A_944 = arith.maxsi %min3A_935, %min3A_937 : vector<16xi32>
      %min3A_945 = arith.minsi %min3A_935, %min3A_937 : vector<16xi32>
      %max3A_946 = arith.maxsi %max3A_938, %max3A_940 : vector<16xi32>
      %min3A_947 = arith.minsi %max3A_938, %max3A_940 : vector<16xi32>
      %max3A_948 = arith.maxsi %min3A_939, %min3A_941 : vector<16xi32>
      %min3A_949 = arith.minsi %min3A_939, %min3A_941 : vector<16xi32>
      %max3A_950 = arith.maxsi %max3A_282, %min3A_509 : vector<16xi32>
      %max3A_951 = arith.maxsi %min3A_283, %max3A_508 : vector<16xi32>
      %max3A_952 = arith.maxsi %max3A_284, %min3A_507 : vector<16xi32>
      %max3A_953 = arith.maxsi %min3A_285, %max3A_506 : vector<16xi32>
      %max3A_954 = arith.maxsi %max3A_286, %min3A_505 : vector<16xi32>
      %max3A_955 = arith.maxsi %min3A_287, %max3A_504 : vector<16xi32>
      %max3A_956 = arith.maxsi %max3A_288, %min3A_503 : vector<16xi32>
      %max3A_957 = arith.maxsi %min3A_289, %max3A_502 : vector<16xi32>
      %max3A_958 = arith.maxsi %max3A_950, %max3A_954 : vector<16xi32>
      %min3A_959 = arith.minsi %max3A_950, %max3A_954 : vector<16xi32>
      %max3A_960 = arith.maxsi %max3A_951, %max3A_955 : vector<16xi32>
      %min3A_961 = arith.minsi %max3A_951, %max3A_955 : vector<16xi32>
      %max3A_962 = arith.maxsi %max3A_952, %max3A_956 : vector<16xi32>
      %min3A_963 = arith.minsi %max3A_952, %max3A_956 : vector<16xi32>
      %max3A_964 = arith.maxsi %max3A_953, %max3A_957 : vector<16xi32>
      %min3A_965 = arith.minsi %max3A_953, %max3A_957 : vector<16xi32>
      %max3A_966 = arith.maxsi %max3A_958, %max3A_962 : vector<16xi32>
      %min3A_967 = arith.minsi %max3A_958, %max3A_962 : vector<16xi32>
      %max3A_968 = arith.maxsi %max3A_960, %max3A_964 : vector<16xi32>
      %min3A_969 = arith.minsi %max3A_960, %max3A_964 : vector<16xi32>
      %max3A_970 = arith.maxsi %min3A_959, %min3A_963 : vector<16xi32>
      %min3A_971 = arith.minsi %min3A_959, %min3A_963 : vector<16xi32>
      %max3A_972 = arith.maxsi %min3A_961, %min3A_965 : vector<16xi32>
      %min3A_973 = arith.minsi %min3A_961, %min3A_965 : vector<16xi32>
      %max3A_974 = arith.maxsi %max3A_966, %max3A_968 : vector<16xi32>
      %min3A_975 = arith.minsi %max3A_966, %max3A_968 : vector<16xi32>
      %max3A_976 = arith.maxsi %min3A_967, %min3A_969 : vector<16xi32>
      %min3A_977 = arith.minsi %min3A_967, %min3A_969 : vector<16xi32>
      %max3A_978 = arith.maxsi %max3A_970, %max3A_972 : vector<16xi32>
      %min3A_979 = arith.minsi %max3A_970, %max3A_972 : vector<16xi32>
      %max3A_980 = arith.maxsi %min3A_971, %min3A_973 : vector<16xi32>
      %min3A_981 = arith.minsi %min3A_971, %min3A_973 : vector<16xi32>
      %max3A_982 = arith.maxsi %max3A_722, %min3A_949 : vector<16xi32>
      %max3A_983 = arith.maxsi %min3A_723, %max3A_948 : vector<16xi32>
      %max3A_984 = arith.maxsi %max3A_724, %min3A_947 : vector<16xi32>
      %max3A_985 = arith.maxsi %min3A_725, %max3A_946 : vector<16xi32>
      %max3A_986 = arith.maxsi %max3A_726, %min3A_945 : vector<16xi32>
      %max3A_987 = arith.maxsi %min3A_727, %max3A_944 : vector<16xi32>
      %max3A_988 = arith.maxsi %max3A_728, %min3A_943 : vector<16xi32>
      %max3A_989 = arith.maxsi %min3A_729, %max3A_942 : vector<16xi32>
      %max3A_990 = arith.maxsi %max3A_982, %max3A_986 : vector<16xi32>
      %min3A_991 = arith.minsi %max3A_982, %max3A_986 : vector<16xi32>
      %max3A_992 = arith.maxsi %max3A_983, %max3A_987 : vector<16xi32>
      %min3A_993 = arith.minsi %max3A_983, %max3A_987 : vector<16xi32>
      %max3A_994 = arith.maxsi %max3A_984, %max3A_988 : vector<16xi32>
      %min3A_995 = arith.minsi %max3A_984, %max3A_988 : vector<16xi32>
      %max3A_996 = arith.maxsi %max3A_985, %max3A_989 : vector<16xi32>
      %min3A_997 = arith.minsi %max3A_985, %max3A_989 : vector<16xi32>
      %max3A_998 = arith.maxsi %max3A_990, %max3A_994 : vector<16xi32>
      %min3A_999 = arith.minsi %max3A_990, %max3A_994 : vector<16xi32>
      %max3A_1000 = arith.maxsi %max3A_992, %max3A_996 : vector<16xi32>
      %min3A_1001 = arith.minsi %max3A_992, %max3A_996 : vector<16xi32>
      %max3A_1002 = arith.maxsi %min3A_991, %min3A_995 : vector<16xi32>
      %min3A_1003 = arith.minsi %min3A_991, %min3A_995 : vector<16xi32>
      %max3A_1004 = arith.maxsi %min3A_993, %min3A_997 : vector<16xi32>
      %min3A_1005 = arith.minsi %min3A_993, %min3A_997 : vector<16xi32>
      %max3A_1006 = arith.maxsi %max3A_998, %max3A_1000 : vector<16xi32>
      %min3A_1007 = arith.minsi %max3A_998, %max3A_1000 : vector<16xi32>
      %max3A_1008 = arith.maxsi %min3A_999, %min3A_1001 : vector<16xi32>
      %min3A_1009 = arith.minsi %min3A_999, %min3A_1001 : vector<16xi32>
      %max3A_1010 = arith.maxsi %max3A_1002, %max3A_1004 : vector<16xi32>
      %min3A_1011 = arith.minsi %max3A_1002, %max3A_1004 : vector<16xi32>
      %max3A_1012 = arith.maxsi %min3A_1003, %min3A_1005 : vector<16xi32>
      %min3A_1013 = arith.minsi %min3A_1003, %min3A_1005 : vector<16xi32>
      %max3A_1014 = arith.maxsi %max3A_974, %min3A_1013 : vector<16xi32>
      %max3A_1015 = arith.maxsi %min3A_975, %max3A_1012 : vector<16xi32>
      %max3A_1016 = arith.maxsi %max3A_976, %min3A_1011 : vector<16xi32>
      %max3A_1017 = arith.maxsi %min3A_977, %max3A_1010 : vector<16xi32>
      %max3A_1018 = arith.maxsi %max3A_978, %min3A_1009 : vector<16xi32>
      %max3A_1019 = arith.maxsi %min3A_979, %max3A_1008 : vector<16xi32>
      %max3A_1020 = arith.maxsi %max3A_980, %min3A_1007 : vector<16xi32>
      %max3A_1021 = arith.maxsi %min3A_981, %max3A_1006 : vector<16xi32>
      %max3A_1022 = arith.maxsi %max3A_1014, %max3A_1018 : vector<16xi32>
      %min3A_1023 = arith.minsi %max3A_1014, %max3A_1018 : vector<16xi32>
      %max3A_1024 = arith.maxsi %max3A_1015, %max3A_1019 : vector<16xi32>
      %min3A_1025 = arith.minsi %max3A_1015, %max3A_1019 : vector<16xi32>
      %max3A_1026 = arith.maxsi %max3A_1016, %max3A_1020 : vector<16xi32>
      %min3A_1027 = arith.minsi %max3A_1016, %max3A_1020 : vector<16xi32>
      %max3A_1028 = arith.maxsi %max3A_1017, %max3A_1021 : vector<16xi32>
      %min3A_1029 = arith.minsi %max3A_1017, %max3A_1021 : vector<16xi32>
      %max3A_1030 = arith.maxsi %max3A_1022, %max3A_1026 : vector<16xi32>
      %min3A_1031 = arith.minsi %max3A_1022, %max3A_1026 : vector<16xi32>
      %max3A_1032 = arith.maxsi %max3A_1024, %max3A_1028 : vector<16xi32>
      %min3A_1033 = arith.minsi %max3A_1024, %max3A_1028 : vector<16xi32>
      %max3A_1034 = arith.maxsi %min3A_1023, %min3A_1027 : vector<16xi32>
      %min3A_1035 = arith.minsi %min3A_1023, %min3A_1027 : vector<16xi32>
      %max3A_1036 = arith.maxsi %min3A_1025, %min3A_1029 : vector<16xi32>
      %min3A_1037 = arith.minsi %min3A_1025, %min3A_1029 : vector<16xi32>
      %max3A_1038 = arith.maxsi %max3A_1030, %max3A_1032 : vector<16xi32>
      %min3A_1039 = arith.minsi %max3A_1030, %max3A_1032 : vector<16xi32>
      %max3A_1040 = arith.maxsi %min3A_1031, %min3A_1033 : vector<16xi32>
      %min3A_1041 = arith.minsi %min3A_1031, %min3A_1033 : vector<16xi32>
      %max3A_1042 = arith.maxsi %max3A_1034, %max3A_1036 : vector<16xi32>
      %min3A_1043 = arith.minsi %max3A_1034, %max3A_1036 : vector<16xi32>
      %max3A_1044 = arith.maxsi %min3A_1035, %min3A_1037 : vector<16xi32>
      %min3A_1045 = arith.minsi %min3A_1035, %min3A_1037 : vector<16xi32>
      %and3A = arith.constant 63 : i32
      %and3A_1046 = vector.broadcast %and3A : i32 to vector<16xi32>
      %and3A_1047 = arith.andi %max3A_1038, %and3A_1046 : vector<16xi32>
      %sub3A = arith.constant 63 : i32
      %sub3A_1048 = vector.broadcast %sub3A : i32 to vector<16xi32>
      %sub3A_1049 = arith.subi %sub3A_1048, %and3A_1047 : vector<16xi32>
      %swap3A = arith.constant 0 : i32
      %swap3A_1050 = arith.index_cast %swap3A : i32 to index
      %swap3A_1051 = arith.index_cast %add3A_72 : i32 to index
      %swap3A_1052 = tpu.vector_load %arg6[%swap3A_1050, %swap3A_1051] {strides = array<i32>} : memref<8x1024xi32, #tpu.memory_space<vmem>>, vector<1x16xi32>,
      %swap3A_1053 = vector.shape_cast %swap3A_1052 : vector<1x16xi32> to vector<16xi32>
      %swap3A_1054 = vector.shape_cast %sub3A_1049 : vector<16xi32> to vector<1x16xi32>
      tpu.vector_store %arg6[%swap3A_1050, %swap3A_1051], %swap3A_1054 {strides = array<i32>} : memref<8x1024xi32, #tpu.memory_space<vmem>>, vector<1x16xi32>,
      %and3A_1055 = arith.constant -64 : i32
      %and3A_1056 = vector.broadcast %and3A_1055 : i32 to vector<16xi32>
      %and3A_1057 = arith.andi %max3A_1038, %and3A_1056 : vector<16xi32>
      %shift_right_arithmetic3A = arith.constant 31 : i32
      %shift_right_arithmetic3A_1058 = vector.broadcast %shift_right_arithmetic3A : i32 to vector<16xi32>
      %shift_right_arithmetic3A_1059 = arith.shrsi %and3A_1057, %shift_right_arithmetic3A_1058 : vector<16xi32>
      %and3A_1060 = arith.constant 2147483647 : i32
      %and3A_1061 = vector.broadcast %and3A_1060 : i32 to vector<16xi32>
      %and3A_1062 = arith.andi %shift_right_arithmetic3A_1059, %and3A_1061 : vector<16xi32>
      %xor3A = arith.xori %and3A_1057, %and3A_1062 : vector<16xi32>
      %bitcast_convert_type3A = tpu.bitcast %xor3A : vector<16xi32> -> vector<16xf32>
      %and3A_1063 = arith.constant 63 : i32
      %and3A_1064 = vector.broadcast %and3A_1063 : i32 to vector<16xi32>
      %and3A_1065 = arith.andi %min3A_1039, %and3A_1064 : vector<16xi32>
      %sub3A_1066 = arith.constant 63 : i32
      %sub3A_1067 = vector.broadcast %sub3A_1066 : i32 to vector<16xi32>
      %sub3A_1068 = arith.subi %sub3A_1067, %and3A_1065 : vector<16xi32>
      %swap3A_1069 = arith.constant 1 : i32
      %swap3A_1070 = arith.index_cast %swap3A_1069 : i32 to index
      %swap3A_1071 = arith.index_cast %add3A_72 : i32 to index
      %swap3A_1072 = tpu.vector_load %arg6[%swap3A_1070, %swap3A_1071] {strides = array<i32>} : memref<8x1024xi32, #tpu.memory_space<vmem>>, vector<1x16xi32>,
      %swap3A_1073 = vector.shape_cast %swap3A_1072 : vector<1x16xi32> to vector<16xi32>
      %swap3A_1074 = vector.shape_cast %sub3A_1068 : vector<16xi32> to vector<1x16xi32>
      tpu.vector_store %arg6[%swap3A_1070, %swap3A_1071], %swap3A_1074 {strides = array<i32>} : memref<8x1024xi32, #tpu.memory_space<vmem>>, vector<1x16xi32>,
      %and3A_1075 = arith.constant -64 : i32
      %and3A_1076 = vector.broadcast %and3A_1075 : i32 to vector<16xi32>
      %and3A_1077 = arith.andi %min3A_1039, %and3A_1076 : vector<16xi32>
      %shift_right_arithmetic3A_1078 = arith.constant 31 : i32
      %shift_right_arithmetic3A_1079 = vector.broadcast %shift_right_arithmetic3A_1078 : i32 to vector<16xi32>
      %shift_right_arithmetic3A_1080 = arith.shrsi %and3A_1077, %shift_right_arithmetic3A_1079 : vector<16xi32>
      %and3A_1081 = arith.constant 2147483647 : i32
      %and3A_1082 = vector.broadcast %and3A_1081 : i32 to vector<16xi32>
      %and3A_1083 = arith.andi %shift_right_arithmetic3A_1080, %and3A_1082 : vector<16xi32>
      %xor3A_1084 = arith.xori %and3A_1077, %and3A_1083 : vector<16xi32>
      %bitcast_convert_type3A_1085 = tpu.bitcast %xor3A_1084 : vector<16xi32> -> vector<16xf32>
      %and3A_1086 = arith.constant 63 : i32
      %and3A_1087 = vector.broadcast %and3A_1086 : i32 to vector<16xi32>
      %and3A_1088 = arith.andi %max3A_1040, %and3A_1087 : vector<16xi32>
      %sub3A_1089 = arith.constant 63 : i32
      %sub3A_1090 = vector.broadcast %sub3A_1089 : i32 to vector<16xi32>
      %sub3A_1091 = arith.subi %sub3A_1090, %and3A_1088 : vector<16xi32>
      %swap3A_1092 = arith.constant 2 : i32
      %swap3A_1093 = arith.index_cast %swap3A_1092 : i32 to index
      %swap3A_1094 = arith.index_cast %add3A_72 : i32 to index
      %swap3A_1095 = tpu.vector_load %arg6[%swap3A_1093, %swap3A_1094] {strides = array<i32>} : memref<8x1024xi32, #tpu.memory_space<vmem>>, vector<1x16xi32>,
      %swap3A_1096 = vector.shape_cast %swap3A_1095 : vector<1x16xi32> to vector<16xi32>
      %swap3A_1097 = vector.shape_cast %sub3A_1091 : vector<16xi32> to vector<1x16xi32>
      tpu.vector_store %arg6[%swap3A_1093, %swap3A_1094], %swap3A_1097 {strides = array<i32>} : memref<8x1024xi32, #tpu.memory_space<vmem>>, vector<1x16xi32>,
      %and3A_1098 = arith.constant -64 : i32
      %and3A_1099 = vector.broadcast %and3A_1098 : i32 to vector<16xi32>
      %and3A_1100 = arith.andi %max3A_1040, %and3A_1099 : vector<16xi32>
      %shift_right_arithmetic3A_1101 = arith.constant 31 : i32
      %shift_right_arithmetic3A_1102 = vector.broadcast %shift_right_arithmetic3A_1101 : i32 to vector<16xi32>
      %shift_right_arithmetic3A_1103 = arith.shrsi %and3A_1100, %shift_right_arithmetic3A_1102 : vector<16xi32>
      %and3A_1104 = arith.constant 2147483647 : i32
      %and3A_1105 = vector.broadcast %and3A_1104 : i32 to vector<16xi32>
      %and3A_1106 = arith.andi %shift_right_arithmetic3A_1103, %and3A_1105 : vector<16xi32>
      %xor3A_1107 = arith.xori %and3A_1100, %and3A_1106 : vector<16xi32>
      %bitcast_convert_type3A_1108 = tpu.bitcast %xor3A_1107 : vector<16xi32> -> vector<16xf32>
      %and3A_1109 = arith.constant 63 : i32
      %and3A_1110 = vector.broadcast %and3A_1109 : i32 to vector<16xi32>
      %and3A_1111 = arith.andi %min3A_1041, %and3A_1110 : vector<16xi32>
      %sub3A_1112 = arith.constant 63 : i32
      %sub3A_1113 = vector.broadcast %sub3A_1112 : i32 to vector<16xi32>
      %sub3A_1114 = arith.subi %sub3A_1113, %and3A_1111 : vector<16xi32>
      %swap3A_1115 = arith.constant 3 : i32
      %swap3A_1116 = arith.index_cast %swap3A_1115 : i32 to index
      %swap3A_1117 = arith.index_cast %add3A_72 : i32 to index
      %swap3A_1118 = tpu.vector_load %arg6[%swap3A_1116, %swap3A_1117] {strides = array<i32>} : memref<8x1024xi32, #tpu.memory_space<vmem>>, vector<1x16xi32>,
      %swap3A_1119 = vector.shape_cast %swap3A_1118 : vector<1x16xi32> to vector<16xi32>
      %swap3A_1120 = vector.shape_cast %sub3A_1114 : vector<16xi32> to vector<1x16xi32>
      tpu.vector_store %arg6[%swap3A_1116, %swap3A_1117], %swap3A_1120 {strides = array<i32>} : memref<8x1024xi32, #tpu.memory_space<vmem>>, vector<1x16xi32>,
      %and3A_1121 = arith.constant -64 : i32
      %and3A_1122 = vector.broadcast %and3A_1121 : i32 to vector<16xi32>
      %and3A_1123 = arith.andi %min3A_1041, %and3A_1122 : vector<16xi32>
      %shift_right_arithmetic3A_1124 = arith.constant 31 : i32
      %shift_right_arithmetic3A_1125 = vector.broadcast %shift_right_arithmetic3A_1124 : i32 to vector<16xi32>
      %shift_right_arithmetic3A_1126 = arith.shrsi %and3A_1123, %shift_right_arithmetic3A_1125 : vector<16xi32>
      %and3A_1127 = arith.constant 2147483647 : i32
      %and3A_1128 = vector.broadcast %and3A_1127 : i32 to vector<16xi32>
      %and3A_1129 = arith.andi %shift_right_arithmetic3A_1126, %and3A_1128 : vector<16xi32>
      %xor3A_1130 = arith.xori %and3A_1123, %and3A_1129 : vector<16xi32>
      %bitcast_convert_type3A_1131 = tpu.bitcast %xor3A_1130 : vector<16xi32> -> vector<16xf32>
      %and3A_1132 = arith.constant 63 : i32
      %and3A_1133 = vector.broadcast %and3A_1132 : i32 to vector<16xi32>
      %and3A_1134 = arith.andi %max3A_1042, %and3A_1133 : vector<16xi32>
      %sub3A_1135 = arith.constant 63 : i32
      %sub3A_1136 = vector.broadcast %sub3A_1135 : i32 to vector<16xi32>
      %sub3A_1137 = arith.subi %sub3A_1136, %and3A_1134 : vector<16xi32>
      %swap3A_1138 = arith.constant 4 : i32
      %swap3A_1139 = arith.index_cast %swap3A_1138 : i32 to index
      %swap3A_1140 = arith.index_cast %add3A_72 : i32 to index
      %swap3A_1141 = tpu.vector_load %arg6[%swap3A_1139, %swap3A_1140] {strides = array<i32>} : memref<8x1024xi32, #tpu.memory_space<vmem>>, vector<1x16xi32>,
      %swap3A_1142 = vector.shape_cast %swap3A_1141 : vector<1x16xi32> to vector<16xi32>
      %swap3A_1143 = vector.shape_cast %sub3A_1137 : vector<16xi32> to vector<1x16xi32>
      tpu.vector_store %arg6[%swap3A_1139, %swap3A_1140], %swap3A_1143 {strides = array<i32>} : memref<8x1024xi32, #tpu.memory_space<vmem>>, vector<1x16xi32>,
      %and3A_1144 = arith.constant -64 : i32
      %and3A_1145 = vector.broadcast %and3A_1144 : i32 to vector<16xi32>
      %and3A_1146 = arith.andi %max3A_1042, %and3A_1145 : vector<16xi32>
      %shift_right_arithmetic3A_1147 = arith.constant 31 : i32
      %shift_right_arithmetic3A_1148 = vector.broadcast %shift_right_arithmetic3A_1147 : i32 to vector<16xi32>
      %shift_right_arithmetic3A_1149 = arith.shrsi %and3A_1146, %shift_right_arithmetic3A_1148 : vector<16xi32>
      %and3A_1150 = arith.constant 2147483647 : i32
      %and3A_1151 = vector.broadcast %and3A_1150 : i32 to vector<16xi32>
      %and3A_1152 = arith.andi %shift_right_arithmetic3A_1149, %and3A_1151 : vector<16xi32>
      %xor3A_1153 = arith.xori %and3A_1146, %and3A_1152 : vector<16xi32>
      %bitcast_convert_type3A_1154 = tpu.bitcast %xor3A_1153 : vector<16xi32> -> vector<16xf32>
      %and3A_1155 = arith.constant 63 : i32
      %and3A_1156 = vector.broadcast %and3A_1155 : i32 to vector<16xi32>
      %and3A_1157 = arith.andi %min3A_1043, %and3A_1156 : vector<16xi32>
      %sub3A_1158 = arith.constant 63 : i32
      %sub3A_1159 = vector.broadcast %sub3A_1158 : i32 to vector<16xi32>
      %sub3A_1160 = arith.subi %sub3A_1159, %and3A_1157 : vector<16xi32>
      %swap3A_1161 = arith.constant 5 : i32
      %swap3A_1162 = arith.index_cast %swap3A_1161 : i32 to index
      %swap3A_1163 = arith.index_cast %add3A_72 : i32 to index
      %swap3A_1164 = tpu.vector_load %arg6[%swap3A_1162, %swap3A_1163] {strides = array<i32>} : memref<8x1024xi32, #tpu.memory_space<vmem>>, vector<1x16xi32>,
      %swap3A_1165 = vector.shape_cast %swap3A_1164 : vector<1x16xi32> to vector<16xi32>
      %swap3A_1166 = vector.shape_cast %sub3A_1160 : vector<16xi32> to vector<1x16xi32>
      tpu.vector_store %arg6[%swap3A_1162, %swap3A_1163], %swap3A_1166 {strides = array<i32>} : memref<8x1024xi32, #tpu.memory_space<vmem>>, vector<1x16xi32>,
      %and3A_1167 = arith.constant -64 : i32
      %and3A_1168 = vector.broadcast %and3A_1167 : i32 to vector<16xi32>
      %and3A_1169 = arith.andi %min3A_1043, %and3A_1168 : vector<16xi32>
      %shift_right_arithmetic3A_1170 = arith.constant 31 : i32
      %shift_right_arithmetic3A_1171 = vector.broadcast %shift_right_arithmetic3A_1170 : i32 to vector<16xi32>
      %shift_right_arithmetic3A_1172 = arith.shrsi %and3A_1169, %shift_right_arithmetic3A_1171 : vector<16xi32>
      %and3A_1173 = arith.constant 2147483647 : i32
      %and3A_1174 = vector.broadcast %and3A_1173 : i32 to vector<16xi32>
      %and3A_1175 = arith.andi %shift_right_arithmetic3A_1172, %and3A_1174 : vector<16xi32>
      %xor3A_1176 = arith.xori %and3A_1169, %and3A_1175 : vector<16xi32>
      %bitcast_convert_type3A_1177 = tpu.bitcast %xor3A_1176 : vector<16xi32> -> vector<16xf32>
      %and3A_1178 = arith.constant 63 : i32
      %and3A_1179 = vector.broadcast %and3A_1178 : i32 to vector<16xi32>
      %and3A_1180 = arith.andi %max3A_1044, %and3A_1179 : vector<16xi32>
      %sub3A_1181 = arith.constant 63 : i32
      %sub3A_1182 = vector.broadcast %sub3A_1181 : i32 to vector<16xi32>
      %sub3A_1183 = arith.subi %sub3A_1182, %and3A_1180 : vector<16xi32>
      %swap3A_1184 = arith.constant 6 : i32
      %swap3A_1185 = arith.index_cast %swap3A_1184 : i32 to index
      %swap3A_1186 = arith.index_cast %add3A_72 : i32 to index
      %swap3A_1187 = tpu.vector_load %arg6[%swap3A_1185, %swap3A_1186] {strides = array<i32>} : memref<8x1024xi32, #tpu.memory_space<vmem>>, vector<1x16xi32>,
      %swap3A_1188 = vector.shape_cast %swap3A_1187 : vector<1x16xi32> to vector<16xi32>
      %swap3A_1189 = vector.shape_cast %sub3A_1183 : vector<16xi32> to vector<1x16xi32>
      tpu.vector_store %arg6[%swap3A_1185, %swap3A_1186], %swap3A_1189 {strides = array<i32>} : memref<8x1024xi32, #tpu.memory_space<vmem>>, vector<1x16xi32>,
      %and3A_1190 = arith.constant -64 : i32
      %and3A_1191 = vector.broadcast %and3A_1190 : i32 to vector<16xi32>
      %and3A_1192 = arith.andi %max3A_1044, %and3A_1191 : vector<16xi32>
      %shift_right_arithmetic3A_1193 = arith.constant 31 : i32
      %shift_right_arithmetic3A_1194 = vector.broadcast %shift_right_arithmetic3A_1193 : i32 to vector<16xi32>
      %shift_right_arithmetic3A_1195 = arith.shrsi %and3A_1192, %shift_right_arithmetic3A_1194 : vector<16xi32>
      %and3A_1196 = arith.constant 2147483647 : i32
      %and3A_1197 = vector.broadcast %and3A_1196 : i32 to vector<16xi32>
      %and3A_1198 = arith.andi %shift_right_arithmetic3A_1195, %and3A_1197 : vector<16xi32>
      %xor3A_1199 = arith.xori %and3A_1192, %and3A_1198 : vector<16xi32>
      %bitcast_convert_type3A_1200 = tpu.bitcast %xor3A_1199 : vector<16xi32> -> vector<16xf32>
      %and3A_1201 = arith.constant 63 : i32
      %and3A_1202 = vector.broadcast %and3A_1201 : i32 to vector<16xi32>
      %and3A_1203 = arith.andi %min3A_1045, %and3A_1202 : vector<16xi32>
      %sub3A_1204 = arith.constant 63 : i32
      %sub3A_1205 = vector.broadcast %sub3A_1204 : i32 to vector<16xi32>
      %sub3A_1206 = arith.subi %sub3A_1205, %and3A_1203 : vector<16xi32>
      %swap3A_1207 = arith.constant 7 : i32
      %swap3A_1208 = arith.index_cast %swap3A_1207 : i32 to index
      %swap3A_1209 = arith.index_cast %add3A_72 : i32 to index
      %swap3A_1210 = tpu.vector_load %arg6[%swap3A_1208, %swap3A_1209] {strides = array<i32>} : memref<8x1024xi32, #tpu.memory_space<vmem>>, vector<1x16xi32>,
      %swap3A_1211 = vector.shape_cast %swap3A_1210 : vector<1x16xi32> to vector<16xi32>
      %swap3A_1212 = vector.shape_cast %sub3A_1206 : vector<16xi32> to vector<1x16xi32>
      tpu.vector_store %arg6[%swap3A_1208, %swap3A_1209], %swap3A_1212 {strides = array<i32>} : memref<8x1024xi32, #tpu.memory_space<vmem>>, vector<1x16xi32>,
      %and3A_1213 = arith.constant -64 : i32
      %and3A_1214 = vector.broadcast %and3A_1213 : i32 to vector<16xi32>
      %and3A_1215 = arith.andi %min3A_1045, %and3A_1214 : vector<16xi32>
      %shift_right_arithmetic3A_1216 = arith.constant 31 : i32
      %shift_right_arithmetic3A_1217 = vector.broadcast %shift_right_arithmetic3A_1216 : i32 to vector<16xi32>
      %shift_right_arithmetic3A_1218 = arith.shrsi %and3A_1215, %shift_right_arithmetic3A_1217 : vector<16xi32>
      %and3A_1219 = arith.constant 2147483647 : i32
      %and3A_1220 = vector.broadcast %and3A_1219 : i32 to vector<16xi32>
      %and3A_1221 = arith.andi %shift_right_arithmetic3A_1218, %and3A_1220 : vector<16xi32>
      %xor3A_1222 = arith.xori %and3A_1215, %and3A_1221 : vector<16xi32>
      %bitcast_convert_type3A_1223 = tpu.bitcast %xor3A_1222 : vector<16xi32> -> vector<16xf32>
      %sub3A_1224 = arith.subf %bitcast_convert_type3A, %bitcast_convert_type3A : vector<16xf32>
      %exp3A = math.exp %sub3A_1224 : vector<16xf32>
      %sub3A_1225 = arith.subf %bitcast_convert_type3A_1085, %bitcast_convert_type3A : vector<16xf32>
      %exp3A_1226 = math.exp %sub3A_1225 : vector<16xf32>
      %sub3A_1227 = arith.subf %bitcast_convert_type3A_1108, %bitcast_convert_type3A : vector<16xf32>
      %exp3A_1228 = math.exp %sub3A_1227 : vector<16xf32>
      %sub3A_1229 = arith.subf %bitcast_convert_type3A_1131, %bitcast_convert_type3A : vector<16xf32>
      %exp3A_1230 = math.exp %sub3A_1229 : vector<16xf32>
      %sub3A_1231 = arith.subf %bitcast_convert_type3A_1154, %bitcast_convert_type3A : vector<16xf32>
      %exp3A_1232 = math.exp %sub3A_1231 : vector<16xf32>
      %sub3A_1233 = arith.subf %bitcast_convert_type3A_1177, %bitcast_convert_type3A : vector<16xf32>
      %exp3A_1234 = math.exp %sub3A_1233 : vector<16xf32>
      %sub3A_1235 = arith.subf %bitcast_convert_type3A_1200, %bitcast_convert_type3A : vector<16xf32>
      %exp3A_1236 = math.exp %sub3A_1235 : vector<16xf32>
      %sub3A_1237 = arith.subf %bitcast_convert_type3A_1223, %bitcast_convert_type3A : vector<16xf32>
      %exp3A_1238 = math.exp %sub3A_1237 : vector<16xf32>
      %add3A_1239 = arith.addf %exp3A, %exp3A_1226 : vector<16xf32>
      %add3A_1240 = arith.addf %add3A_1239, %exp3A_1228 : vector<16xf32>
      %add3A_1241 = arith.addf %add3A_1240, %exp3A_1230 : vector<16xf32>
      %add3A_1242 = arith.addf %add3A_1241, %exp3A_1232 : vector<16xf32>
      %add3A_1243 = arith.addf %add3A_1242, %exp3A_1234 : vector<16xf32>
      %add3A_1244 = arith.addf %add3A_1243, %exp3A_1236 : vector<16xf32>
      %add3A_1245 = arith.addf %add3A_1244, %exp3A_1238 : vector<16xf32>
      %div3A = arith.divf %exp3A, %add3A_1245 : vector<16xf32>
      %swap3A_1246 = arith.constant 0 : i32
      %swap3A_1247 = arith.index_cast %swap3A_1246 : i32 to index
      %swap3A_1248 = arith.index_cast %add3A_72 : i32 to index
      %swap3A_1249 = tpu.vector_load %arg7[%swap3A_1247, %swap3A_1248] {strides = array<i32>} : memref<8x1024xf32, #tpu.memory_space<vmem>>, vector<1x16xf32>,
      %swap3A_1250 = vector.shape_cast %swap3A_1249 : vector<1x16xf32> to vector<16xf32>
      %swap3A_1251 = vector.shape_cast %div3A : vector<16xf32> to vector<1x16xf32>
      tpu.vector_store %arg7[%swap3A_1247, %swap3A_1248], %swap3A_1251 {strides = array<i32>} : memref<8x1024xf32, #tpu.memory_space<vmem>>, vector<1x16xf32>,
      %div3A_1252 = arith.divf %exp3A_1226, %add3A_1245 : vector<16xf32>
      %swap3A_1253 = arith.constant 1 : i32
      %swap3A_1254 = arith.index_cast %swap3A_1253 : i32 to index
      %swap3A_1255 = arith.index_cast %add3A_72 : i32 to index
      %swap3A_1256 = tpu.vector_load %arg7[%swap3A_1254, %swap3A_1255] {strides = array<i32>} : memref<8x1024xf32, #tpu.memory_space<vmem>>, vector<1x16xf32>,
      %swap3A_1257 = vector.shape_cast %swap3A_1256 : vector<1x16xf32> to vector<16xf32>
      %swap3A_1258 = vector.shape_cast %div3A_1252 : vector<16xf32> to vector<1x16xf32>
      tpu.vector_store %arg7[%swap3A_1254, %swap3A_1255], %swap3A_1258 {strides = array<i32>} : memref<8x1024xf32, #tpu.memory_space<vmem>>, vector<1x16xf32>,
      %div3A_1259 = arith.divf %exp3A_1228, %add3A_1245 : vector<16xf32>
      %swap3A_1260 = arith.constant 2 : i32
      %swap3A_1261 = arith.index_cast %swap3A_1260 : i32 to index
      %swap3A_1262 = arith.index_cast %add3A_72 : i32 to index
      %swap3A_1263 = tpu.vector_load %arg7[%swap3A_1261, %swap3A_1262] {strides = array<i32>} : memref<8x1024xf32, #tpu.memory_space<vmem>>, vector<1x16xf32>,
      %swap3A_1264 = vector.shape_cast %swap3A_1263 : vector<1x16xf32> to vector<16xf32>
      %swap3A_1265 = vector.shape_cast %div3A_1259 : vector<16xf32> to vector<1x16xf32>
      tpu.vector_store %arg7[%swap3A_1261, %swap3A_1262], %swap3A_1265 {strides = array<i32>} : memref<8x1024xf32, #tpu.memory_space<vmem>>, vector<1x16xf32>,
      %div3A_1266 = arith.divf %exp3A_1230, %add3A_1245 : vector<16xf32>
      %swap3A_1267 = arith.constant 3 : i32
      %swap3A_1268 = arith.index_cast %swap3A_1267 : i32 to index
      %swap3A_1269 = arith.index_cast %add3A_72 : i32 to index
      %swap3A_1270 = tpu.vector_load %arg7[%swap3A_1268, %swap3A_1269] {strides = array<i32>} : memref<8x1024xf32, #tpu.memory_space<vmem>>, vector<1x16xf32>,
      %swap3A_1271 = vector.shape_cast %swap3A_1270 : vector<1x16xf32> to vector<16xf32>
      %swap3A_1272 = vector.shape_cast %div3A_1266 : vector<16xf32> to vector<1x16xf32>
      tpu.vector_store %arg7[%swap3A_1268, %swap3A_1269], %swap3A_1272 {strides = array<i32>} : memref<8x1024xf32, #tpu.memory_space<vmem>>, vector<1x16xf32>,
      %div3A_1273 = arith.divf %exp3A_1232, %add3A_1245 : vector<16xf32>
      %swap3A_1274 = arith.constant 4 : i32
      %swap3A_1275 = arith.index_cast %swap3A_1274 : i32 to index
      %swap3A_1276 = arith.index_cast %add3A_72 : i32 to index
      %swap3A_1277 = tpu.vector_load %arg7[%swap3A_1275, %swap3A_1276] {strides = array<i32>} : memref<8x1024xf32, #tpu.memory_space<vmem>>, vector<1x16xf32>,
      %swap3A_1278 = vector.shape_cast %swap3A_1277 : vector<1x16xf32> to vector<16xf32>
      %swap3A_1279 = vector.shape_cast %div3A_1273 : vector<16xf32> to vector<1x16xf32>
      tpu.vector_store %arg7[%swap3A_1275, %swap3A_1276], %swap3A_1279 {strides = array<i32>} : memref<8x1024xf32, #tpu.memory_space<vmem>>, vector<1x16xf32>,
      %div3A_1280 = arith.divf %exp3A_1234, %add3A_1245 : vector<16xf32>
      %swap3A_1281 = arith.constant 5 : i32
      %swap3A_1282 = arith.index_cast %swap3A_1281 : i32 to index
      %swap3A_1283 = arith.index_cast %add3A_72 : i32 to index
      %swap3A_1284 = tpu.vector_load %arg7[%swap3A_1282, %swap3A_1283] {strides = array<i32>} : memref<8x1024xf32, #tpu.memory_space<vmem>>, vector<1x16xf32>,
      %swap3A_1285 = vector.shape_cast %swap3A_1284 : vector<1x16xf32> to vector<16xf32>
      %swap3A_1286 = vector.shape_cast %div3A_1280 : vector<16xf32> to vector<1x16xf32>
      tpu.vector_store %arg7[%swap3A_1282, %swap3A_1283], %swap3A_1286 {strides = array<i32>} : memref<8x1024xf32, #tpu.memory_space<vmem>>, vector<1x16xf32>,
      %div3A_1287 = arith.divf %exp3A_1236, %add3A_1245 : vector<16xf32>
      %swap3A_1288 = arith.constant 6 : i32
      %swap3A_1289 = arith.index_cast %swap3A_1288 : i32 to index
      %swap3A_1290 = arith.index_cast %add3A_72 : i32 to index
      %swap3A_1291 = tpu.vector_load %arg7[%swap3A_1289, %swap3A_1290] {strides = array<i32>} : memref<8x1024xf32, #tpu.memory_space<vmem>>, vector<1x16xf32>,
      %swap3A_1292 = vector.shape_cast %swap3A_1291 : vector<1x16xf32> to vector<16xf32>
      %swap3A_1293 = vector.shape_cast %div3A_1287 : vector<16xf32> to vector<1x16xf32>
      tpu.vector_store %arg7[%swap3A_1289, %swap3A_1290], %swap3A_1293 {strides = array<i32>} : memref<8x1024xf32, #tpu.memory_space<vmem>>, vector<1x16xf32>,
      %div3A_1294 = arith.divf %exp3A_1238, %add3A_1245 : vector<16xf32>
      %swap3A_1295 = arith.constant 7 : i32
      %swap3A_1296 = arith.index_cast %swap3A_1295 : i32 to index
      %swap3A_1297 = arith.index_cast %add3A_72 : i32 to index
      %swap3A_1298 = tpu.vector_load %arg7[%swap3A_1296, %swap3A_1297] {strides = array<i32>} : memref<8x1024xf32, #tpu.memory_space<vmem>>, vector<1x16xf32>,
      %swap3A_1299 = vector.shape_cast %swap3A_1298 : vector<1x16xf32> to vector<16xf32>
      %swap3A_1300 = vector.shape_cast %div3A_1294 : vector<16xf32> to vector<1x16xf32>
      tpu.vector_store %arg7[%swap3A_1296, %swap3A_1297], %swap3A_1300 {strides = array<i32>} : memref<8x1024xf32, #tpu.memory_space<vmem>>, vector<1x16xf32>,
    }
    %scan3A_67 = arith.constant 32 : i32
    "tpu.region"() ({
      %run_scoped3A = tpu.sem_alloc : memref<!tpu.dma_semaphore, #tpu.memory_space<semaphore_mem>>
      %dma_start3A_68 = arith.constant 0 : i32
      %dma_start3A_69 = tpu.memref_slice %arg3[%dma_start3A_68, %mul3A_2] : memref<8x32768xi32, #tpu.memory_space<hbm>> -> memref<8x1024xi32, #tpu.memory_space<hbm>>
      %dma_start3A_70 = arith.constant 0 : i32
      %dma_start3A_71 = tpu.memref_slice %arg3[%dma_start3A_70, %mul3A_2] : memref<8x32768xi32, #tpu.memory_space<hbm>> -> memref<8x1024xi32, #tpu.memory_space<hbm>>
      tpu.enqueue_dma source(%arg6 : memref<8x1024xi32, #tpu.memory_space<vmem>>) target(%dma_start3A_71 : memref<8x1024xi32, #tpu.memory_space<hbm>>) target_semaphore(%run_scoped3A : memref<!tpu.dma_semaphore, #tpu.memory_space<semaphore_mem>>)
      %dma_wait3A_72 = arith.constant 0 : i32
      %dma_wait3A_73 = tpu.memref_slice %arg3[%dma_wait3A_72, %mul3A_2] : memref<8x32768xi32, #tpu.memory_space<hbm>> -> memref<8x1024xi32, #tpu.memory_space<hbm>>
      %dma_wait3A_74 = arith.constant 0 : i32
      %dma_wait3A_75 = tpu.memref_slice %arg3[%dma_wait3A_74, %mul3A_2] : memref<8x32768xi32, #tpu.memory_space<hbm>> -> memref<8x1024xi32, #tpu.memory_space<hbm>>
      tpu.wait_dma2 semaphore(%run_scoped3A : memref<!tpu.dma_semaphore, #tpu.memory_space<semaphore_mem>>) src(%arg6 : memref<8x1024xi32, #tpu.memory_space<vmem>>) dst(%dma_wait3A_75 : memref<8x1024xi32, #tpu.memory_space<hbm>>)
      tpu.yield
    }) : () -> ()
    "tpu.region"() ({
      %run_scoped3A = tpu.sem_alloc : memref<!tpu.dma_semaphore, #tpu.memory_space<semaphore_mem>>
      %dma_start3A_68 = arith.constant 0 : i32
      %dma_start3A_69 = tpu.memref_slice %arg4[%dma_start3A_68, %mul3A_2] : memref<8x32768xf32, #tpu.memory_space<hbm>> -> memref<8x1024xf32, #tpu.memory_space<hbm>>
      %dma_start3A_70 = arith.constant 0 : i32
      %dma_start3A_71 = tpu.memref_slice %arg4[%dma_start3A_70, %mul3A_2] : memref<8x32768xf32, #tpu.memory_space<hbm>> -> memref<8x1024xf32, #tpu.memory_space<hbm>>
      tpu.enqueue_dma source(%arg7 : memref<8x1024xf32, #tpu.memory_space<vmem>>) target(%dma_start3A_71 : memref<8x1024xf32, #tpu.memory_space<hbm>>) target_semaphore(%run_scoped3A : memref<!tpu.dma_semaphore, #tpu.memory_space<semaphore_mem>>)
      %dma_wait3A_72 = arith.constant 0 : i32
      %dma_wait3A_73 = tpu.memref_slice %arg4[%dma_wait3A_72, %mul3A_2] : memref<8x32768xf32, #tpu.memory_space<hbm>> -> memref<8x1024xf32, #tpu.memory_space<hbm>>
      %dma_wait3A_74 = arith.constant 0 : i32
      %dma_wait3A_75 = tpu.memref_slice %arg4[%dma_wait3A_74, %mul3A_2] : memref<8x32768xf32, #tpu.memory_space<hbm>> -> memref<8x1024xf32, #tpu.memory_space<hbm>>
      tpu.wait_dma2 semaphore(%run_scoped3A : memref<!tpu.dma_semaphore, #tpu.memory_space<semaphore_mem>>) src(%arg7 : memref<8x1024xf32, #tpu.memory_space<vmem>>) dst(%dma_wait3A_75 : memref<8x1024xf32, #tpu.memory_space<hbm>>)
      tpu.yield
    }) : () -> ()
    return
  }
}

module attributes {stable_mosaic.version = 14 : i64} {
  func.func @_keys_body(%arg0: i32, %arg1: memref<4096x768xf32, #tpu.memory_space<vmem>>, %arg2: memref<64x768xf32, #tpu.memory_space<vmem>>, %arg3: memref<64x4096xi32, #tpu.memory_space<vmem>>) attributes {dimension_semantics = [#tpu.dimension_semantics<arbitrary>], iteration_bounds = array<i64: 8>, scalar_prefetch = 0 : i64, scratch_operands = 0 : i64, tpu.core_type = #tpu.core_type<tc>, window_params = [{transform_indices = @transform_0, window_bounds = array<i64: 4096, 768>}, {pipeline_mode = #tpu.pipeline_mode<synchronous>, transform_indices = @transform_1, window_bounds = array<i64: 64, 768>}, {transform_indices = @transform_2, window_bounds = array<i64: 64, 4096>}]} {
    %get3A = arith.constant 0 : index
    %get3A_0 = arith.constant 0 : index
    %get3A_1 = vector.load %arg2[%get3A, %get3A_0] : memref<64x768xf32, #tpu.memory_space<vmem>>, vector<64x768xf32>
    %get3A_2 = arith.constant 0 : index
    %get3A_3 = arith.constant 0 : index
    %get3A_4 = vector.load %arg1[%get3A_2, %get3A_3] : memref<4096x768xf32, #tpu.memory_space<vmem>>, vector<4096x768xf32>
    %dot_general3A = arith.constant dense<0.000000e+00> : vector<64x4096xf32>
    %dot_general3A_5 = tpu.matmul %get3A_1, %get3A_4, %dot_general3A {dimension_numbers = #tpu.dot_dimension_numbers<[1], [1], [0], [0], [0, 0, 1, 0], [], []>, transpose_lhs_hint = false} : vector<64x768xf32>, vector<4096x768xf32>, vector<64x4096xf32> -> vector<64x4096xf32>
    %bitcast_convert_type3A = tpu.bitcast %dot_general3A_5 : vector<64x4096xf32> -> vector<64x4096xi32>
    %shift_right_arithmetic3A = arith.constant 31 : i32
    %shift_right_arithmetic3A_6 = vector.broadcast %shift_right_arithmetic3A : i32 to vector<64x4096xi32>
    %shift_right_arithmetic3A_7 = arith.shrsi %bitcast_convert_type3A, %shift_right_arithmetic3A_6 : vector<64x4096xi32>
    %and3A = arith.constant 2147483647 : i32
    %and3A_8 = vector.broadcast %and3A : i32 to vector<64x4096xi32>
    %and3A_9 = arith.andi %shift_right_arithmetic3A_7, %and3A_8 : vector<64x4096xi32>
    %xor3A = arith.xori %bitcast_convert_type3A, %and3A_9 : vector<64x4096xi32>
    %iota3A = tpu.iota {dimensions = array<i32: 0>} : vector<64x4096xi32>
    %sub3A = arith.constant 63 : i32
    %sub3A_10 = vector.broadcast %sub3A : i32 to vector<64x4096xi32>
    %sub3A_11 = arith.subi %sub3A_10, %iota3A : vector<64x4096xi32>
    %and3A_12 = arith.constant -64 : i32
    %and3A_13 = vector.broadcast %and3A_12 : i32 to vector<64x4096xi32>
    %and3A_14 = arith.andi %xor3A, %and3A_13 : vector<64x4096xi32>
    %or3A = arith.ori %and3A_14, %sub3A_11 : vector<64x4096xi32>
    %swap3A = arith.constant 0 : index
    %swap3A_15 = arith.constant 0 : index
    %swap3A_16 = vector.load %arg3[%swap3A, %swap3A_15] : memref<64x4096xi32, #tpu.memory_space<vmem>>, vector<64x4096xi32>
    tpu.vector_store %arg3[%swap3A, %swap3A_15], %or3A {strides = array<i32>} : memref<64x4096xi32, #tpu.memory_space<vmem>>, vector<64x4096xi32>,
    return
  }
  func.func @transform_0(%arg0: i32) -> (i32, i32) {
    %c0_i32 = arith.constant 0 : i32
    %c0_i32_0 = arith.constant 0 : i32
    return %arg0, %c0_i32 : i32, i32
  }
  func.func @transform_1(%arg0: i32) -> (i32, i32) {
    %c0_i32 = arith.constant 0 : i32
    %c0_i32_0 = arith.constant 0 : i32
    %c0_i32_1 = arith.constant 0 : i32
    return %c0_i32, %c0_i32_0 : i32, i32
  }
  func.func @transform_2(%arg0: i32) -> (i32, i32) {
    %c0_i32 = arith.constant 0 : i32
    %c0_i32_0 = arith.constant 0 : i32
    return %c0_i32, %arg0 : i32, i32
  }
}

</mosaic_0001>

<sc_bundles>
// kernel: kernel.4.cloned.1.call-start
scs
__scs_entry_jumppad:
0x0: {  	(pc) =	sbr.rel $0x88, $3  }
0x1: {  	(tag) =	ssettag $0x0;
	lr =	simm.s32 $0x1  }
0x2: {  	[smem:$0x3F9F] =	sst lr;
	_ =	strace $0xD0000000  }
0x3: {  	_ = 	snop  }
0x4: {  	_ = 	snop  }
0x5: {  	_ = 	snop  }
0x6: {  	_ = 	snop  }
0x7: {  	_ = 	snop  }
__scs_overlays_trampoline_lowered:
0x8: {  	[smem:$0x3FAE] =	sst s0  }
0x9: {  	[smem:$0x3FAF] =	sst s1  }
0xa: {  	[smem:$0x3FB0] =	sst s2  }
0xb: {  	[smem:$0x3FB1] =	sst s3  }
0xc: {  	[smem:$0x3FB2] =	sst s4  }
0xd: {  	[smem:$0x3FB3] =	sst s5  }
0xe: {  	[smem:$0x3FB4] =	sst s6  }
0xf: {  	[smem:$0x3FB5] =	sst s7  }
0x10: {  	[smem:$0x3FB6] =	sst s8  }
0x11: {  	[smem:$0x3FB7] =	sst s9;
	s0 =	simm.s32 @!p0 $0x0  }
0x12: {  	s1 =	sld [smem:$0x3F9D];
	s0 =	simm.s32 @p0 $0x1  }
0x13: {  	[smem:$0x3FB8] =	sst s0;
	s0 =	simm.s32 @!p1 $0x0  }
0x14: {  	s2 =	sld [smem:$0x3F9C];
	s0 =	simm.s32 @p1 $0x1  }
0x15: {  	[smem:$0x3FB9] =	sst s0;
	s0 =	simm.s32 @!p2 $0x0  }
0x16: {  	s3 =	sld [smem:$0x3FDB];
	s0 =	simm.s32 @p2 $0x1  }
0x17: {  	s4 =	simm.s32 $0x1BF5;
	[smem:$0x3FBB] =	sst s0  }
0x18: {  	s0 =	sld [smem:$0x3F9E];
	_ =	swait.ge [sflag:s4], $0x0  }
0x19: {  	s7 =	sld [smem:$0x3F9F]  }
0x1a: {  	s8 =	sadd.s32 $0xFFFFE003, lr  }
0x1b: {  	s9 =	sadd.s32 $0xFFFFFEF7, lr;
	s5 =	simm.s32 $0xFFFFFFFF;
	p2 =	slt.u32 s8, $0xFFFFF086  }
0x1c: {  	p1 =	slt.u32 s9, $0xF7A;
	s5 =	simm.s32 @!p2 $0x0  }
0x1d: {  	s5 =	simm.s32 @p1 $0x1;
	p0 =	seq.s32 s7, s2  }
0x1e: {  	s7 =	smul.u32 @!p0 $0xF7A, s2;
	p2 =	seq.s32 @!p0 s5, $0x0  }
0x1f: {  	s9 =	smul.u32 $0xF7A, s1;
	s8 =	simm.s32 @!p0 $0x1BF5;
	p2 =	por !p2, p0  }
0x20: {  	[sflag:s8] =	ssyncset.s32 @!p0 $0xFFFFF086;
	s6 =	sadd.s32 @!p0 s3, s7;
	s7 =	simm.s32 @!p0 $0x108  }
0x21: {  	s3 =	sadd.s32 s3, s9;
	s6 =	sadd.s32 @!p0 $0x88, s6;
	s7 =	simm.s32 @p2 $0x1082  }
0x22: {  	[simem:s7], [sflag:s8] =	dma.local @!p0 [hbm:s6], $0xF7A  }
0x23: {  	s9 =	sor.u32 $0xD0000000, s2;
	s6 =	simm.s32 $0x108;
	_ =	swait.ge @!p0 [sflag:s8], $0x0  }
0x24: {  	s3 =	sadd.s32 $0x88, s3;
	s6 =	simm.s32 @!p1 $0x1082;
	[sflag:s4] =	ssyncset.s32 $0xFFFFF086  }
0x25: {  	[simem:s6], [sflag:s4] =	dma.local [hbm:s3], $0xF7A  }
0x26: {  	[smem:$0x3F9F] =	sst s1;
	(tag) =	ssettag s2;
	_ =	strace s9  }
0x27: {  	s1 =	sld [smem:$0x3FAF]  }
0x28: {  	s2 =	sld [smem:$0x3FB0]  }
0x29: {  	s4 =	sld [smem:$0x3FB2]  }
0x2a: {  	p0 =	seq.s32 s5, $0x0;
	s5 =	sld [smem:$0x3FB3]  }
0x2b: {  	s6 =	sld [smem:$0x3FB4]  }
0x2c: {  	s7 =	sld [smem:$0x3FB5]  }
0x2d: {  	s3 =	simm.s32 $0x108;
	s8 =	sld [smem:$0x3FB6]  }
0x2e: {  	s3 =	simm.s32 @!p0 $0x1082;
	s9 =	sld [smem:$0x3FB7]  }
0x2f: {  	lr =	sadd.s32 s0, s3;
	s0 =	sld [smem:$0x3FAE]  }
0x30: {  	s3 =	sld [smem:$0x3FB1]  }
0x31: {  	[smem:$0x3FBA] =	sst s10  }
0x32: {  	s10 =	sld [smem:$0x3FB8];
	_ =	sdelay $0x3  }
0x33: {  	p0 =	seq.s32 s10, $0x1;
	s10 =	sld [smem:$0x3FBA];
	_ =	sdelay $0x3  }
0x34: {  	[smem:$0x3FBA] =	sst s10  }
0x35: {  	s10 =	sld [smem:$0x3FB9];
	_ =	sdelay $0x3  }
0x36: {  	p1 =	seq.s32 s10, $0x1;
	s10 =	sld [smem:$0x3FBA];
	_ =	sdelay $0x3  }
0x37: {  	[smem:$0x3FBA] =	sst s10  }
0x38: {  	s10 =	sld [smem:$0x3FBB]  }
0x39: {  	_ = 	snop;
	(pc) =	sbr.ind lr, $3  }
0x3a: {  	_ = 	snop  }
0x3b: {  	_ = 	snop  }
0x3c: {  	p2 =	seq.s32 s10, $0x1;
	s10 =	sld [smem:$0x3FBA]  }
0x3d: {  	_ =	shalt  }
0x3e: {  	_ =	shalt  }
0x3f: {  	_ =	shalt  }
0x40: {  	_ =	shalt  }
0x41: {  	_ =	shalt  }
0x42: {  	_ =	shalt  }
0x43: {  	_ =	shalt  }
0x44: {  	_ =	shalt  }
0x45: {  	_ =	shalt  }
0x46: {  	_ =	shalt  }
0x47: {  	_ =	shalt  }
0x48: {  	_ =	shalt  }
0x49: {  	_ =	shalt  }
0x4a: {  	_ =	shalt  }
0x4b: {  	_ =	shalt  }
0x4c: {  	_ =	shalt  }
0x4d: {  	_ =	shalt  }
0x4e: {  	_ =	shalt  }
0x4f: {  	_ =	shalt  }
0x50: {  	_ =	shalt  }
0x51: {  	_ =	shalt  }
0x52: {  	_ =	shalt  }
0x53: {  	_ =	shalt  }
0x54: {  	_ =	shalt  }
0x55: {  	_ =	shalt  }
0x56: {  	_ =	shalt  }
0x57: {  	_ =	shalt  }
0x58: {  	_ =	shalt  }
0x59: {  	_ =	shalt  }
0x5a: {  	_ =	shalt  }
0x5b: {  	_ =	shalt  }
0x5c: {  	_ =	shalt  }
0x5d: {  	_ =	shalt  }
0x5e: {  	_ =	shalt  }
0x5f: {  	_ =	shalt  }
0x60: {  	_ =	shalt  }
0x61: {  	_ =	shalt  }
0x62: {  	_ =	shalt  }
0x63: {  	_ =	shalt  }
0x64: {  	_ =	shalt  }
0x65: {  	_ =	shalt  }
0x66: {  	_ =	shalt  }
0x67: {  	_ =	shalt  }
0x68: {  	_ =	shalt  }
0x69: {  	_ =	shalt  }
0x6a: {  	_ =	shalt  }
0x6b: {  	_ =	shalt  }
0x6c: {  	_ =	shalt  }
0x6d: {  	_ =	shalt  }
0x6e: {  	_ =	shalt  }
0x6f: {  	_ =	shalt  }
0x70: {  	_ =	shalt  }
0x71: {  	_ =	shalt  }
0x72: {  	_ =	shalt  }
0x73: {  	_ =	shalt  }
0x74: {  	_ =	shalt  }
0x75: {  	_ =	shalt  }
0x76: {  	_ =	shalt  }
0x77: {  	_ =	shalt  }
0x78: {  	_ =	shalt  }
0x79: {  	_ =	shalt  }
0x7a: {  	_ =	shalt  }
0x7b: {  	_ =	shalt  }
0x7c: {  	_ =	shalt  }
0x7d: {  	_ =	shalt  }
0x7e: {  	_ =	shalt  }
0x7f: {  	_ =	shalt  }
0x80: {  	_ =	shalt  }
0x81: {  	_ =	shalt  }
0x82: {  	_ =	shalt  }
0x83: {  	_ =	shalt  }
0x84: {  	_ =	shalt  }
0x85: {  	_ =	shalt  }
0x86: {  	_ =	shalt  }
0x87: {  	_ =	shalt  }
.Lfunc_end0:
.L_simem_size_0:
called_computation_lowered:
.L_overlay_start_0:
0x88: {  	s2 =	sld [smem:$0x3FD9]  }
0x89: {  	s3 =	sld [smem:$0x3FFE];
	_ =	sdelay $0x1  }
0x8a: {  	s1 =	srdreg.scid  }
0x8b: {  	s0 =	sand.u32 $0x1, s1  }
0x8c: {  	s14 =	sshll.u32 s0, $0xA;
	s2 =	sadd.s32 s3, s2  }
0x8d: {  	s2 =	sadd.s32 s2, s14  }
0x8e: {  	[smem:$0x3FC6] =	sst s2  }
0x8f: {  	_ = 	snop  }
0x90: {  	s2 =	sld [smem:$0x3FD0];
	_ =	sdelay $0x2  }
0x91: {  	s15 =	simm.s32 $0xA;
	s4 =	simm.s32 $0x10  }
0x92: {  	[smem:s4], [sflag:s15] =	dma.local [hbm:s2], $0x1  }
0x93: {  	_ =	swait.eq [sflag:s15], $0x1  }
0x94: {  	[sflag:s15] =	ssyncset.done $0x0  }
0x95: {  	s16 =	sld [smem:$0x10];
	[sflag:s15] =	ssyncadd.s32 $0xFFFFFFFF  }
0x96: {  	s17 =	sld [smem:$0x11];
	(tm) =	ssettm $0x1  }
0x97: {  	s18 =	sld [smem:$0x3FFB];
	_ =	sdelay $0x3  }
0x98: {  	_ =	strace s18  }
0x99: {  	s4 =	sld [smem:$0x3FFC];
	_ =	sdelay $0x3  }
0x9a: {  	_ =	strace s4  }
0x9b: {  	s4 =	sld [smem:$0x3FFD];
	_ =	sdelay $0x3  }
0x9c: {  	_ =	strace s4  }
0x9d: {  	_ =	strace $0x8FFFFFFF  }
0x9e: {  	s19 =	sld [smem:$0x3FDB];
	_ =	sdelay $0x1  }
0x9f: {  	s5 =	simm.s32 $_scs_section_size  }
0xa0: {  	s6 =	simm.s32 $_size__tile_overlayer_lowered;
	s7 =	simm.s32 $_tile_overlayer_lowered  }
0xa1: {  	s22 =	simm.s32 $0x1BFF;
	s21 =	sshll.u32 s7, $0x1;
	s4 =	sadd.s32 s5, s19  }
0xa2: {  	s8 =	simm.s32 $0x0;
	s20 =	sshll.u32 s6, $0x1;
	s6 =	sadd.s32 s21, s4  }
0xa3: {  	[timem:s8], [sflag:s22] =	dma.local [hbm:s6], s20  }
0xa4: {  	_ =	swait.ge [sflag:s22], s20  }
0xa5: {  	s5 =	ssub.s32 $0x0, s20;
	[sflag:s22] =	ssyncset.done $0x0  }
0xa6: {  	[sflag:s22] =	ssyncadd.s32 s5;
	_ =	sdelay $0x1  }
0xa7: {  	s23 =	simm.s32 $0x1B8B  }
0xa8: {  	_ =	swait.ge [sflag:s23], $0x1  }
0xa9: {  	[sflag:s23] =	ssyncset.done $0x0  }
0xaa: {  	s25 =	simm.s32 $0x1B8E;
	s24 =	sld [smem:$0x3FFE];
	[sflag:s23] =	ssyncadd.s32 $0xFFFFFFFF  }
0xab: {  	s26 =	simm.s32 $execute0_lowered;
	[smem:$0x3FD2] =	sst s25  }
0xac: {  	s6 =	sshll.u32 s26, $0x1;
	_ =	strace $0x80000046;
	[dreg:$0x1] =	wrdreg $0xFFFFFFFF  }
0xad: {  	s28 =	simm.s32 $_size_execute0_lowered;
	s4 =	sadd.s32 s4, s6;
	[dreg:$0x0] =	wrdreg $0x0  }
0xae: {  	s6 =	sshll.u32 s28, $0x1;
	[dreg:$0x2] =	wrdreg s4  }
0xaf: {  	[dreg:$0x3] =	wrdreg s6  }
0xb0: {  	[dreg:$0x4] =	wrdreg $0xC0  }
0xb1: {  	_ =	task [dreg:s8], $0x5FFFF  }
0xb2: {  	[dreg:$0x1] =	wrdreg $0xFFFFFFFF  }
0xb3: {  	[dreg:$0x0] =	wrdreg $0x60  }
0xb4: {  	[dreg:$0x2] =	wrdreg s24  }
0xb5: {  	[dreg:$0x3] =	wrdreg s16  }
0xb6: {  	[dreg:$0x4] =	wrdreg s17  }
0xb7: {  	[dreg:$0x5] =	wrdreg $0x9  }
0xb8: {  	_ =	task.clear_ibuf [dreg:s8], $0x6FFFF;
	_ =	strace $0x90000046  }
0xb9: {  	s29 =	simm.s32 $0x9;
	_ =	strace $0x80000048  }
0xba: {  	_ =	swait.ge [sflag:s29], $0x1  }
0xbb: {  	[sflag:s29] =	ssyncadd.s32 $0xFFFFFFFF  }
0xbc: {  	_ =	strace $0x90000048  }
0xbd: {  	_ =	sfence  }
0xbe: {  	s30 =	sld [smem:$0x0];
	_ =	sdelay $0x2  }
0xbf: {  	s31 =	sshll.u32 s1, $0xD;
	s1 =	sshrl.u32 s1, $0x2  }
0xc0: {  	s3 =	sand.u32 $0x4000, s31;
	s1 =	sadd.s32 s1, s30  }
0xc1: {  	s0 =	sor.u32 s3, s0;
	s1 =	sshll.u32 s1, $0x11  }
0xc2: {  	s0 =	sor.u32 s1, s0  }
0xc3: {  	s0 =	sadd.s32 $0x8F2B, s0  }
0xc4: {  	[sflag:s0] =	ssyncadd.remote.s32 $0x1  }
0xc5: {  	_ =	sfence.sel $0xFFFF  }
0xc6: {  	[dreg:$0x0] =	wrdreg $0xFFFFFFFF;
	(pc) =	sbr.abs _section_cstart, $3  }
0xc7: {  	[dreg:$0x1] =	wrdreg $0xFFFFFFFF  }
0xc8: {  	_ =	task.clear_ibuf [dreg:s8], $0x2FFFF;
	_ =	strace $0x9FFFFFFF  }
0xc9: {  	(tm) =	ssettm $0x7FFFFFFF  }
tec
execute0_lowered:
.L_overlay_start_1:
0x0: {  	(tag) =	ssettag $0x1  }
0x1: {  	s3 =	rddreg [dreg:$0x0]  }
0x2: {  	s5 =	rddreg [dreg:$0x1]  }
0x3: {  	s6 =	rddreg [dreg:$0x2];
	s2 =	srdreg.scid  }
0x4: {  	s0 =	rddreg [dreg:$0x3];
	s1 =	stileid.u32;
	s10 =	simm.s32 $0x1  }
0x5: {  	s11 =	simm.s32 $0x8000;
	s12 =	simm.s32 $0x2;
	s13 =	simm.s32 $0x10000  }
0x6: {  	s14 =	simm.s32 $0x3;
	s15 =	simm.s32 $0x12000;
	s16 =	simm.s32 $0x0  }
0x7: {  	s4 =	sand.u32 $0x1, s2;
	s2 =	simm.s32 $0x0;
	s7 =	sshll.u32 s1, $0xB  }
0x8: {  	s8 =	sshll.u32 s4, $0xA;
	[smem:$0x7FF] =	sst s2;
	s4 =	ssub.s32 $0x2, s4  }
0x9: {  	s7 =	sor.u32 s8, s7;
	_ =	strace $0x80000047;
	s31 =	sshrl.u32 s4, $0x1  }
0xa: {  	s8 =	sadd.s32 s7, s3;
	s9 =	ssub.s32 s4, s31;
	s5 =	sadd.s32 s5, s7  }
0xb: {  	s6 =	sadd.s32 s6, s7;
	s3 =	sadd.s32 $0xC00, s8;
	s4 =	sadd.s32 $0xE00, s8  }
0xc: {  	s7 =	smax.u32 s9, $0x1;
	s8 =	simm.s32 $0x1000;
	s9 =	simm.s32 $0x40000  }
.LBB2_1:
0xd: {  	[tilespmem:s2], [sflag:$0x1] =	stream.strided.gather [hbm4b:s3+s8], $0x8000, s9, s8, $0x38;
	[tilespmem:$0x14000] =	vst v63  }
0xe: {  	_ =	swait.ge [sflag:s10], $0x8000  }
0xf: {  	[sflag:s10] =	ssyncset.done $0x0  }
0x10: {  	s17 =	simm.s32 $0x0;
	s18 =	simm.s32 $0x0;
	[sflag:s10] =	ssyncadd.s32 $0xFFFF8000  }
0x11: {  	[tilespmem:s11], [sflag:$0x2] =	stream.strided.gather [hbm4b:s4+s8], $0x8000, s9, s8, $0x38;
	[tilespmem:$0x14000] =	vst v63  }
.LBB2_2:
0x12: {  	s19 =	sand.u32 $0x70, s18;
	s20 =	sand.u32 $0xC00, s17  }
0x13: {  	s19 =	sor.u32 s19, s20  }
0x14: {  	v0 =	vld [tilespmem:s19+$0x0]  }
0x15: {  	v1 =	vld [tilespmem:s19+$0x80]  }
0x16: {  	v2 =	vld [tilespmem:s19+$0x100]  }
0x17: {  	v4 =	vld [tilespmem:s19+$0x200]  }
0x18: {  	v5 =	vld [tilespmem:s19+$0x280]  }
0x19: {  	v6 =	vld [tilespmem:s19+$0x300]  }
0x1a: {  	v8 =	vld [tilespmem:s19+$0x1000]  }
0x1b: {  	v9 =	vld [tilespmem:s19+$0x1080]  }
0x1c: {  	v10 =	vld [tilespmem:s19+$0x1100]  }
0x1d: {  	v11 =	vld [tilespmem:s19+$0x1180]  }
0x1e: {  	v12 =	vld [tilespmem:s19+$0x1200]  }
0x1f: {  	v13 =	vld [tilespmem:s19+$0x1280]  }
0x20: {  	s20 =	sor.u32 s20, s18;
	v14 =	vld [tilespmem:s19+$0x1300]  }
0x21: {  	s31 =	sor.u32 s17, s18;
	s21 =	sor.u32 $0x180, s20;
	v15 =	vld [tilespmem:s19+$0x1380]  }
0x22: {  	s20 =	sor.u32 $0x380, s31;
	v3 =	vld [tilespmem:s21+$0x0]  }
0x23: {  	v7 =	vld [tilespmem:s20+$0x0];
	_ =	sdelay $0x1  }
0x24: {  	vm0 =	vlt.s32 v0, v1;
	vm12 =	vlt.s32 v4, v5  }
0x25: {  	vm14 =	vlt.s32 v8, v9;
	vm15 =	vlt.s32 v10, v11;
	vm4 =	vlt.s32 v12, v13  }
0x26: {  	vm5 =	vlt.s32 v14, v15;
	vm1 =	vlt.s32 v2, v3;
	v16 =	vsel vm0, v1, v0  }
0x27: {  	v0 =	vsel vm0, v0, v1;
	vm13 =	vlt.s32 v6, v7;
	v53 =	vsel vm12, v5, v4  }
0x28: {  	v4 =	vsel vm12, v4, v5;
	v55 =	vsel vm14, v9, v8;
	v8 =	vsel vm14, v8, v9  }
0x29: {  	v56 =	vsel vm15, v11, v10;
	v10 =	vsel vm15, v10, v11;
	v57 =	vsel vm4, v13, v12  }
0x2a: {  	v12 =	vsel vm4, v12, v13;
	v58 =	vsel vm5, v15, v14;
	v14 =	vsel vm5, v14, v15  }
0x2b: {  	v52 =	vsel vm1, v3, v2;
	v2 =	vsel vm1, v2, v3;
	v54 =	vsel vm13, v7, v6  }
0x2c: {  	v6 =	vsel vm13, v6, v7;
	vm11 =	vlt.s32 v55, v56;
	vm12 =	vlt.s32 v8, v10  }
0x2d: {  	vm13 =	vlt.s32 v57, v58;
	vm14 =	vlt.s32 v12, v14;
	vm6 =	vlt.s32 v16, v52  }
0x2e: {  	vm7 =	vlt.s32 v0, v2;
	vm8 =	vlt.s32 v53, v54;
	vm9 =	vlt.s32 v4, v6  }
0x2f: {  	v63 =	vsel vm11, v56, v55;
	v7 =	vsel vm11, v55, v56;
	v20 =	vsel vm12, v10, v8  }
0x30: {  	v8 =	vsel vm12, v8, v10;
	v21 =	vsel vm13, v57, v58;
	v22 =	vsel vm14, v14, v12  }
0x31: {  	v24 =	vsel vm13, v58, v57;
	v25 =	vsel vm14, v12, v14;
	v59 =	vsel vm6, v52, v16  }
0x32: {  	v1 =	vsel vm6, v16, v52;
	v60 =	vsel vm7, v2, v0;
	v0 =	vsel vm7, v0, v2  }
0x33: {  	v61 =	vsel vm8, v53, v54;
	v17 =	vsel vm9, v6, v4;
	v3 =	vsel vm8, v54, v53  }
0x34: {  	v4 =	vsel vm9, v4, v6;
	vm15 =	vlt.s32 v7, v20;
	vm4 =	vlt.s32 v21, v22  }
0x35: {  	vm12 =	vlt.s32 v63, v24;
	vm2 =	vlt.s32 v1, v60;
	vm10 =	vlt.s32 v61, v17  }
0x36: {  	v23 =	vsel vm15, v20, v7;
	v7 =	vsel vm15, v7, v20;
	v26 =	vsel vm4, v22, v21  }
0x37: {  	v10 =	vsel vm4, v21, v22;
	vm5 =	vlt.s32 v59, v3;
	vm8 =	vlt.s32 v0, v4  }
0x38: {  	v35 =	vsel vm12, v63, v24;
	v38 =	vsel vm12, v24, v63;
	vm4 =	vlt.s32 v8, v25  }
0x39: {  	v18 =	vsel vm2, v60, v1;
	v1 =	vsel vm2, v1, v60;
	v62 =	vsel vm10, v17, v61  }
0x3a: {  	v2 =	vsel vm10, v61, v17;
	v27 =	vsel vm5, v3, v59;
	v3 =	vsel vm5, v59, v3  }
0x3b: {  	v30 =	vsel vm8, v4, v0;
	v0 =	vsel vm8, v0, v4;
	vm13 =	vlt.s32 v7, v10  }
0x3c: {  	vm15 =	vlt.s32 v23, v26;
	v43 =	vsel vm4, v25, v8;
	v8 =	vsel vm4, v8, v25  }
0x3d: {  	vm6 =	vlt.s32 v1, v2;
	vm7 =	vlt.s32 v18, v62;
	v36 =	vsel vm13, v10, v7  }
0x3e: {  	v39 =	vsel vm13, v7, v10;
	v41 =	vsel vm15, v26, v23;
	v42 =	vsel vm15, v23, v26  }
0x3f: {  	vm8 =	vgt.s32 v27, v8;
	vm15 =	vgt.s32 v0, v38;
	v28 =	vsel vm6, v2, v1  }
0x40: {  	v1 =	vsel vm6, v1, v2;
	v29 =	vsel vm7, v18, v62;
	v5 =	vsel vm7, v62, v18  }
0x41: {  	vm14 =	vlt.s32 v35, v36;
	v8 =	vsel vm8, v27, v8;
	v0 =	vsel vm15, v0, v38  }
0x42: {  	vm9 =	vlt.s32 v3, v28;
	vm10 =	vlt.s32 v29, v30;
	v40 =	vsel vm14, v36, v35  }
0x43: {  	v4 =	vsel vm14, v35, v36;
	v31 =	vsel vm9, v28, v3;
	v3 =	vsel vm9, v3, v28  }
0x44: {  	v32 =	vsel vm10, v30, v29;
	v2 =	vsel vm10, v29, v30;
	vm5 =	vlt.s32 v41, v40  }
0x45: {  	vm0 =	vlt.s32 v5, v31;
	vm11 =	vlt.s32 v32, v3;
	vm2 =	vlt.s32 v2, v1  }
0x46: {  	v45 =	vsel vm5, v40, v41;
	v7 =	vsel vm5, v41, v40;
	v33 =	vsel vm0, v31, v5  }
0x47: {  	v5 =	vsel vm0, v5, v31;
	v34 =	vsel vm11, v3, v32;
	v3 =	vsel vm11, v32, v3  }
0x48: {  	v50 =	vld [tilespmem:s19+$0x2000];
	v37 =	vsel vm2, v1, v2;
	v1 =	vsel vm2, v2, v1;
	vm0 =	vlt.s32 v42, v43  }
0x49: {  	v51 =	vld [tilespmem:s19+$0x2080];
	v44 =	vsel vm0, v43, v42;
	v10 =	vsel vm0, v42, v43;
	vm13 =	vgt.s32 v37, v7  }
0x4a: {  	v55 =	vld [tilespmem:s19+$0x2200];
	vm14 =	vgt.s32 v1, v45;
	vm6 =	vlt.s32 v44, v4;
	vm7 =	vlt.s32 v10, v39  }
0x4b: {  	v57 =	vld [tilespmem:s19+$0x2280];
	v49 =	vsel vm13, v37, v7;
	v1 =	vsel vm14, v1, v45;
	v46 =	vsel vm6, v4, v44  }
0x4c: {  	v53 =	vld [tilespmem:s19+$0x2100];
	v4 =	vsel vm6, v44, v4;
	v47 =	vsel vm7, v10, v39;
	v6 =	vsel vm7, v39, v10  }
0x4d: {  	v54 =	vld [tilespmem:s19+$0x2180];
	vm9 =	vgt.s32 v33, v47;
	vm10 =	vgt.s32 v5, v6;
	vm12 =	vgt.s32 v3, v46  }
0x4e: {  	v59 =	vld [tilespmem:s19+$0x2300];
	vm11 =	vgt.s32 v34, v4;
	v48 =	vsel vm9, v33, v47;
	v3 =	vsel vm12, v3, v46  }
0x4f: {  	v61 =	vld [tilespmem:s19+$0x2380];
	v5 =	vsel vm10, v5, v6;
	v4 =	vsel vm11, v34, v4;
	vm4 =	vlt.s32 v8, v3  }
0x50: {  	v63 =	vld [tilespmem:s19+$0x3000];
	vm5 =	vlt.s32 v48, v49;
	vm6 =	vlt.s32 v5, v1;
	vm7 =	vlt.s32 v4, v0  }
0x51: {  	v21 =	vld [tilespmem:s19+$0x3080];
	v52 =	vsel vm4, v3, v8;
	v3 =	vsel vm4, v8, v3;
	v7 =	vsel vm5, v49, v48  }
0x52: {  	v22 =	vld [tilespmem:s19+$0x3180];
	v6 =	vsel vm5, v48, v49;
	v12 =	vsel vm6, v1, v5;
	v1 =	vsel vm6, v5, v1  }
0x53: {  	v28 =	vld [tilespmem:s19+$0x3100];
	v56 =	vsel vm7, v0, v4;
	v0 =	vsel vm7, v4, v0;
	vm4 =	vlt.s32 v50, v51  }
0x54: {  	v29 =	vld [tilespmem:s19+$0x3200];
	vm5 =	vlt.s32 v53, v54;
	vm6 =	vlt.s32 v55, v57;
	vm7 =	vlt.s32 v59, v61  }
0x55: {  	v30 =	vld [tilespmem:s19+$0x3280];
	vm8 =	vlt.s32 v52, v12;
	vm9 =	vlt.s32 v7, v56;
	vm10 =	vlt.s32 v3, v1  }
0x56: {  	v31 =	vld [tilespmem:s19+$0x3300];
	vm11 =	vlt.s32 v6, v0;
	v23 =	vsel vm4, v51, v50;
	v9 =	vsel vm4, v50, v51  }
0x57: {  	v32 =	vld [tilespmem:s19+$0x3380];
	v24 =	vsel vm5, v54, v53;
	v8 =	vsel vm5, v53, v54;
	v33 =	vsel vm6, v57, v55  }
0x58: {  	v13 =	vsel vm6, v55, v57;
	v34 =	vsel vm7, v61, v59;
	v58 =	vsel vm8, v12, v52  }
0x59: {  	v2 =	vsel vm8, v52, v12;
	v60 =	vsel vm9, v56, v7;
	v7 =	vsel vm9, v7, v56  }
0x5a: {  	v62 =	vsel vm10, v1, v3;
	v1 =	vsel vm10, v3, v1;
	v19 =	vsel vm11, v0, v6  }
0x5b: {  	v20 =	vsel vm11, v6, v0;
	v12 =	vsel vm7, v59, v61;
	vm8 =	vlt.s32 v63, v21  }
0x5c: {  	vm9 =	vlt.s32 v28, v22;
	vm10 =	vlt.s32 v29, v30;
	vm11 =	vlt.s32 v31, v32  }
0x5d: {  	vm12 =	vlt.s32 v58, v60;
	vm13 =	vlt.s32 v2, v7;
	vm14 =	vlt.s32 v62, v19  }
0x5e: {  	vm15 =	vlt.s32 v1, v20;
	v35 =	vsel vm8, v21, v63;
	v18 =	vsel vm8, v63, v21  }
0x5f: {  	v36 =	vsel vm9, v22, v28;
	v15 =	vsel vm9, v28, v22;
	v37 =	vsel vm10, v30, v29  }
0x60: {  	v17 =	vsel vm10, v29, v30;
	v38 =	vsel vm11, v32, v31;
	v11 =	vsel vm11, v31, v32  }
0x61: {  	vm4 =	vlt.s32 v13, v12;
	v5 =	vsel vm12, v60, v58;
	v0 =	vsel vm12, v58, v60  }
0x62: {  	v6 =	vsel vm13, v7, v2;
	v2 =	vsel vm13, v2, v7;
	v3 =	vsel vm14, v19, v62  }
0x63: {  	v4 =	vsel vm14, v62, v19;
	v7 =	vsel vm15, v20, v1;
	v1 =	vsel vm15, v1, v20  }
0x64: {  	vm12 =	vlt.s32 v23, v24;
	vm13 =	vlt.s32 v9, v8;
	vm15 =	vlt.s32 v33, v34  }
0x65: {  	v42 =	vsel vm4, v12, v13;
	v12 =	vsel vm4, v13, v12;
	vm6 =	vlt.s32 v35, v36  }
0x66: {  	vm7 =	vlt.s32 v18, v15;
	vm9 =	vlt.s32 v37, v38;
	vm10 =	vlt.s32 v17, v11  }
0x67: {  	v39 =	vsel vm12, v23, v24;
	v25 =	vsel vm13, v8, v9;
	v23 =	vsel vm12, v24, v23  }
0x68: {  	v8 =	vsel vm13, v9, v8;
	v41 =	vsel vm15, v33, v34;
	v10 =	vsel vm15, v34, v33  }
0x69: {  	v45 =	vsel vm6, v35, v36;
	v46 =	vsel vm7, v15, v18;
	v16 =	vsel vm6, v36, v35  }
0x6a: {  	v15 =	vsel vm7, v18, v15;
	v49 =	vsel vm9, v37, v38;
	v50 =	vsel vm10, v11, v17  }
0x6b: {  	v19 =	vsel vm9, v38, v37;
	v11 =	vsel vm10, v17, v11;
	vm14 =	vlt.s32 v39, v25  }
0x6c: {  	vm5 =	vlt.s32 v41, v42;
	vm8 =	vlt.s32 v45, v46;
	vm11 =	vlt.s32 v49, v50  }
0x6d: {  	vm12 =	vlt.s32 v23, v10;
	vm4 =	vlt.s32 v8, v12;
	vm9 =	vlt.s32 v16, v19  }
0x6e: {  	v40 =	vsel vm14, v25, v39;
	v20 =	vsel vm14, v39, v25;
	v43 =	vsel vm5, v42, v41  }
0x6f: {  	v44 =	vsel vm5, v41, v42;
	v47 =	vsel vm8, v46, v45;
	v48 =	vsel vm8, v45, v46  }
0x70: {  	v51 =	vsel vm11, v50, v49;
	v52 =	vsel vm11, v49, v50;
	v53 =	vsel vm12, v23, v10  }
0x71: {  	v10 =	vsel vm12, v10, v23;
	v58 =	vsel vm4, v12, v8;
	v8 =	vsel vm4, v8, v12  }
0x72: {  	v28 =	vsel vm9, v16, v19;
	v16 =	vsel vm9, v19, v16;
	vm13 =	vlt.s32 v20, v44  }
0x73: {  	vm15 =	vlt.s32 v40, v43;
	vm10 =	vlt.s32 v48, v52;
	vm12 =	vlt.s32 v47, v51  }
0x74: {  	v54 =	vsel vm13, v44, v20;
	v14 =	vsel vm13, v20, v44;
	v57 =	vsel vm15, v40, v43  }
0x75: {  	v9 =	vsel vm15, v43, v40;
	v29 =	vsel vm10, v52, v48;
	v30 =	vsel vm10, v48, v52  }
0x76: {  	vm13 =	vlt.s32 v15, v11;
	v32 =	vsel vm12, v47, v51;
	v17 =	vsel vm12, v51, v47  }
0x77: {  	vm14 =	vlt.s32 v53, v54;
	vm5 =	vlt.s32 v57, v58;
	vm11 =	vlt.s32 v28, v29  }
0x78: {  	v33 =	vsel vm13, v11, v15;
	v11 =	vsel vm13, v15, v11;
	vm13 =	vgt.s32 v8, v16  }
0x79: {  	v55 =	vsel vm14, v54, v53;
	v56 =	vsel vm14, v53, v54;
	v59 =	vsel vm5, v58, v57  }
0x7a: {  	v60 =	vsel vm5, v57, v58;
	v31 =	vsel vm11, v29, v28;
	vm14 =	vlt.s32 v32, v33  }
0x7b: {  	v8 =	vsel vm13, v8, v16;
	vm6 =	vlt.s32 v9, v55;
	vm7 =	vlt.s32 v59, v56  }
0x7c: {  	vm8 =	vlt.s32 v60, v14;
	v34 =	vsel vm14, v33, v32;
	v35 =	vsel vm14, v32, v33  }
0x7d: {  	vm15 =	vlt.s32 v17, v31;
	v61 =	vsel vm6, v55, v9;
	v9 =	vsel vm6, v9, v55  }
0x7e: {  	v62 =	vsel vm7, v56, v59;
	v12 =	vsel vm7, v59, v56;
	v63 =	vsel vm8, v14, v60  }
0x7f: {  	v13 =	vsel vm8, v60, v14;
	v14 =	vsel vm11, v28, v29;
	v36 =	vsel vm15, v31, v17  }
0x80: {  	v41 =	vld [tilespmem:s19+$0x4000];
	v17 =	vsel vm15, v17, v31;
	vm5 =	vlt.s32 v35, v30;
	vm6 =	vgt.s32 v10, v11  }
0x81: {  	v42 =	vld [tilespmem:s19+$0x4080];
	vm4 =	vlt.s32 v34, v14;
	v38 =	vsel vm5, v30, v35;
	v18 =	vsel vm5, v35, v30  }
0x82: {  	v46 =	vld [tilespmem:s19+$0x4180];
	v10 =	vsel vm6, v10, v11;
	vm11 =	vgt.s32 v63, v17;
	vm12 =	vgt.s32 v13, v36  }
0x83: {  	v50 =	vld [tilespmem:s19+$0x4280];
	v37 =	vsel vm4, v14, v34;
	v14 =	vsel vm4, v34, v14;
	vm7 =	vgt.s32 v61, v18  }
0x84: {  	v44 =	vld [tilespmem:s19+$0x4100];
	vm8 =	vgt.s32 v9, v38;
	v40 =	vsel vm11, v63, v17;
	v13 =	vsel vm12, v13, v36  }
0x85: {  	v48 =	vld [tilespmem:s19+$0x4200];
	v39 =	vsel vm7, v61, v18;
	vm9 =	vgt.s32 v62, v14;
	vm10 =	vgt.s32 v12, v37  }
0x86: {  	v52 =	vld [tilespmem:s19+$0x4300];
	v9 =	vsel vm8, v9, v38;
	v14 =	vsel vm9, v62, v14;
	v12 =	vsel vm10, v12, v37  }
0x87: {  	v54 =	vld [tilespmem:s19+$0x4380];
	vm15 =	vlt.s32 v39, v40;
	vm4 =	vlt.s32 v9, v13;
	vm14 =	vlt.s32 v10, v12  }
0x88: {  	v57 =	vld [tilespmem:s19+$0x5180];
	v45 =	vsel vm15, v40, v39;
	v11 =	vsel vm15, v39, v40;
	v47 =	vsel vm4, v13, v9  }
0x89: {  	v58 =	vld [tilespmem:s19+$0x5280];
	vm5 =	vlt.s32 v14, v8;
	v9 =	vsel vm4, v9, v13;
	vm15 =	vlt.s32 v44, v46  }
0x8a: {  	v32 =	vld [tilespmem:s19+$0x5380];
	vm4 =	vlt.s32 v48, v50;
	v43 =	vsel vm14, v12, v10;
	v10 =	vsel vm14, v10, v12  }
0x8b: {  	v56 =	vld [tilespmem:s19+$0x5000];
	v49 =	vsel vm5, v8, v14;
	v8 =	vsel vm5, v14, v8;
	vm14 =	vlt.s32 v41, v42  }
0x8c: {  	v28 =	vld [tilespmem:s19+$0x5080];
	v61 =	vsel vm15, v46, v44;
	v19 =	vsel vm15, v44, v46;
	v62 =	vsel vm4, v50, v48  }
0x8d: {  	v31 =	vld [tilespmem:s19+$0x5200];
	vm5 =	vlt.s32 v52, v54;
	v21 =	vsel vm4, v48, v50;
	vm6 =	vlt.s32 v43, v47  }
0x8e: {  	v30 =	vld [tilespmem:s19+$0x5100];
	vm7 =	vlt.s32 v45, v49;
	vm8 =	vlt.s32 v10, v9;
	vm9 =	vlt.s32 v11, v8  }
0x8f: {  	v59 =	vld [tilespmem:s19+$0x5300];
	v60 =	vsel vm14, v42, v41;
	v17 =	vsel vm14, v41, v42;
	v63 =	vsel vm5, v54, v52  }
0x90: {  	v23 =	vsel vm5, v52, v54;
	v51 =	vsel vm6, v47, v43;
	v15 =	vsel vm6, v43, v47  }
0x91: {  	v53 =	vsel vm7, v49, v45;
	v12 =	vsel vm7, v45, v49;
	v55 =	vsel vm8, v9, v10  }
0x92: {  	v26 =	vsel vm8, v10, v9;
	v27 =	vsel vm9, v8, v11;
	v29 =	vsel vm9, v11, v8  }
0x93: {  	vm6 =	vlt.s32 v56, v28;
	vm7 =	vlt.s32 v30, v57;
	vm8 =	vlt.s32 v31, v58  }
0x94: {  	vm9 =	vlt.s32 v59, v32;
	vm14 =	vlt.s32 v21, v23;
	vm10 =	vlt.s32 v51, v53  }
0x95: {  	vm11 =	vlt.s32 v15, v12;
	vm12 =	vlt.s32 v55, v27;
	vm13 =	vlt.s32 v26, v29  }
0x96: {  	v36 =	vsel vm6, v28, v56;
	v25 =	vsel vm6, v56, v28;
	v37 =	vsel vm7, v57, v30  }
0x97: {  	v16 =	vsel vm7, v30, v57;
	v38 =	vsel vm8, v58, v31;
	v39 =	vsel vm9, v32, v59  }
0x98: {  	v34 =	vsel vm14, v23, v21;
	v21 =	vsel vm14, v21, v23;
	v8 =	vsel vm10, v53, v51  }
0x99: {  	v9 =	vsel vm10, v51, v53;
	v10 =	vsel vm11, v12, v15;
	v11 =	vsel vm11, v15, v12  }
0x9a: {  	v12 =	vsel vm12, v27, v55;
	v13 =	vsel vm12, v55, v27;
	v14 =	vsel vm13, v29, v26  }
0x9b: {  	v15 =	vsel vm13, v26, v29;
	v27 =	vsel vm8, v31, v58;
	vm10 =	vlt.s32 v60, v61  }
0x9c: {  	v26 =	vsel vm9, v59, v32;
	vm11 =	vlt.s32 v17, v19;
	vm13 =	vlt.s32 v62, v63  }
0x9d: {  	vm4 =	vlt.s32 v36, v37;
	vm5 =	vlt.s32 v25, v16;
	vm7 =	vlt.s32 v38, v39  }
0x9e: {  	v40 =	vsel vm10, v61, v60;
	v18 =	vsel vm10, v60, v61;
	v41 =	vsel vm11, v19, v17  }
0x9f: {  	v17 =	vsel vm11, v17, v19;
	v33 =	vsel vm13, v62, v63;
	v20 =	vsel vm13, v63, v62  }
0xa0: {  	v45 =	vsel vm4, v37, v36;
	v24 =	vsel vm4, v36, v37;
	v46 =	vsel vm5, v16, v25  }
0xa1: {  	v16 =	vsel vm5, v25, v16;
	vm8 =	vlt.s32 v27, v26;
	v48 =	vsel vm7, v38, v39  }
0xa2: {  	v50 =	vsel vm7, v39, v38;
	vm12 =	vlt.s32 v18, v41;
	vm15 =	vlt.s32 v33, v34  }
0xa3: {  	vm6 =	vlt.s32 v24, v46;
	v49 =	vsel vm8, v26, v27;
	v26 =	vsel vm8, v27, v26  }
0xa4: {  	vm10 =	vlt.s32 v40, v20;
	vm14 =	vlt.s32 v17, v21;
	v42 =	vsel vm12, v41, v18  }
0xa5: {  	v18 =	vsel vm12, v18, v41;
	v43 =	vsel vm15, v34, v33;
	v44 =	vsel vm15, v33, v34  }
0xa6: {  	v47 =	vsel vm6, v46, v24;
	v24 =	vsel vm6, v24, v46;
	vm9 =	vlt.s32 v48, v49  }
0xa7: {  	v53 =	vsel vm10, v20, v40;
	v20 =	vsel vm10, v40, v20;
	v57 =	vsel vm14, v21, v17  }
0xa8: {  	v17 =	vsel vm14, v17, v21;
	vm6 =	vlt.s32 v45, v50;
	v51 =	vsel vm9, v49, v48  }
0xa9: {  	v52 =	vsel vm9, v48, v49;
	vm11 =	vlt.s32 v18, v44;
	vm13 =	vlt.s32 v42, v43  }
0xaa: {  	v63 =	vsel vm6, v50, v45;
	v28 =	vsel vm6, v45, v50;
	vm9 =	vlt.s32 v16, v26  }
0xab: {  	v54 =	vsel vm11, v44, v18;
	v18 =	vsel vm11, v18, v44;
	v56 =	vsel vm13, v42, v43  }
0xac: {  	v19 =	vsel vm13, v43, v42;
	vm7 =	vlt.s32 v24, v52;
	vm8 =	vlt.s32 v47, v51  }
0xad: {  	v39 =	vsel vm9, v26, v16;
	v16 =	vsel vm9, v16, v26;
	vm12 =	vlt.s32 v20, v54  }
0xae: {  	vm15 =	vlt.s32 v56, v57;
	v36 =	vsel vm7, v52, v24;
	v24 =	vsel vm7, v24, v52  }
0xaf: {  	v38 =	vsel vm8, v47, v51;
	v25 =	vsel vm8, v51, v47;
	vm13 =	vgt.s32 v53, v16  }
0xb0: {  	vm8 =	vgt.s32 v17, v63;
	v55 =	vsel vm12, v54, v20;
	v20 =	vsel vm12, v20, v54  }
0xb1: {  	v58 =	vsel vm15, v57, v56;
	v59 =	vsel vm15, v56, v57;
	vm0 =	vlt.s32 v28, v36  }
0xb2: {  	vm10 =	vlt.s32 v38, v39;
	v16 =	vsel vm13, v53, v16;
	v17 =	vsel vm8, v17, v63  }
0xb3: {  	vm1 =	vlt.s32 v19, v55;
	vm4 =	vlt.s32 v58, v20;
	vm5 =	vlt.s32 v59, v18  }
0xb4: {  	v37 =	vsel vm0, v36, v28;
	v28 =	vsel vm0, v28, v36;
	v40 =	vsel vm10, v39, v38  }
0xb5: {  	v41 =	vsel vm10, v38, v39;
	v60 =	vsel vm1, v55, v19;
	v19 =	vsel vm1, v19, v55  }
0xb6: {  	v61 =	vsel vm4, v20, v58;
	v20 =	vsel vm4, v58, v20;
	v62 =	vsel vm5, v18, v59  }
0xb7: {  	v46 =	vld [tilespmem:s19+$0x6000];
	v18 =	vsel vm5, v59, v18;
	vm1 =	vlt.s32 v25, v37;
	vm11 =	vlt.s32 v40, v28  }
0xb8: {  	v48 =	vld [tilespmem:s19+$0x6100];
	vm12 =	vlt.s32 v41, v24;
	v42 =	vsel vm1, v37, v25;
	v25 =	vsel vm1, v25, v37  }
0xb9: {  	v47 =	vld [tilespmem:s19+$0x6080];
	v43 =	vsel vm11, v28, v40;
	v44 =	vsel vm12, v41, v24;
	v24 =	vsel vm12, v24, v41  }
0xba: {  	v51 =	vld [tilespmem:s19+$0x6180];
	v26 =	vsel vm11, v40, v28;
	vm14 =	vgt.s32 v60, v44;
	vm15 =	vgt.s32 v19, v24  }
0xbb: {  	v52 =	vld [tilespmem:s19+$0x6200];
	vm4 =	vgt.s32 v61, v26;
	vm5 =	vgt.s32 v20, v43;
	vm6 =	vgt.s32 v62, v25  }
0xbc: {  	v54 =	vld [tilespmem:s19+$0x6280];
	vm7 =	vgt.s32 v18, v42;
	v45 =	vsel vm14, v60, v44;
	v19 =	vsel vm15, v19, v24  }
0xbd: {  	v55 =	vld [tilespmem:s19+$0x6300];
	v23 =	vsel vm4, v61, v26;
	v20 =	vsel vm5, v20, v43;
	v21 =	vsel vm6, v62, v25  }
0xbe: {  	v58 =	vld [tilespmem:s19+$0x6380];
	v18 =	vsel vm7, v18, v42;
	vm9 =	vlt.s32 v16, v20;
	vm10 =	vlt.s32 v45, v21  }
0xbf: {  	vm11 =	vlt.s32 v19, v18;
	vm12 =	vlt.s32 v23, v17;
	v49 =	vsel vm9, v20, v16  }
0xc0: {  	v16 =	vsel vm9, v16, v20;
	v50 =	vsel vm10, v21, v45;
	v21 =	vsel vm10, v45, v21  }
0xc1: {  	v29 =	vsel vm11, v18, v19;
	v18 =	vsel vm11, v19, v18;
	v53 =	vsel vm12, v17, v23  }
0xc2: {  	v63 =	vld [tilespmem:s19+$0x7200];
	v17 =	vsel vm12, v23, v17;
	vm9 =	vlt.s32 v46, v47;
	vm10 =	vlt.s32 v48, v51  }
0xc3: {  	v36 =	vld [tilespmem:s19+$0x7080];
	vm11 =	vlt.s32 v52, v54;
	vm12 =	vlt.s32 v55, v58;
	vm13 =	vlt.s32 v49, v29  }
0xc4: {  	v39 =	vld [tilespmem:s19+$0x7280];
	vm14 =	vlt.s32 v50, v53;
	vm15 =	vlt.s32 v16, v18;
	vm4 =	vlt.s32 v21, v17  }
0xc5: {  	v59 =	vld [tilespmem:s19+$0x7000];
	v40 =	vsel vm9, v47, v46;
	v24 =	vsel vm9, v46, v47;
	v46 =	vsel vm10, v51, v48  }
0xc6: {  	v38 =	vld [tilespmem:s19+$0x7100];
	v26 =	vsel vm10, v48, v51;
	v47 =	vsel vm11, v54, v52;
	v27 =	vsel vm11, v52, v54  }
0xc7: {  	v62 =	vld [tilespmem:s19+$0x7180];
	v48 =	vsel vm12, v58, v55;
	v31 =	vsel vm12, v55, v58;
	v56 =	vsel vm13, v29, v49  }
0xc8: {  	v29 =	vsel vm13, v49, v29;
	v57 =	vsel vm14, v53, v50;
	v19 =	vsel vm14, v50, v53  }
0xc9: {  	v60 =	vsel vm15, v18, v16;
	v35 =	vsel vm15, v16, v18;
	v61 =	vsel vm4, v17, v21  }
0xca: {  	v37 =	vsel vm4, v21, v17;
	vm13 =	vlt.s32 v59, v36;
	vm15 =	vlt.s32 v63, v39  }
0xcb: {  	vm5 =	vlt.s32 v56, v57;
	vm6 =	vlt.s32 v29, v19;
	vm7 =	vlt.s32 v60, v61  }
0xcc: {  	v44 =	vld [tilespmem:s19+$0x7300];
	vm8 =	vlt.s32 v35, v37;
	vm14 =	vlt.s32 v38, v62;
	v49 =	vsel vm13, v36, v59  }
0xcd: {  	v45 =	vld [tilespmem:s19+$0x7380];
	v34 =	vsel vm13, v59, v36;
	v51 =	vsel vm15, v39, v63;
	v22 =	vsel vm5, v57, v56  }
0xce: {  	v21 =	vsel vm5, v56, v57;
	v16 =	vsel vm6, v19, v29;
	v17 =	vsel vm6, v29, v19  }
0xcf: {  	v23 =	vsel vm7, v61, v60;
	v18 =	vsel vm7, v60, v61;
	v19 =	vsel vm8, v37, v35  }
0xd0: {  	v20 =	vsel vm8, v35, v37;
	v50 =	vsel vm14, v62, v38;
	v32 =	vsel vm14, v38, v62  }
0xd1: {  	v29 =	vsel vm15, v63, v39;
	vm5 =	vlt.s32 v40, v46;
	vm6 =	vlt.s32 v24, v26  }
0xd2: {  	vm7 =	vlt.s32 v47, v48;
	vm8 =	vlt.s32 v27, v31;
	vm4 =	vlt.s32 v44, v45  }
0xd3: {  	v53 =	vsel vm5, v46, v40;
	v25 =	vsel vm5, v40, v46;
	v54 =	vsel vm6, v26, v24  }
0xd4: {  	v24 =	vsel vm6, v24, v26;
	v55 =	vsel vm7, v47, v48;
	v41 =	vsel vm8, v31, v27  }
0xd5: {  	v28 =	vsel vm7, v48, v47;
	v27 =	vsel vm8, v27, v31;
	vm11 =	vlt.s32 v49, v50  }
0xd6: {  	vm12 =	vlt.s32 v34, v32;
	v52 =	vsel vm4, v45, v44;
	v35 =	vsel vm4, v44, v45  }
0xd7: {  	vm9 =	vlt.s32 v25, v54;
	vm10 =	vlt.s32 v55, v41;
	v57 =	vsel vm11, v50, v49  }
0xd8: {  	v33 =	vsel vm11, v49, v50;
	v58 =	vsel vm12, v32, v34;
	v32 =	vsel vm12, v34, v32  }
0xd9: {  	vm5 =	vlt.s32 v53, v28;
	vm8 =	vlt.s32 v24, v27;
	v42 =	vsel vm9, v54, v25  }
0xda: {  	v25 =	vsel vm9, v25, v54;
	v56 =	vsel vm10, v41, v55;
	v26 =	vsel vm10, v55, v41  }
0xdb: {  	vm13 =	vlt.s32 v51, v52;
	vm14 =	vlt.s32 v29, v35;
	vm15 =	vlt.s32 v33, v58  }
0xdc: {  	v38 =	vsel vm5, v28, v53;
	v28 =	vsel vm5, v53, v28;
	v47 =	vsel vm8, v27, v24  }
0xdd: {  	v24 =	vsel vm8, v24, v27;
	v59 =	vsel vm13, v51, v52;
	v60 =	vsel vm14, v35, v29  }
0xde: {  	v61 =	vsel vm15, v58, v33;
	v33 =	vsel vm15, v33, v58;
	v62 =	vsel vm13, v52, v51  }
0xdf: {  	v29 =	vsel vm14, v29, v35;
	vm6 =	vlt.s32 v25, v26;
	vm7 =	vlt.s32 v42, v56  }
0xe0: {  	vm4 =	vlt.s32 v59, v60;
	v45 =	vsel vm6, v26, v25;
	v25 =	vsel vm6, v25, v26  }
0xe1: {  	v46 =	vsel vm7, v42, v56;
	v30 =	vsel vm7, v56, v42;
	vm12 =	vlt.s32 v57, v62  }
0xe2: {  	v63 =	vsel vm4, v60, v59;
	v34 =	vsel vm4, v59, v60;
	vm9 =	vlt.s32 v28, v45  }
0xe3: {  	vm10 =	vlt.s32 v46, v47;
	v52 =	vsel vm12, v57, v62;
	v55 =	vsel vm12, v62, v57  }
0xe4: {  	vm4 =	vlt.s32 v32, v29;
	v48 =	vsel vm9, v45, v28;
	v28 =	vsel vm9, v28, v45  }
0xe5: {  	v49 =	vsel vm10, v47, v46;
	v26 =	vsel vm10, v46, v47;
	vm13 =	vlt.s32 v33, v34  }
0xe6: {  	vm15 =	vlt.s32 v61, v63;
	v59 =	vsel vm4, v29, v32;
	v29 =	vsel vm4, v32, v29  }
0xe7: {  	vm0 =	vlt.s32 v30, v48;
	vm11 =	vlt.s32 v49, v28;
	vm2 =	vlt.s32 v26, v25  }
0xe8: {  	v53 =	vsel vm13, v34, v33;
	v56 =	vsel vm13, v33, v34;
	v58 =	vsel vm15, v63, v61  }
0xe9: {  	v35 =	vsel vm15, v61, v63;
	vm8 =	vgt.s32 v38, v29;
	vm15 =	vgt.s32 v24, v55  }
0xea: {  	v50 =	vsel vm0, v48, v30;
	v30 =	vsel vm0, v30, v48;
	v51 =	vsel vm11, v28, v49  }
0xeb: {  	v27 =	vsel vm11, v49, v28;
	v54 =	vsel vm2, v25, v26;
	v25 =	vsel vm2, v26, v25  }
0xec: {  	vm14 =	vlt.s32 v52, v53;
	vm0 =	vlt.s32 v35, v59;
	v29 =	vsel vm8, v38, v29  }
0xed: {  	v24 =	vsel vm15, v24, v55;
	v57 =	vsel vm14, v53, v52;
	v28 =	vsel vm14, v52, v53  }
0xee: {  	v60 =	vsel vm0, v59, v35;
	v35 =	vsel vm0, v35, v59;
	vm5 =	vlt.s32 v58, v57  }
0xef: {  	vm6 =	vlt.s32 v60, v28;
	vm7 =	vlt.s32 v35, v56;
	v61 =	vsel vm5, v57, v58  }
0xf0: {  	v33 =	vsel vm5, v58, v57;
	v62 =	vsel vm6, v28, v60;
	v63 =	vsel vm7, v35, v56  }
0xf1: {  	v28 =	vsel vm6, v60, v28;
	v31 =	vsel vm7, v56, v35;
	vm9 =	vgt.s32 v50, v63  }
0xf2: {  	vm10 =	vgt.s32 v30, v31;
	vm11 =	vgt.s32 v51, v28;
	vm12 =	vgt.s32 v27, v62  }
0xf3: {  	vm13 =	vgt.s32 v54, v33;
	vm14 =	vgt.s32 v25, v61;
	v32 =	vsel vm9, v50, v63  }
0xf4: {  	v30 =	vsel vm10, v30, v31;
	v28 =	vsel vm11, v51, v28;
	v27 =	vsel vm12, v27, v62  }
0xf5: {  	v37 =	vsel vm13, v54, v33;
	v25 =	vsel vm14, v25, v61;
	vm4 =	vlt.s32 v29, v27  }
0xf6: {  	vm5 =	vlt.s32 v32, v37;
	vm6 =	vlt.s32 v30, v25;
	vm7 =	vlt.s32 v28, v24  }
0xf7: {  	v38 =	vsel vm4, v27, v29;
	v27 =	vsel vm4, v29, v27;
	v39 =	vsel vm5, v37, v32  }
0xf8: {  	v31 =	vsel vm5, v32, v37;
	v40 =	vsel vm6, v25, v30;
	v25 =	vsel vm6, v30, v25  }
0xf9: {  	v41 =	vsel vm7, v24, v28;
	v24 =	vsel vm7, v28, v24;
	vm4 =	vgt.s32 v5, v15  }
0xfa: {  	vm5 =	vgt.s32 v0, v14;
	vm6 =	vgt.s32 v6, v13;
	vm7 =	vgt.s32 v2, v12  }
0xfb: {  	vm8 =	vlt.s32 v38, v40;
	vm9 =	vlt.s32 v39, v41;
	vm10 =	vlt.s32 v27, v25  }
0xfc: {  	vm11 =	vlt.s32 v31, v24;
	v5 =	vsel vm4, v5, v15;
	v0 =	vsel vm5, v0, v14  }
0xfd: {  	v6 =	vsel vm6, v6, v13;
	v2 =	vsel vm7, v2, v12;
	v42 =	vsel vm8, v40, v38  }
0xfe: {  	v26 =	vsel vm8, v38, v40;
	v43 =	vsel vm9, v41, v39;
	v29 =	vsel vm9, v39, v41  }
0xff: {  	v44 =	vsel vm10, v25, v27;
	v25 =	vsel vm10, v27, v25;
	v45 =	vsel vm11, v24, v31  }
0x100: {  	v24 =	vsel vm11, v31, v24;
	vm8 =	vgt.s32 v3, v11;
	vm9 =	vgt.s32 v4, v10  }
0x101: {  	vm10 =	vgt.s32 v7, v9;
	vm11 =	vgt.s32 v1, v8;
	vm12 =	vlt.s32 v42, v43  }
0x102: {  	vm13 =	vlt.s32 v26, v29;
	vm14 =	vlt.s32 v44, v45;
	vm15 =	vlt.s32 v25, v24  }
0x103: {  	v3 =	vsel vm8, v3, v11;
	v4 =	vsel vm9, v4, v10;
	v7 =	vsel vm10, v7, v9  }
0x104: {  	v1 =	vsel vm11, v1, v8;
	v46 =	vsel vm12, v43, v42;
	v28 =	vsel vm12, v42, v43  }
0x105: {  	v47 =	vsel vm13, v29, v26;
	v26 =	vsel vm13, v26, v29;
	v48 =	vsel vm14, v45, v44  }
0x106: {  	v27 =	vsel vm14, v44, v45;
	v49 =	vsel vm15, v24, v25;
	v24 =	vsel vm15, v25, v24  }
0x107: {  	vm12 =	vlt.s32 v5, v3;
	vm13 =	vlt.s32 v0, v4;
	vm14 =	vlt.s32 v6, v7  }
0x108: {  	vm15 =	vlt.s32 v2, v1;
	v50 =	vsel vm12, v3, v5;
	v3 =	vsel vm12, v5, v3  }
0x109: {  	v51 =	vsel vm13, v4, v0;
	v0 =	vsel vm13, v0, v4;
	v52 =	vsel vm14, v7, v6  }
0x10a: {  	v6 =	vsel vm14, v6, v7;
	v53 =	vsel vm15, v1, v2;
	v1 =	vsel vm15, v2, v1  }
0x10b: {  	vm12 =	vgt.s32 v22, v24;
	vm13 =	vgt.s32 v21, v49;
	vm14 =	vgt.s32 v16, v27  }
0x10c: {  	vm15 =	vgt.s32 v17, v48;
	vm4 =	vlt.s32 v50, v52;
	vm5 =	vlt.s32 v51, v53  }
0x10d: {  	vm6 =	vlt.s32 v3, v6;
	vm7 =	vlt.s32 v0, v1;
	v62 =	vsel vm12, v22, v24  }
0x10e: {  	v63 =	vsel vm13, v21, v49;
	v21 =	vsel vm14, v16, v27;
	v22 =	vsel vm15, v17, v48  }
0x10f: {  	v54 =	vsel vm4, v52, v50;
	v4 =	vsel vm4, v50, v52;
	v55 =	vsel vm5, v53, v51  }
0x110: {  	v5 =	vsel vm5, v51, v53;
	v56 =	vsel vm6, v6, v3;
	v3 =	vsel vm6, v3, v6  }
0x111: {  	v57 =	vsel vm7, v1, v0;
	v0 =	vsel vm7, v0, v1;
	vm4 =	vgt.s32 v23, v26  }
0x112: {  	vm5 =	vgt.s32 v18, v47;
	vm6 =	vgt.s32 v19, v28;
	vm7 =	vgt.s32 v20, v46  }
0x113: {  	vm8 =	vlt.s32 v54, v55;
	vm9 =	vlt.s32 v4, v5;
	vm10 =	vlt.s32 v56, v57  }
0x114: {  	vm11 =	vlt.s32 v3, v0;
	v23 =	vsel vm4, v23, v26;
	v24 =	vsel vm5, v18, v47  }
0x115: {  	v25 =	vsel vm6, v19, v28;
	v26 =	vsel vm7, v20, v46;
	v58 =	vsel vm8, v55, v54  }
0x116: {  	v2 =	vsel vm8, v54, v55;
	v59 =	vsel vm9, v5, v4;
	v4 =	vsel vm9, v4, v5  }
0x117: {  	v60 =	vsel vm10, v57, v56;
	v6 =	vsel vm10, v56, v57;
	v61 =	vsel vm11, v0, v3  }
0x118: {  	v0 =	vsel vm11, v3, v0;
	vm8 =	vlt.s32 v62, v23;
	vm9 =	vlt.s32 v63, v24  }
0x119: {  	vm10 =	vlt.s32 v21, v25;
	vm11 =	vlt.s32 v22, v26;
	v27 =	vsel vm8, v23, v62  }
0x11a: {  	v3 =	vsel vm8, v62, v23;
	v28 =	vsel vm9, v24, v63;
	v9 =	vsel vm9, v63, v24  }
0x11b: {  	v29 =	vsel vm10, v25, v21;
	v10 =	vsel vm10, v21, v25;
	v30 =	vsel vm11, v26, v22  }
0x11c: {  	v11 =	vsel vm11, v22, v26;
	vm12 =	vlt.s32 v27, v29;
	vm13 =	vlt.s32 v28, v30  }
0x11d: {  	vm14 =	vlt.s32 v3, v10;
	vm15 =	vlt.s32 v9, v11;
	v31 =	vsel vm12, v29, v27  }
0x11e: {  	v13 =	vsel vm12, v27, v29;
	v32 =	vsel vm13, v30, v28;
	v12 =	vsel vm13, v28, v30  }
0x11f: {  	v33 =	vsel vm14, v10, v3;
	v3 =	vsel vm14, v3, v10;
	v34 =	vsel vm15, v11, v9  }
0x120: {  	v9 =	vsel vm15, v9, v11;
	vm4 =	vlt.s32 v31, v32;
	vm5 =	vlt.s32 v13, v12  }
0x121: {  	vm6 =	vlt.s32 v33, v34;
	vm7 =	vlt.s32 v3, v9;
	v35 =	vsel vm4, v32, v31  }
0x122: {  	v15 =	vsel vm4, v31, v32;
	v36 =	vsel vm5, v12, v13;
	v12 =	vsel vm5, v13, v12  }
0x123: {  	v37 =	vsel vm6, v34, v33;
	v38 =	vsel vm7, v9, v3;
	v3 =	vsel vm7, v3, v9  }
0x124: {  	v39 =	vsel vm6, v33, v34;
	vm8 =	vgt.s32 v58, v3;
	vm9 =	vgt.s32 v2, v38  }
0x125: {  	vm10 =	vgt.s32 v59, v39;
	vm11 =	vgt.s32 v4, v37;
	vm12 =	vgt.s32 v60, v12  }
0x126: {  	vm13 =	vgt.s32 v6, v36;
	vm14 =	vgt.s32 v61, v15;
	vm15 =	vgt.s32 v0, v35  }
0x127: {  	v1 =	vsel vm8, v58, v3;
	v2 =	vsel vm9, v2, v38;
	v40 =	vsel vm10, v59, v39  }
0x128: {  	v4 =	vsel vm11, v4, v37;
	v5 =	vsel vm12, v60, v12;
	v6 =	vsel vm13, v6, v36  }
0x129: {  	v7 =	vsel vm14, v61, v15;
	v0 =	vsel vm15, v0, v35;
	vm4 =	vlt.s32 v1, v5  }
0x12a: {  	vm5 =	vlt.s32 v2, v6;
	vm6 =	vlt.s32 v40, v7;
	vm7 =	vlt.s32 v4, v0  }
0x12b: {  	v41 =	vsel vm4, v5, v1;
	v1 =	vsel vm4, v1, v5;
	v42 =	vsel vm5, v6, v2  }
0x12c: {  	v2 =	vsel vm5, v2, v6;
	v43 =	vsel vm6, v7, v40;
	v3 =	vsel vm6, v40, v7  }
0x12d: {  	v44 =	vsel vm7, v0, v4;
	v0 =	vsel vm7, v4, v0;
	vm8 =	vlt.s32 v41, v43  }
0x12e: {  	vm9 =	vlt.s32 v42, v44;
	vm10 =	vlt.s32 v1, v3;
	vm11 =	vlt.s32 v2, v0  }
0x12f: {  	v45 =	vsel vm8, v43, v41;
	v6 =	vsel vm8, v41, v43;
	v46 =	vsel vm9, v44, v42  }
0x130: {  	v5 =	vsel vm9, v42, v44;
	v47 =	vsel vm10, v3, v1;
	v1 =	vsel vm10, v1, v3  }
0x131: {  	v48 =	vsel vm11, v0, v2;
	v0 =	vsel vm11, v2, v0;
	vm12 =	vlt.s32 v45, v46  }
0x132: {  	vm13 =	vlt.s32 v6, v5;
	vm14 =	vlt.s32 v47, v48;
	vm15 =	vlt.s32 v1, v0  }
0x133: {  	v49 =	vsel vm12, v46, v45;
	v4 =	vsel vm12, v45, v46;
	v8 =	vsel vm13, v5, v6  }
0x134: {  	v5 =	vsel vm13, v6, v5;
	v6 =	vsel vm14, v48, v47;
	v3 =	vsel vm14, v47, v48  }
0x135: {  	v10 =	vsel vm15, v0, v1;
	v0 =	vsel vm15, v1, v0;
	v50 =	vshra.s32 v49, $0x1F  }
0x136: {  	v51 =	vand.u32 $0xFFFFFFC0, v49;
	v53 =	vand.u32 $0xFFFFFFC0, v4;
	v54 =	vshra.s32 v4, $0x1F  }
0x137: {  	v55 =	vshra.s32 v8, $0x1F;
	v56 =	vand.u32 $0xFFFFFFC0, v8;
	v58 =	vshra.s32 v5, $0x1F  }
0x138: {  	v59 =	vand.u32 $0xFFFFFFC0, v5;
	v61 =	vshra.s32 v6, $0x1F;
	v7 =	vand.u32 $0x7FFFFFFF, v50  }
0x139: {  	v62 =	vand.u32 $0xFFFFFFC0, v6;
	v9 =	vand.u32 $0x7FFFFFFF, v54;
	v52 =	vxor.u32 v51, v7  }
0x13a: {  	v63 =	vshra.s32 v3, $0x1F;
	v7 =	vxor.u32 v53, v9;
	v60 =	vsub.f32 v52, v52  }
0x13b: {  	v20 =	vand.u32 $0xFFFFFFC0, v3;
	v11 =	vand.u32 $0x7FFFFFFF, v55;
	v7 =	vsub.f32 v7, v52  }
0x13c: {  	v12 =	vand.u32 $0x7FFFFFFF, v61;
	v57 =	vxor.u32 v56, v11;
	v13 =	vmul.f32 $1.442695020e+00, v60  }
0x13d: {  	v11 =	vand.u32 $0x7FFFFFFF, v58;
	v9 =	vsub.f32 v57, v52;
	v7 =	vmul.f32 $1.442695020e+00, v7  }
0x13e: {  	v15 =	vand.u32 $0x7FFFFFFF, v63;
	v11 =	vxor.u32 v59, v11;
	(erf) = vpow2.f32 v13  }
0x13f: {  	v22 =	vsub.f32 v11, v52;
	v21 =	vmul.f32 $1.442695020e+00, v9;
	(erf) = vpow2.f32 v7  }
0x140: {  	v25 =	vshra.s32 v10, $0x1F;
	v23 =	vxor.u32 v62, v12;
	v24 =	vxor.u32 v20, v15  }
0x141: {  	v27 =	vsub.f32 v23, v52;
	v26 =	vmul.f32 $1.442695020e+00, v22;
	(erf) = vpow2.f32 v21  }
0x142: {  	v28 =	vand.u32 $0xFFFFFFC0, v10;
	v29 =	vshra.s32 v0, $0x1F;
	v31 =	vsub.f32 v24, v52  }
0x143: {  	v30 =	vmul.f32 $1.442695020e+00, v27;
	v13 =	vand.u32 $0x7FFFFFFF, v25;
	(erf) = vpow2.f32 v26  }
0x144: {  	v32 =	vand.u32 $0xFFFFFFC0, v0;
	v33 =	vand.u32 $0x7FFFFFFF, v29;
	v11 =	vxor.u32 v28, v13  }
0x145: {  	v34 =	vmul.f32 $1.442695020e+00, v31;
	v35 =	vsub.f32 v11, v52;
	(erf) = vpow2.f32 v30  }
0x146: {  	v36 =	vxor.u32 v32, v33  }
0x147: {  	v1 =	vsub.f32 v36, v52;
	v38 =	vmul.f32 $1.442695020e+00, v35;
	v37 =	vpop (erf);
	(erf) = vpow2.f32 v34  }
0x148: {  	v39 =	vpop (erf)  }
0x149: {  	v1 =	vmul.f32 $1.442695020e+00, v1;
	(erf) = vpow2.f32 v38;
	v40 =	vadd.f32 v39, v37  }
0x14a: {  	v41 =	vpop (erf)  }
0x14b: {  	(erf) = vpow2.f32 v1;
	v42 =	vadd.f32 v40, v41  }
0x14c: {  	v43 =	vpop (erf)  }
0x14d: {  	v1 =	vadd.f32 v42, v43  }
0x14e: {  	v44 =	vpop (erf)  }
0x14f: {  	v1 =	vadd.f32 v1, v44  }
0x150: {  	v45 =	vpop (erf)  }
0x151: {  	v1 =	vadd.f32 v1, v45  }
0x152: {  	v46 =	vpop (erf)  }
0x153: {  	v1 =	vadd.f32 v1, v46  }
0x154: {  	v47 =	vpop (erf)  }
0x155: {  	v1 =	vadd.f32 v1, v47;
	_ =	sdelay $0x1  }
0x156: {  	(erf) = vrcp.f32 v1;
	_ =	sdelay $0x2  }
0x157: {  	v48 =	vandn.u32 $0x3F, v49  }
0x158: {  	v49 =	vandn.u32 $0x3F, v4;
	[tilespmem:s19+$0x10000] =	vst v48  }
0x159: {  	[tilespmem:s19+$0x10080] =	vst v49;
	v50 =	vandn.u32 $0x3F, v8  }
0x15a: {  	[tilespmem:s19+$0x10100] =	vst v50;
	v51 =	vandn.u32 $0x3F, v5  }
0x15b: {  	v53 =	vandn.u32 $0x3F, v3;
	[tilespmem:s21+$0x10000] =	vst v51  }
0x15c: {  	v54 =	vandn.u32 $0x3F, v10;
	[tilespmem:s19+$0x10280] =	vst v53  }
0x15d: {  	[tilespmem:s19+$0x10300] =	vst v54;
	v52 =	vandn.u32 $0x3F, v6;
	v55 =	vpop (erf)  }
0x15e: {  	v0 =	vandn.u32 $0x3F, v0;
	[tilespmem:s19+$0x10200] =	vst v52;
	v56 =	vmul.f32 v55, v37  }
0x15f: {  	[tilespmem:s20+$0x10000] =	vst v0;
	v57 =	vmul.f32 v55, v39  }
0x160: {  	v58 =	vmul.f32 v55, v41;
	[tilespmem:s19+$0x12000] =	vst v56  }
0x161: {  	v59 =	vmul.f32 v55, v43;
	[tilespmem:s19+$0x12080] =	vst v57  }
0x162: {  	p0 =	sne.s32 s18, $0x1F0;
	v60 =	vmul.f32 v55, v44;
	[tilespmem:s19+$0x12100] =	vst v58  }
.Ltmp0:
0x163: {  	v61 =	vmul.f32 v55, v45;
	[tilespmem:s21+$0x12000] =	vst v59;
	(pc) =	sbr.rel @p0 .LBB2_2-.Ltmp0, $4  }
0x164: {  	v62 =	vmul.f32 v55, v46;
	[tilespmem:s19+$0x12200] =	vst v60  }
0x165: {  	v63 =	vmul.f32 v55, v47;
	[tilespmem:s19+$0x12280] =	vst v61  }
0x166: {  	[tilespmem:s19+$0x12300] =	vst v62  }
0x167: {  	s17 =	sadd.s32 $0x80, s17;
	s18 =	sadd.s32 $0x10, s18;
	[tilespmem:s20+$0x12000] =	vst v63  }
0x168: {  	_ =	swait.ge [sflag:s12], $0x8000  }
0x169: {  	[sflag:s12] =	ssyncset.done $0x0  }
0x16a: {  	s17 =	simm.s32 $0x0;
	s18 =	simm.s32 $0x0;
	[sflag:s12] =	ssyncadd.s32 $0xFFFF8000  }
.LBB2_4:
0x16b: {  	s19 =	sand.u32 $0x70, s18;
	s20 =	sand.u32 $0xC00, s17  }
0x16c: {  	s19 =	sor.u32 s19, s20  }
0x16d: {  	v0 =	vld [tilespmem:s19+$0x8000]  }
0x16e: {  	v1 =	vld [tilespmem:s19+$0x8080]  }
0x16f: {  	v2 =	vld [tilespmem:s19+$0x8100]  }
0x170: {  	v3 =	vld [tilespmem:s19+$0x8180]  }
0x171: {  	v4 =	vld [tilespmem:s19+$0x8200]  }
0x172: {  	v5 =	vld [tilespmem:s19+$0x8280]  }
0x173: {  	v6 =	vld [tilespmem:s19+$0x8300]  }
0x174: {  	v7 =	vld [tilespmem:s19+$0x8380]  }
0x175: {  	v8 =	vld [tilespmem:s19+$0x9000]  }
0x176: {  	v9 =	vld [tilespmem:s19+$0x9080]  }
0x177: {  	v10 =	vld [tilespmem:s19+$0x9100]  }
0x178: {  	v11 =	vld [tilespmem:s19+$0x9180]  }
0x179: {  	v12 =	vld [tilespmem:s19+$0x9200]  }
0x17a: {  	v13 =	vld [tilespmem:s19+$0x9280]  }
0x17b: {  	v14 =	vld [tilespmem:s19+$0x9300]  }
0x17c: {  	v15 =	vld [tilespmem:s19+$0x9380];
	_ =	sdelay $0x2  }
0x17d: {  	vm0 =	vlt.s32 v0, v1;
	vm1 =	vlt.s32 v2, v3  }
0x17e: {  	vm12 =	vlt.s32 v4, v5;
	vm13 =	vlt.s32 v6, v7;
	vm14 =	vlt.s32 v8, v9  }
0x17f: {  	vm15 =	vlt.s32 v10, v11;
	vm4 =	vlt.s32 v12, v13;
	vm5 =	vlt.s32 v14, v15  }
0x180: {  	v16 =	vsel vm0, v1, v0;
	v0 =	vsel vm0, v0, v1;
	v52 =	vsel vm1, v3, v2  }
0x181: {  	v2 =	vsel vm1, v2, v3;
	v53 =	vsel vm12, v5, v4;
	v4 =	vsel vm12, v4, v5  }
0x182: {  	v54 =	vsel vm13, v7, v6;
	v6 =	vsel vm13, v6, v7;
	v55 =	vsel vm14, v9, v8  }
0x183: {  	v8 =	vsel vm14, v8, v9;
	v56 =	vsel vm15, v11, v10;
	v10 =	vsel vm15, v10, v11  }
0x184: {  	v57 =	vsel vm4, v13, v12;
	v12 =	vsel vm4, v12, v13;
	v58 =	vsel vm5, v15, v14  }
0x185: {  	v14 =	vsel vm5, v14, v15;
	vm6 =	vlt.s32 v16, v52;
	vm7 =	vlt.s32 v0, v2  }
0x186: {  	vm8 =	vlt.s32 v53, v54;
	vm9 =	vlt.s32 v4, v6;
	vm11 =	vlt.s32 v55, v56  }
0x187: {  	vm12 =	vlt.s32 v8, v10;
	vm13 =	vlt.s32 v57, v58;
	vm14 =	vlt.s32 v12, v14  }
0x188: {  	v59 =	vsel vm6, v52, v16;
	v1 =	vsel vm6, v16, v52;
	v60 =	vsel vm7, v2, v0  }
0x189: {  	v0 =	vsel vm7, v0, v2;
	v61 =	vsel vm8, v53, v54;
	v17 =	vsel vm9, v6, v4  }
0x18a: {  	v3 =	vsel vm8, v54, v53;
	v4 =	vsel vm9, v4, v6;
	v63 =	vsel vm11, v56, v55  }
0x18b: {  	v7 =	vsel vm11, v55, v56;
	v20 =	vsel vm12, v10, v8;
	v8 =	vsel vm12, v8, v10  }
0x18c: {  	v21 =	vsel vm13, v57, v58;
	v22 =	vsel vm14, v14, v12;
	v24 =	vsel vm13, v58, v57  }
0x18d: {  	v25 =	vsel vm14, v12, v14;
	vm2 =	vlt.s32 v1, v60;
	vm10 =	vlt.s32 v61, v17  }
0x18e: {  	vm15 =	vlt.s32 v7, v20;
	vm4 =	vlt.s32 v21, v22;
	vm5 =	vlt.s32 v59, v3  }
0x18f: {  	vm8 =	vlt.s32 v0, v4;
	vm12 =	vlt.s32 v63, v24;
	v18 =	vsel vm2, v60, v1  }
0x190: {  	v1 =	vsel vm2, v1, v60;
	v62 =	vsel vm10, v17, v61;
	v2 =	vsel vm10, v61, v17  }
0x191: {  	v23 =	vsel vm15, v20, v7;
	v7 =	vsel vm15, v7, v20;
	v26 =	vsel vm4, v22, v21  }
0x192: {  	v10 =	vsel vm4, v21, v22;
	v27 =	vsel vm5, v3, v59;
	v3 =	vsel vm5, v59, v3  }
0x193: {  	v30 =	vsel vm8, v4, v0;
	v0 =	vsel vm8, v0, v4;
	v35 =	vsel vm12, v63, v24  }
0x194: {  	v38 =	vsel vm12, v24, v63;
	vm4 =	vlt.s32 v8, v25;
	vm6 =	vlt.s32 v1, v2  }
0x195: {  	vm7 =	vlt.s32 v18, v62;
	vm13 =	vlt.s32 v7, v10;
	vm15 =	vlt.s32 v23, v26  }
0x196: {  	v43 =	vsel vm4, v25, v8;
	v8 =	vsel vm4, v8, v25;
	v28 =	vsel vm6, v2, v1  }
0x197: {  	v1 =	vsel vm6, v1, v2;
	v29 =	vsel vm7, v18, v62;
	v5 =	vsel vm7, v62, v18  }
0x198: {  	v36 =	vsel vm13, v10, v7;
	v39 =	vsel vm13, v7, v10;
	v41 =	vsel vm15, v26, v23  }
0x199: {  	v42 =	vsel vm15, v23, v26;
	vm8 =	vgt.s32 v27, v8;
	vm15 =	vgt.s32 v0, v38  }
0x19a: {  	vm9 =	vlt.s32 v3, v28;
	vm10 =	vlt.s32 v29, v30;
	vm14 =	vlt.s32 v35, v36  }
0x19b: {  	v8 =	vsel vm8, v27, v8;
	v0 =	vsel vm15, v0, v38;
	v31 =	vsel vm9, v28, v3  }
0x19c: {  	v3 =	vsel vm9, v3, v28;
	v32 =	vsel vm10, v30, v29;
	v2 =	vsel vm10, v29, v30  }
0x19d: {  	v40 =	vsel vm14, v36, v35;
	v4 =	vsel vm14, v35, v36;
	vm0 =	vlt.s32 v5, v31  }
0x19e: {  	vm11 =	vlt.s32 v32, v3;
	vm2 =	vlt.s32 v2, v1;
	vm5 =	vlt.s32 v41, v40  }
0x19f: {  	v33 =	vsel vm0, v31, v5;
	v5 =	vsel vm0, v5, v31;
	v34 =	vsel vm11, v3, v32  }
0x1a0: {  	v3 =	vsel vm11, v32, v3;
	v37 =	vsel vm2, v1, v2;
	v1 =	vsel vm2, v2, v1  }
0x1a1: {  	v50 =	vld [tilespmem:s19+$0xA000];
	vm0 =	vlt.s32 v42, v43;
	v45 =	vsel vm5, v40, v41;
	v7 =	vsel vm5, v41, v40  }
0x1a2: {  	v51 =	vld [tilespmem:s19+$0xA080];
	v44 =	vsel vm0, v43, v42;
	v10 =	vsel vm0, v42, v43;
	vm13 =	vgt.s32 v37, v7  }
0x1a3: {  	v53 =	vld [tilespmem:s19+$0xA100];
	vm14 =	vgt.s32 v1, v45;
	vm6 =	vlt.s32 v44, v4;
	vm7 =	vlt.s32 v10, v39  }
0x1a4: {  	v54 =	vld [tilespmem:s19+$0xA180];
	v49 =	vsel vm13, v37, v7;
	v1 =	vsel vm14, v1, v45;
	v46 =	vsel vm6, v4, v44  }
0x1a5: {  	v55 =	vld [tilespmem:s19+$0xA200];
	v4 =	vsel vm6, v44, v4;
	v47 =	vsel vm7, v10, v39;
	v6 =	vsel vm7, v39, v10  }
0x1a6: {  	v57 =	vld [tilespmem:s19+$0xA280];
	vm9 =	vgt.s32 v33, v47;
	vm10 =	vgt.s32 v5, v6;
	vm12 =	vgt.s32 v3, v46  }
0x1a7: {  	v59 =	vld [tilespmem:s19+$0xA300];
	vm11 =	vgt.s32 v34, v4;
	v48 =	vsel vm9, v33, v47;
	v3 =	vsel vm12, v3, v46  }
0x1a8: {  	v61 =	vld [tilespmem:s19+$0xA380];
	v5 =	vsel vm10, v5, v6;
	v4 =	vsel vm11, v34, v4;
	vm4 =	vlt.s32 v8, v3  }
0x1a9: {  	v63 =	vld [tilespmem:s19+$0xB000];
	vm5 =	vlt.s32 v48, v49;
	vm6 =	vlt.s32 v5, v1;
	vm7 =	vlt.s32 v4, v0  }
0x1aa: {  	v21 =	vld [tilespmem:s19+$0xB080];
	v52 =	vsel vm4, v3, v8;
	v3 =	vsel vm4, v8, v3;
	v7 =	vsel vm5, v49, v48  }
0x1ab: {  	v22 =	vld [tilespmem:s19+$0xB180];
	v6 =	vsel vm5, v48, v49;
	v12 =	vsel vm6, v1, v5;
	v1 =	vsel vm6, v5, v1  }
0x1ac: {  	v28 =	vld [tilespmem:s19+$0xB100];
	v56 =	vsel vm7, v0, v4;
	v0 =	vsel vm7, v4, v0;
	vm4 =	vlt.s32 v50, v51  }
0x1ad: {  	v29 =	vld [tilespmem:s19+$0xB200];
	vm5 =	vlt.s32 v53, v54;
	vm6 =	vlt.s32 v55, v57;
	vm7 =	vlt.s32 v59, v61  }
0x1ae: {  	v30 =	vld [tilespmem:s19+$0xB280];
	vm8 =	vlt.s32 v52, v12;
	vm9 =	vlt.s32 v7, v56;
	vm10 =	vlt.s32 v3, v1  }
0x1af: {  	v31 =	vld [tilespmem:s19+$0xB300];
	vm11 =	vlt.s32 v6, v0;
	v23 =	vsel vm4, v51, v50;
	v9 =	vsel vm4, v50, v51  }
0x1b0: {  	v32 =	vld [tilespmem:s19+$0xB380];
	v24 =	vsel vm5, v54, v53;
	v8 =	vsel vm5, v53, v54;
	v33 =	vsel vm6, v57, v55  }
0x1b1: {  	v13 =	vsel vm6, v55, v57;
	v34 =	vsel vm7, v61, v59;
	v58 =	vsel vm8, v12, v52  }
0x1b2: {  	v2 =	vsel vm8, v52, v12;
	v60 =	vsel vm9, v56, v7;
	v7 =	vsel vm9, v7, v56  }
0x1b3: {  	v62 =	vsel vm10, v1, v3;
	v1 =	vsel vm10, v3, v1;
	v19 =	vsel vm11, v0, v6  }
0x1b4: {  	v20 =	vsel vm11, v6, v0;
	v12 =	vsel vm7, v59, v61;
	vm8 =	vlt.s32 v63, v21  }
0x1b5: {  	vm9 =	vlt.s32 v28, v22;
	vm10 =	vlt.s32 v29, v30;
	vm11 =	vlt.s32 v31, v32  }
0x1b6: {  	vm12 =	vlt.s32 v58, v60;
	vm13 =	vlt.s32 v2, v7;
	vm14 =	vlt.s32 v62, v19  }
0x1b7: {  	vm15 =	vlt.s32 v1, v20;
	v35 =	vsel vm8, v21, v63;
	v18 =	vsel vm8, v63, v21  }
0x1b8: {  	v36 =	vsel vm9, v22, v28;
	v15 =	vsel vm9, v28, v22;
	v37 =	vsel vm10, v30, v29  }
0x1b9: {  	v17 =	vsel vm10, v29, v30;
	v38 =	vsel vm11, v32, v31;
	v11 =	vsel vm11, v31, v32  }
0x1ba: {  	vm4 =	vlt.s32 v13, v12;
	v5 =	vsel vm12, v60, v58;
	v0 =	vsel vm12, v58, v60  }
0x1bb: {  	v6 =	vsel vm13, v7, v2;
	v2 =	vsel vm13, v2, v7;
	v3 =	vsel vm14, v19, v62  }
0x1bc: {  	v4 =	vsel vm14, v62, v19;
	v7 =	vsel vm15, v20, v1;
	v1 =	vsel vm15, v1, v20  }
0x1bd: {  	vm12 =	vlt.s32 v23, v24;
	vm13 =	vlt.s32 v9, v8;
	vm15 =	vlt.s32 v33, v34  }
0x1be: {  	v42 =	vsel vm4, v12, v13;
	v12 =	vsel vm4, v13, v12;
	vm6 =	vlt.s32 v35, v36  }
0x1bf: {  	vm7 =	vlt.s32 v18, v15;
	vm9 =	vlt.s32 v37, v38;
	vm10 =	vlt.s32 v17, v11  }
0x1c0: {  	v39 =	vsel vm12, v23, v24;
	v25 =	vsel vm13, v8, v9;
	v23 =	vsel vm12, v24, v23  }
0x1c1: {  	v8 =	vsel vm13, v9, v8;
	v41 =	vsel vm15, v33, v34;
	v10 =	vsel vm15, v34, v33  }
0x1c2: {  	v45 =	vsel vm6, v35, v36;
	v46 =	vsel vm7, v15, v18;
	v16 =	vsel vm6, v36, v35  }
0x1c3: {  	v15 =	vsel vm7, v18, v15;
	v49 =	vsel vm9, v37, v38;
	v50 =	vsel vm10, v11, v17  }
0x1c4: {  	v19 =	vsel vm9, v38, v37;
	v11 =	vsel vm10, v17, v11;
	vm14 =	vlt.s32 v39, v25  }
0x1c5: {  	vm5 =	vlt.s32 v41, v42;
	vm8 =	vlt.s32 v45, v46;
	vm11 =	vlt.s32 v49, v50  }
0x1c6: {  	vm12 =	vlt.s32 v23, v10;
	vm4 =	vlt.s32 v8, v12;
	vm9 =	vlt.s32 v16, v19  }
0x1c7: {  	v40 =	vsel vm14, v25, v39;
	v20 =	vsel vm14, v39, v25;
	v43 =	vsel vm5, v42, v41  }
0x1c8: {  	v44 =	vsel vm5, v41, v42;
	v47 =	vsel vm8, v46, v45;
	v48 =	vsel vm8, v45, v46  }
0x1c9: {  	v51 =	vsel vm11, v50, v49;
	v52 =	vsel vm11, v49, v50;
	v53 =	vsel vm12, v23, v10  }
0x1ca: {  	v10 =	vsel vm12, v10, v23;
	v58 =	vsel vm4, v12, v8;
	v8 =	vsel vm4, v8, v12  }
0x1cb: {  	v28 =	vsel vm9, v16, v19;
	v16 =	vsel vm9, v19, v16;
	vm13 =	vlt.s32 v20, v44  }
0x1cc: {  	vm15 =	vlt.s32 v40, v43;
	vm10 =	vlt.s32 v48, v52;
	vm12 =	vlt.s32 v47, v51  }
0x1cd: {  	v54 =	vsel vm13, v44, v20;
	v14 =	vsel vm13, v20, v44;
	v57 =	vsel vm15, v40, v43  }
0x1ce: {  	v9 =	vsel vm15, v43, v40;
	v29 =	vsel vm10, v52, v48;
	v30 =	vsel vm10, v48, v52  }
0x1cf: {  	vm13 =	vlt.s32 v15, v11;
	v32 =	vsel vm12, v47, v51;
	v17 =	vsel vm12, v51, v47  }
0x1d0: {  	vm14 =	vlt.s32 v53, v54;
	vm5 =	vlt.s32 v57, v58;
	vm11 =	vlt.s32 v28, v29  }
0x1d1: {  	v33 =	vsel vm13, v11, v15;
	v11 =	vsel vm13, v15, v11;
	vm13 =	vgt.s32 v8, v16  }
0x1d2: {  	v55 =	vsel vm14, v54, v53;
	v56 =	vsel vm14, v53, v54;
	v59 =	vsel vm5, v58, v57  }
0x1d3: {  	v60 =	vsel vm5, v57, v58;
	v31 =	vsel vm11, v29, v28;
	vm14 =	vlt.s32 v32, v33  }
0x1d4: {  	v8 =	vsel vm13, v8, v16;
	vm6 =	vlt.s32 v9, v55;
	vm7 =	vlt.s32 v59, v56  }
0x1d5: {  	vm8 =	vlt.s32 v60, v14;
	v34 =	vsel vm14, v33, v32;
	v35 =	vsel vm14, v32, v33  }
0x1d6: {  	vm15 =	vlt.s32 v17, v31;
	v61 =	vsel vm6, v55, v9;
	v9 =	vsel vm6, v9, v55  }
0x1d7: {  	v62 =	vsel vm7, v56, v59;
	v12 =	vsel vm7, v59, v56;
	v63 =	vsel vm8, v14, v60  }
0x1d8: {  	v13 =	vsel vm8, v60, v14;
	v14 =	vsel vm11, v28, v29;
	v36 =	vsel vm15, v31, v17  }
0x1d9: {  	v41 =	vld [tilespmem:s19+$0xC000];
	v17 =	vsel vm15, v17, v31;
	vm5 =	vlt.s32 v35, v30;
	vm6 =	vgt.s32 v10, v11  }
0x1da: {  	v42 =	vld [tilespmem:s19+$0xC080];
	vm4 =	vlt.s32 v34, v14;
	v38 =	vsel vm5, v30, v35;
	v18 =	vsel vm5, v35, v30  }
0x1db: {  	v46 =	vld [tilespmem:s19+$0xC180];
	v10 =	vsel vm6, v10, v11;
	vm11 =	vgt.s32 v63, v17;
	vm12 =	vgt.s32 v13, v36  }
0x1dc: {  	v50 =	vld [tilespmem:s19+$0xC280];
	v37 =	vsel vm4, v14, v34;
	v14 =	vsel vm4, v34, v14;
	vm7 =	vgt.s32 v61, v18  }
0x1dd: {  	v44 =	vld [tilespmem:s19+$0xC100];
	vm8 =	vgt.s32 v9, v38;
	v40 =	vsel vm11, v63, v17;
	v13 =	vsel vm12, v13, v36  }
0x1de: {  	v48 =	vld [tilespmem:s19+$0xC200];
	v39 =	vsel vm7, v61, v18;
	vm9 =	vgt.s32 v62, v14;
	vm10 =	vgt.s32 v12, v37  }
0x1df: {  	v52 =	vld [tilespmem:s19+$0xC300];
	v9 =	vsel vm8, v9, v38;
	v14 =	vsel vm9, v62, v14;
	v12 =	vsel vm10, v12, v37  }
0x1e0: {  	v54 =	vld [tilespmem:s19+$0xC380];
	vm15 =	vlt.s32 v39, v40;
	vm4 =	vlt.s32 v9, v13;
	vm14 =	vlt.s32 v10, v12  }
0x1e1: {  	v57 =	vld [tilespmem:s19+$0xD180];
	v45 =	vsel vm15, v40, v39;
	v11 =	vsel vm15, v39, v40;
	v47 =	vsel vm4, v13, v9  }
0x1e2: {  	v58 =	vld [tilespmem:s19+$0xD280];
	vm5 =	vlt.s32 v14, v8;
	v9 =	vsel vm4, v9, v13;
	vm15 =	vlt.s32 v44, v46  }
0x1e3: {  	v32 =	vld [tilespmem:s19+$0xD380];
	vm4 =	vlt.s32 v48, v50;
	v43 =	vsel vm14, v12, v10;
	v10 =	vsel vm14, v10, v12  }
0x1e4: {  	v56 =	vld [tilespmem:s19+$0xD000];
	v49 =	vsel vm5, v8, v14;
	v8 =	vsel vm5, v14, v8;
	vm14 =	vlt.s32 v41, v42  }
0x1e5: {  	v28 =	vld [tilespmem:s19+$0xD080];
	v61 =	vsel vm15, v46, v44;
	v19 =	vsel vm15, v44, v46;
	v62 =	vsel vm4, v50, v48  }
0x1e6: {  	v31 =	vld [tilespmem:s19+$0xD200];
	vm5 =	vlt.s32 v52, v54;
	v21 =	vsel vm4, v48, v50;
	vm6 =	vlt.s32 v43, v47  }
0x1e7: {  	v30 =	vld [tilespmem:s19+$0xD100];
	vm7 =	vlt.s32 v45, v49;
	vm8 =	vlt.s32 v10, v9;
	vm9 =	vlt.s32 v11, v8  }
0x1e8: {  	v59 =	vld [tilespmem:s19+$0xD300];
	v60 =	vsel vm14, v42, v41;
	v17 =	vsel vm14, v41, v42;
	v63 =	vsel vm5, v54, v52  }
0x1e9: {  	v23 =	vsel vm5, v52, v54;
	v51 =	vsel vm6, v47, v43;
	v15 =	vsel vm6, v43, v47  }
0x1ea: {  	v53 =	vsel vm7, v49, v45;
	v12 =	vsel vm7, v45, v49;
	v55 =	vsel vm8, v9, v10  }
0x1eb: {  	v26 =	vsel vm8, v10, v9;
	v27 =	vsel vm9, v8, v11;
	v29 =	vsel vm9, v11, v8  }
0x1ec: {  	vm6 =	vlt.s32 v56, v28;
	vm7 =	vlt.s32 v30, v57;
	vm8 =	vlt.s32 v31, v58  }
0x1ed: {  	vm9 =	vlt.s32 v59, v32;
	vm14 =	vlt.s32 v21, v23;
	vm10 =	vlt.s32 v51, v53  }
0x1ee: {  	vm11 =	vlt.s32 v15, v12;
	vm12 =	vlt.s32 v55, v27;
	vm13 =	vlt.s32 v26, v29  }
0x1ef: {  	v36 =	vsel vm6, v28, v56;
	v25 =	vsel vm6, v56, v28;
	v37 =	vsel vm7, v57, v30  }
0x1f0: {  	v16 =	vsel vm7, v30, v57;
	v38 =	vsel vm8, v58, v31;
	v39 =	vsel vm9, v32, v59  }
0x1f1: {  	v34 =	vsel vm14, v23, v21;
	v21 =	vsel vm14, v21, v23;
	v8 =	vsel vm10, v53, v51  }
0x1f2: {  	v9 =	vsel vm10, v51, v53;
	v10 =	vsel vm11, v12, v15;
	v11 =	vsel vm11, v15, v12  }
0x1f3: {  	v12 =	vsel vm12, v27, v55;
	v13 =	vsel vm12, v55, v27;
	v14 =	vsel vm13, v29, v26  }
0x1f4: {  	v15 =	vsel vm13, v26, v29;
	v27 =	vsel vm8, v31, v58;
	vm10 =	vlt.s32 v60, v61  }
0x1f5: {  	v26 =	vsel vm9, v59, v32;
	vm11 =	vlt.s32 v17, v19;
	vm13 =	vlt.s32 v62, v63  }
0x1f6: {  	vm4 =	vlt.s32 v36, v37;
	vm5 =	vlt.s32 v25, v16;
	vm7 =	vlt.s32 v38, v39  }
0x1f7: {  	v40 =	vsel vm10, v61, v60;
	v18 =	vsel vm10, v60, v61;
	v41 =	vsel vm11, v19, v17  }
0x1f8: {  	v17 =	vsel vm11, v17, v19;
	v33 =	vsel vm13, v62, v63;
	v20 =	vsel vm13, v63, v62  }
0x1f9: {  	v45 =	vsel vm4, v37, v36;
	v24 =	vsel vm4, v36, v37;
	v46 =	vsel vm5, v16, v25  }
0x1fa: {  	v16 =	vsel vm5, v25, v16;
	vm8 =	vlt.s32 v27, v26;
	v48 =	vsel vm7, v38, v39  }
0x1fb: {  	v50 =	vsel vm7, v39, v38;
	vm12 =	vlt.s32 v18, v41;
	vm15 =	vlt.s32 v33, v34  }
0x1fc: {  	vm6 =	vlt.s32 v24, v46;
	v49 =	vsel vm8, v26, v27;
	v26 =	vsel vm8, v27, v26  }
0x1fd: {  	vm10 =	vlt.s32 v40, v20;
	vm14 =	vlt.s32 v17, v21;
	v42 =	vsel vm12, v41, v18  }
0x1fe: {  	v18 =	vsel vm12, v18, v41;
	v43 =	vsel vm15, v34, v33;
	v44 =	vsel vm15, v33, v34  }
0x1ff: {  	v47 =	vsel vm6, v46, v24;
	v24 =	vsel vm6, v24, v46;
	vm9 =	vlt.s32 v48, v49  }
0x200: {  	v53 =	vsel vm10, v20, v40;
	v20 =	vsel vm10, v40, v20;
	v57 =	vsel vm14, v21, v17  }
0x201: {  	v17 =	vsel vm14, v17, v21;
	vm6 =	vlt.s32 v45, v50;
	v51 =	vsel vm9, v49, v48  }
0x202: {  	v52 =	vsel vm9, v48, v49;
	vm11 =	vlt.s32 v18, v44;
	vm13 =	vlt.s32 v42, v43  }
0x203: {  	v63 =	vsel vm6, v50, v45;
	v28 =	vsel vm6, v45, v50;
	vm9 =	vlt.s32 v16, v26  }
0x204: {  	v54 =	vsel vm11, v44, v18;
	v18 =	vsel vm11, v18, v44;
	v56 =	vsel vm13, v42, v43  }
0x205: {  	v19 =	vsel vm13, v43, v42;
	vm7 =	vlt.s32 v24, v52;
	vm8 =	vlt.s32 v47, v51  }
0x206: {  	v39 =	vsel vm9, v26, v16;
	v16 =	vsel vm9, v16, v26;
	vm12 =	vlt.s32 v20, v54  }
0x207: {  	vm15 =	vlt.s32 v56, v57;
	v36 =	vsel vm7, v52, v24;
	v24 =	vsel vm7, v24, v52  }
0x208: {  	v38 =	vsel vm8, v47, v51;
	v25 =	vsel vm8, v51, v47;
	vm13 =	vgt.s32 v53, v16  }
0x209: {  	vm8 =	vgt.s32 v17, v63;
	v55 =	vsel vm12, v54, v20;
	v20 =	vsel vm12, v20, v54  }
0x20a: {  	v58 =	vsel vm15, v57, v56;
	v59 =	vsel vm15, v56, v57;
	vm0 =	vlt.s32 v28, v36  }
0x20b: {  	vm10 =	vlt.s32 v38, v39;
	v16 =	vsel vm13, v53, v16;
	v17 =	vsel vm8, v17, v63  }
0x20c: {  	vm1 =	vlt.s32 v19, v55;
	vm4 =	vlt.s32 v58, v20;
	vm5 =	vlt.s32 v59, v18  }
0x20d: {  	v37 =	vsel vm0, v36, v28;
	v28 =	vsel vm0, v28, v36;
	v40 =	vsel vm10, v39, v38  }
0x20e: {  	v41 =	vsel vm10, v38, v39;
	v60 =	vsel vm1, v55, v19;
	v19 =	vsel vm1, v19, v55  }
0x20f: {  	v61 =	vsel vm4, v20, v58;
	v20 =	vsel vm4, v58, v20;
	v62 =	vsel vm5, v18, v59  }
0x210: {  	v46 =	vld [tilespmem:s19+$0xE000];
	v18 =	vsel vm5, v59, v18;
	vm1 =	vlt.s32 v25, v37;
	vm11 =	vlt.s32 v40, v28  }
0x211: {  	v48 =	vld [tilespmem:s19+$0xE100];
	vm12 =	vlt.s32 v41, v24;
	v42 =	vsel vm1, v37, v25;
	v25 =	vsel vm1, v25, v37  }
0x212: {  	v47 =	vld [tilespmem:s19+$0xE080];
	v43 =	vsel vm11, v28, v40;
	v44 =	vsel vm12, v41, v24;
	v24 =	vsel vm12, v24, v41  }
0x213: {  	v51 =	vld [tilespmem:s19+$0xE180];
	v26 =	vsel vm11, v40, v28;
	vm14 =	vgt.s32 v60, v44;
	vm15 =	vgt.s32 v19, v24  }
0x214: {  	v52 =	vld [tilespmem:s19+$0xE200];
	vm4 =	vgt.s32 v61, v26;
	vm5 =	vgt.s32 v20, v43;
	vm6 =	vgt.s32 v62, v25  }
0x215: {  	v54 =	vld [tilespmem:s19+$0xE280];
	vm7 =	vgt.s32 v18, v42;
	v45 =	vsel vm14, v60, v44;
	v19 =	vsel vm15, v19, v24  }
0x216: {  	v55 =	vld [tilespmem:s19+$0xE300];
	v23 =	vsel vm4, v61, v26;
	v20 =	vsel vm5, v20, v43;
	v21 =	vsel vm6, v62, v25  }
0x217: {  	v58 =	vld [tilespmem:s19+$0xE380];
	v18 =	vsel vm7, v18, v42;
	vm9 =	vlt.s32 v16, v20;
	vm10 =	vlt.s32 v45, v21  }
0x218: {  	vm11 =	vlt.s32 v19, v18;
	vm12 =	vlt.s32 v23, v17;
	v49 =	vsel vm9, v20, v16  }
0x219: {  	v16 =	vsel vm9, v16, v20;
	v50 =	vsel vm10, v21, v45;
	v21 =	vsel vm10, v45, v21  }
0x21a: {  	v29 =	vsel vm11, v18, v19;
	v18 =	vsel vm11, v19, v18;
	v53 =	vsel vm12, v17, v23  }
0x21b: {  	v63 =	vld [tilespmem:s19+$0xF200];
	v17 =	vsel vm12, v23, v17;
	vm9 =	vlt.s32 v46, v47;
	vm10 =	vlt.s32 v48, v51  }
0x21c: {  	v36 =	vld [tilespmem:s19+$0xF080];
	vm11 =	vlt.s32 v52, v54;
	vm12 =	vlt.s32 v55, v58;
	vm13 =	vlt.s32 v49, v29  }
0x21d: {  	v39 =	vld [tilespmem:s19+$0xF280];
	vm14 =	vlt.s32 v50, v53;
	vm15 =	vlt.s32 v16, v18;
	vm4 =	vlt.s32 v21, v17  }
0x21e: {  	v59 =	vld [tilespmem:s19+$0xF000];
	v40 =	vsel vm9, v47, v46;
	v24 =	vsel vm9, v46, v47;
	v46 =	vsel vm10, v51, v48  }
0x21f: {  	v38 =	vld [tilespmem:s19+$0xF100];
	v26 =	vsel vm10, v48, v51;
	v47 =	vsel vm11, v54, v52;
	v27 =	vsel vm11, v52, v54  }
0x220: {  	v62 =	vld [tilespmem:s19+$0xF180];
	v48 =	vsel vm12, v58, v55;
	v31 =	vsel vm12, v55, v58;
	v56 =	vsel vm13, v29, v49  }
0x221: {  	v29 =	vsel vm13, v49, v29;
	v57 =	vsel vm14, v53, v50;
	v19 =	vsel vm14, v50, v53  }
0x222: {  	v60 =	vsel vm15, v18, v16;
	v35 =	vsel vm15, v16, v18;
	v61 =	vsel vm4, v17, v21  }
0x223: {  	v37 =	vsel vm4, v21, v17;
	vm13 =	vlt.s32 v59, v36;
	vm15 =	vlt.s32 v63, v39  }
0x224: {  	vm5 =	vlt.s32 v56, v57;
	vm6 =	vlt.s32 v29, v19;
	vm7 =	vlt.s32 v60, v61  }
0x225: {  	v44 =	vld [tilespmem:s19+$0xF300];
	vm8 =	vlt.s32 v35, v37;
	vm14 =	vlt.s32 v38, v62;
	v49 =	vsel vm13, v36, v59  }
0x226: {  	v45 =	vld [tilespmem:s19+$0xF380];
	v34 =	vsel vm13, v59, v36;
	v51 =	vsel vm15, v39, v63;
	v22 =	vsel vm5, v57, v56  }
0x227: {  	v21 =	vsel vm5, v56, v57;
	v16 =	vsel vm6, v19, v29;
	v17 =	vsel vm6, v29, v19  }
0x228: {  	v23 =	vsel vm7, v61, v60;
	v18 =	vsel vm7, v60, v61;
	v19 =	vsel vm8, v37, v35  }
0x229: {  	v20 =	vsel vm8, v35, v37;
	v50 =	vsel vm14, v62, v38;
	v32 =	vsel vm14, v38, v62  }
0x22a: {  	v29 =	vsel vm15, v63, v39;
	vm5 =	vlt.s32 v40, v46;
	vm6 =	vlt.s32 v24, v26  }
0x22b: {  	vm7 =	vlt.s32 v47, v48;
	vm8 =	vlt.s32 v27, v31;
	vm4 =	vlt.s32 v44, v45  }
0x22c: {  	v53 =	vsel vm5, v46, v40;
	v25 =	vsel vm5, v40, v46;
	v54 =	vsel vm6, v26, v24  }
0x22d: {  	v24 =	vsel vm6, v24, v26;
	v55 =	vsel vm7, v47, v48;
	v41 =	vsel vm8, v31, v27  }
0x22e: {  	v28 =	vsel vm7, v48, v47;
	v27 =	vsel vm8, v27, v31;
	vm11 =	vlt.s32 v49, v50  }
0x22f: {  	vm12 =	vlt.s32 v34, v32;
	v52 =	vsel vm4, v45, v44;
	v35 =	vsel vm4, v44, v45  }
0x230: {  	vm9 =	vlt.s32 v25, v54;
	vm10 =	vlt.s32 v55, v41;
	v57 =	vsel vm11, v50, v49  }
0x231: {  	v33 =	vsel vm11, v49, v50;
	v58 =	vsel vm12, v32, v34;
	v32 =	vsel vm12, v34, v32  }
0x232: {  	vm5 =	vlt.s32 v53, v28;
	vm8 =	vlt.s32 v24, v27;
	v42 =	vsel vm9, v54, v25  }
0x233: {  	v25 =	vsel vm9, v25, v54;
	v56 =	vsel vm10, v41, v55;
	v26 =	vsel vm10, v55, v41  }
0x234: {  	vm13 =	vlt.s32 v51, v52;
	vm14 =	vlt.s32 v29, v35;
	vm15 =	vlt.s32 v33, v58  }
0x235: {  	v38 =	vsel vm5, v28, v53;
	v28 =	vsel vm5, v53, v28;
	v47 =	vsel vm8, v27, v24  }
0x236: {  	v24 =	vsel vm8, v24, v27;
	v59 =	vsel vm13, v51, v52;
	v60 =	vsel vm14, v35, v29  }
0x237: {  	v61 =	vsel vm15, v58, v33;
	v33 =	vsel vm15, v33, v58;
	v62 =	vsel vm13, v52, v51  }
0x238: {  	v29 =	vsel vm14, v29, v35;
	vm6 =	vlt.s32 v25, v26;
	vm7 =	vlt.s32 v42, v56  }
0x239: {  	vm4 =	vlt.s32 v59, v60;
	v45 =	vsel vm6, v26, v25;
	v25 =	vsel vm6, v25, v26  }
0x23a: {  	v46 =	vsel vm7, v42, v56;
	v30 =	vsel vm7, v56, v42;
	vm12 =	vlt.s32 v57, v62  }
0x23b: {  	v63 =	vsel vm4, v60, v59;
	v34 =	vsel vm4, v59, v60;
	vm9 =	vlt.s32 v28, v45  }
0x23c: {  	vm10 =	vlt.s32 v46, v47;
	v52 =	vsel vm12, v57, v62;
	v55 =	vsel vm12, v62, v57  }
0x23d: {  	vm4 =	vlt.s32 v32, v29;
	v48 =	vsel vm9, v45, v28;
	v28 =	vsel vm9, v28, v45  }
0x23e: {  	v49 =	vsel vm10, v47, v46;
	v26 =	vsel vm10, v46, v47;
	vm13 =	vlt.s32 v33, v34  }
0x23f: {  	vm15 =	vlt.s32 v61, v63;
	v59 =	vsel vm4, v29, v32;
	v29 =	vsel vm4, v32, v29  }
0x240: {  	vm0 =	vlt.s32 v30, v48;
	vm11 =	vlt.s32 v49, v28;
	vm2 =	vlt.s32 v26, v25  }
0x241: {  	v53 =	vsel vm13, v34, v33;
	v56 =	vsel vm13, v33, v34;
	v58 =	vsel vm15, v63, v61  }
0x242: {  	v35 =	vsel vm15, v61, v63;
	vm8 =	vgt.s32 v38, v29;
	vm15 =	vgt.s32 v24, v55  }
0x243: {  	v50 =	vsel vm0, v48, v30;
	v30 =	vsel vm0, v30, v48;
	v51 =	vsel vm11, v28, v49  }
0x244: {  	v27 =	vsel vm11, v49, v28;
	v54 =	vsel vm2, v25, v26;
	v25 =	vsel vm2, v26, v25  }
0x245: {  	vm14 =	vlt.s32 v52, v53;
	vm0 =	vlt.s32 v35, v59;
	v29 =	vsel vm8, v38, v29  }
0x246: {  	v24 =	vsel vm15, v24, v55;
	v57 =	vsel vm14, v53, v52;
	v28 =	vsel vm14, v52, v53  }
0x247: {  	v60 =	vsel vm0, v59, v35;
	v35 =	vsel vm0, v35, v59;
	vm5 =	vlt.s32 v58, v57  }
0x248: {  	vm6 =	vlt.s32 v60, v28;
	vm7 =	vlt.s32 v35, v56;
	v61 =	vsel vm5, v57, v58  }
0x249: {  	v33 =	vsel vm5, v58, v57;
	v62 =	vsel vm6, v28, v60;
	v63 =	vsel vm7, v35, v56  }
0x24a: {  	v28 =	vsel vm6, v60, v28;
	v31 =	vsel vm7, v56, v35;
	vm9 =	vgt.s32 v50, v63  }
0x24b: {  	vm10 =	vgt.s32 v30, v31;
	vm11 =	vgt.s32 v51, v28;
	vm12 =	vgt.s32 v27, v62  }
0x24c: {  	vm13 =	vgt.s32 v54, v33;
	vm14 =	vgt.s32 v25, v61;
	v32 =	vsel vm9, v50, v63  }
0x24d: {  	v30 =	vsel vm10, v30, v31;
	v28 =	vsel vm11, v51, v28;
	v27 =	vsel vm12, v27, v62  }
0x24e: {  	v37 =	vsel vm13, v54, v33;
	v25 =	vsel vm14, v25, v61;
	vm4 =	vlt.s32 v29, v27  }
0x24f: {  	vm5 =	vlt.s32 v32, v37;
	vm6 =	vlt.s32 v30, v25;
	vm7 =	vlt.s32 v28, v24  }
0x250: {  	v38 =	vsel vm4, v27, v29;
	v27 =	vsel vm4, v29, v27;
	v39 =	vsel vm5, v37, v32  }
0x251: {  	v31 =	vsel vm5, v32, v37;
	v40 =	vsel vm6, v25, v30;
	v25 =	vsel vm6, v30, v25  }
0x252: {  	v41 =	vsel vm7, v24, v28;
	v24 =	vsel vm7, v28, v24;
	vm4 =	vgt.s32 v5, v15  }
0x253: {  	vm5 =	vgt.s32 v0, v14;
	vm6 =	vgt.s32 v6, v13;
	vm7 =	vgt.s32 v2, v12  }
0x254: {  	vm8 =	vlt.s32 v38, v40;
	vm9 =	vlt.s32 v39, v41;
	vm10 =	vlt.s32 v27, v25  }
0x255: {  	vm11 =	vlt.s32 v31, v24;
	v5 =	vsel vm4, v5, v15;
	v0 =	vsel vm5, v0, v14  }
0x256: {  	v6 =	vsel vm6, v6, v13;
	v2 =	vsel vm7, v2, v12;
	v42 =	vsel vm8, v40, v38  }
0x257: {  	v26 =	vsel vm8, v38, v40;
	v43 =	vsel vm9, v41, v39;
	v29 =	vsel vm9, v39, v41  }
0x258: {  	v44 =	vsel vm10, v25, v27;
	v25 =	vsel vm10, v27, v25;
	v45 =	vsel vm11, v24, v31  }
0x259: {  	v24 =	vsel vm11, v31, v24;
	vm8 =	vgt.s32 v3, v11;
	vm9 =	vgt.s32 v4, v10  }
0x25a: {  	vm10 =	vgt.s32 v7, v9;
	vm11 =	vgt.s32 v1, v8;
	vm12 =	vlt.s32 v42, v43  }
0x25b: {  	vm13 =	vlt.s32 v26, v29;
	vm14 =	vlt.s32 v44, v45;
	vm15 =	vlt.s32 v25, v24  }
0x25c: {  	v3 =	vsel vm8, v3, v11;
	v4 =	vsel vm9, v4, v10;
	v7 =	vsel vm10, v7, v9  }
0x25d: {  	v1 =	vsel vm11, v1, v8;
	v46 =	vsel vm12, v43, v42;
	v28 =	vsel vm12, v42, v43  }
0x25e: {  	v47 =	vsel vm13, v29, v26;
	v26 =	vsel vm13, v26, v29;
	v48 =	vsel vm14, v45, v44  }
0x25f: {  	v27 =	vsel vm14, v44, v45;
	v49 =	vsel vm15, v24, v25;
	v24 =	vsel vm15, v25, v24  }
0x260: {  	vm12 =	vlt.s32 v5, v3;
	vm13 =	vlt.s32 v0, v4;
	vm14 =	vlt.s32 v6, v7  }
0x261: {  	vm15 =	vlt.s32 v2, v1;
	v50 =	vsel vm12, v3, v5;
	v3 =	vsel vm12, v5, v3  }
0x262: {  	v51 =	vsel vm13, v4, v0;
	v0 =	vsel vm13, v0, v4;
	v52 =	vsel vm14, v7, v6  }
0x263: {  	v6 =	vsel vm14, v6, v7;
	v53 =	vsel vm15, v1, v2;
	v1 =	vsel vm15, v2, v1  }
0x264: {  	vm12 =	vgt.s32 v22, v24;
	vm13 =	vgt.s32 v21, v49;
	vm14 =	vgt.s32 v16, v27  }
0x265: {  	vm15 =	vgt.s32 v17, v48;
	vm4 =	vlt.s32 v50, v52;
	vm5 =	vlt.s32 v51, v53  }
0x266: {  	vm6 =	vlt.s32 v3, v6;
	vm7 =	vlt.s32 v0, v1;
	v62 =	vsel vm12, v22, v24  }
0x267: {  	v63 =	vsel vm13, v21, v49;
	v21 =	vsel vm14, v16, v27;
	v22 =	vsel vm15, v17, v48  }
0x268: {  	v54 =	vsel vm4, v52, v50;
	v4 =	vsel vm4, v50, v52;
	v55 =	vsel vm5, v53, v51  }
0x269: {  	v5 =	vsel vm5, v51, v53;
	v56 =	vsel vm6, v6, v3;
	v3 =	vsel vm6, v3, v6  }
0x26a: {  	v57 =	vsel vm7, v1, v0;
	v0 =	vsel vm7, v0, v1;
	vm4 =	vgt.s32 v23, v26  }
0x26b: {  	vm5 =	vgt.s32 v18, v47;
	vm6 =	vgt.s32 v19, v28;
	vm7 =	vgt.s32 v20, v46  }
0x26c: {  	vm8 =	vlt.s32 v54, v55;
	vm9 =	vlt.s32 v4, v5;
	vm10 =	vlt.s32 v56, v57  }
0x26d: {  	vm11 =	vlt.s32 v3, v0;
	v23 =	vsel vm4, v23, v26;
	v24 =	vsel vm5, v18, v47  }
0x26e: {  	v25 =	vsel vm6, v19, v28;
	v26 =	vsel vm7, v20, v46;
	v58 =	vsel vm8, v55, v54  }
0x26f: {  	v2 =	vsel vm8, v54, v55;
	v59 =	vsel vm9, v5, v4;
	v4 =	vsel vm9, v4, v5  }
0x270: {  	v60 =	vsel vm10, v57, v56;
	v6 =	vsel vm10, v56, v57;
	v61 =	vsel vm11, v0, v3  }
0x271: {  	v0 =	vsel vm11, v3, v0;
	vm8 =	vlt.s32 v62, v23;
	vm9 =	vlt.s32 v63, v24  }
0x272: {  	vm10 =	vlt.s32 v21, v25;
	vm11 =	vlt.s32 v22, v26;
	v27 =	vsel vm8, v23, v62  }
0x273: {  	v3 =	vsel vm8, v62, v23;
	v28 =	vsel vm9, v24, v63;
	v9 =	vsel vm9, v63, v24  }
0x274: {  	v29 =	vsel vm10, v25, v21;
	v10 =	vsel vm10, v21, v25;
	v30 =	vsel vm11, v26, v22  }
0x275: {  	v11 =	vsel vm11, v22, v26;
	vm12 =	vlt.s32 v27, v29;
	vm13 =	vlt.s32 v28, v30  }
0x276: {  	vm14 =	vlt.s32 v3, v10;
	vm15 =	vlt.s32 v9, v11;
	v31 =	vsel vm12, v29, v27  }
0x277: {  	v13 =	vsel vm12, v27, v29;
	v32 =	vsel vm13, v30, v28;
	v12 =	vsel vm13, v28, v30  }
0x278: {  	v33 =	vsel vm14, v10, v3;
	v3 =	vsel vm14, v3, v10;
	v34 =	vsel vm15, v11, v9  }
0x279: {  	v9 =	vsel vm15, v9, v11;
	vm4 =	vlt.s32 v31, v32;
	vm5 =	vlt.s32 v13, v12  }
0x27a: {  	vm6 =	vlt.s32 v33, v34;
	vm7 =	vlt.s32 v3, v9;
	v35 =	vsel vm4, v32, v31  }
0x27b: {  	v15 =	vsel vm4, v31, v32;
	v36 =	vsel vm5, v12, v13;
	v12 =	vsel vm5, v13, v12  }
0x27c: {  	v37 =	vsel vm6, v34, v33;
	v38 =	vsel vm7, v9, v3;
	v3 =	vsel vm7, v3, v9  }
0x27d: {  	v39 =	vsel vm6, v33, v34;
	vm8 =	vgt.s32 v58, v3;
	vm9 =	vgt.s32 v2, v38  }
0x27e: {  	vm10 =	vgt.s32 v59, v39;
	vm11 =	vgt.s32 v4, v37;
	vm12 =	vgt.s32 v60, v12  }
0x27f: {  	vm13 =	vgt.s32 v6, v36;
	vm14 =	vgt.s32 v61, v15;
	vm15 =	vgt.s32 v0, v35  }
0x280: {  	v1 =	vsel vm8, v58, v3;
	v2 =	vsel vm9, v2, v38;
	v40 =	vsel vm10, v59, v39  }
0x281: {  	v4 =	vsel vm11, v4, v37;
	v5 =	vsel vm12, v60, v12;
	v6 =	vsel vm13, v6, v36  }
0x282: {  	v7 =	vsel vm14, v61, v15;
	v0 =	vsel vm15, v0, v35;
	vm4 =	vlt.s32 v1, v5  }
0x283: {  	vm5 =	vlt.s32 v2, v6;
	vm6 =	vlt.s32 v40, v7;
	vm7 =	vlt.s32 v4, v0  }
0x284: {  	v41 =	vsel vm4, v5, v1;
	v1 =	vsel vm4, v1, v5;
	v42 =	vsel vm5, v6, v2  }
0x285: {  	v2 =	vsel vm5, v2, v6;
	v43 =	vsel vm6, v7, v40;
	v3 =	vsel vm6, v40, v7  }
0x286: {  	v44 =	vsel vm7, v0, v4;
	v0 =	vsel vm7, v4, v0;
	vm8 =	vlt.s32 v41, v43  }
0x287: {  	vm9 =	vlt.s32 v42, v44;
	vm10 =	vlt.s32 v1, v3;
	vm11 =	vlt.s32 v2, v0  }
0x288: {  	v45 =	vsel vm8, v43, v41;
	v6 =	vsel vm8, v41, v43;
	v46 =	vsel vm9, v44, v42  }
0x289: {  	v5 =	vsel vm9, v42, v44;
	v47 =	vsel vm10, v3, v1;
	v1 =	vsel vm10, v1, v3  }
0x28a: {  	v48 =	vsel vm11, v0, v2;
	v0 =	vsel vm11, v2, v0;
	vm12 =	vlt.s32 v45, v46  }
0x28b: {  	vm13 =	vlt.s32 v6, v5;
	vm14 =	vlt.s32 v47, v48;
	vm15 =	vlt.s32 v1, v0  }
0x28c: {  	v49 =	vsel vm12, v46, v45;
	v4 =	vsel vm12, v45, v46;
	v8 =	vsel vm13, v5, v6  }
0x28d: {  	v5 =	vsel vm13, v6, v5;
	v6 =	vsel vm14, v48, v47;
	v3 =	vsel vm14, v47, v48  }
0x28e: {  	v10 =	vsel vm15, v0, v1;
	v0 =	vsel vm15, v1, v0;
	v50 =	vshra.s32 v49, $0x1F  }
0x28f: {  	v51 =	vand.u32 $0xFFFFFFC0, v49;
	v53 =	vand.u32 $0xFFFFFFC0, v4;
	v54 =	vshra.s32 v4, $0x1F  }
0x290: {  	v55 =	vshra.s32 v8, $0x1F;
	v56 =	vand.u32 $0xFFFFFFC0, v8;
	v58 =	vshra.s32 v5, $0x1F  }
0x291: {  	v59 =	vand.u32 $0xFFFFFFC0, v5;
	v61 =	vshra.s32 v6, $0x1F;
	v7 =	vand.u32 $0x7FFFFFFF, v50  }
0x292: {  	v62 =	vand.u32 $0xFFFFFFC0, v6;
	v9 =	vand.u32 $0x7FFFFFFF, v54;
	v52 =	vxor.u32 v51, v7  }
0x293: {  	v63 =	vshra.s32 v3, $0x1F;
	v7 =	vxor.u32 v53, v9;
	v60 =	vsub.f32 v52, v52  }
0x294: {  	v20 =	vand.u32 $0xFFFFFFC0, v3;
	v11 =	vand.u32 $0x7FFFFFFF, v55;
	v7 =	vsub.f32 v7, v52  }
0x295: {  	v12 =	vand.u32 $0x7FFFFFFF, v61;
	v57 =	vxor.u32 v56, v11;
	v13 =	vmul.f32 $1.442695020e+00, v60  }
0x296: {  	v11 =	vand.u32 $0x7FFFFFFF, v58;
	v9 =	vsub.f32 v57, v52;
	v7 =	vmul.f32 $1.442695020e+00, v7  }
0x297: {  	v15 =	vand.u32 $0x7FFFFFFF, v63;
	v11 =	vxor.u32 v59, v11;
	(erf) = vpow2.f32 v13  }
0x298: {  	v22 =	vsub.f32 v11, v52;
	v21 =	vmul.f32 $1.442695020e+00, v9;
	(erf) = vpow2.f32 v7  }
0x299: {  	v25 =	vshra.s32 v10, $0x1F;
	v23 =	vxor.u32 v62, v12;
	v24 =	vxor.u32 v20, v15  }
0x29a: {  	v27 =	vsub.f32 v23, v52;
	v26 =	vmul.f32 $1.442695020e+00, v22;
	(erf) = vpow2.f32 v21  }
0x29b: {  	v28 =	vand.u32 $0xFFFFFFC0, v10;
	v29 =	vshra.s32 v0, $0x1F;
	v31 =	vsub.f32 v24, v52  }
0x29c: {  	v30 =	vmul.f32 $1.442695020e+00, v27;
	v13 =	vand.u32 $0x7FFFFFFF, v25;
	(erf) = vpow2.f32 v26  }
0x29d: {  	v32 =	vand.u32 $0xFFFFFFC0, v0;
	v33 =	vand.u32 $0x7FFFFFFF, v29;
	v11 =	vxor.u32 v28, v13  }
0x29e: {  	v34 =	vmul.f32 $1.442695020e+00, v31;
	v35 =	vsub.f32 v11, v52;
	(erf) = vpow2.f32 v30  }
0x29f: {  	v36 =	vxor.u32 v32, v33  }
0x2a0: {  	v1 =	vsub.f32 v36, v52;
	v38 =	vmul.f32 $1.442695020e+00, v35;
	v37 =	vpop (erf);
	(erf) = vpow2.f32 v34  }
0x2a1: {  	v39 =	vpop (erf)  }
0x2a2: {  	v1 =	vmul.f32 $1.442695020e+00, v1;
	(erf) = vpow2.f32 v38;
	v40 =	vadd.f32 v39, v37  }
0x2a3: {  	v41 =	vpop (erf)  }
0x2a4: {  	(erf) = vpow2.f32 v1;
	v42 =	vadd.f32 v40, v41  }
0x2a5: {  	v43 =	vpop (erf)  }
0x2a6: {  	v1 =	vadd.f32 v42, v43  }
0x2a7: {  	v44 =	vpop (erf)  }
0x2a8: {  	v1 =	vadd.f32 v1, v44  }
0x2a9: {  	v45 =	vpop (erf)  }
0x2aa: {  	v1 =	vadd.f32 v1, v45  }
0x2ab: {  	v46 =	vpop (erf)  }
0x2ac: {  	v1 =	vadd.f32 v1, v46  }
0x2ad: {  	v47 =	vpop (erf)  }
0x2ae: {  	v1 =	vadd.f32 v1, v47;
	_ =	sdelay $0x1  }
0x2af: {  	(erf) = vrcp.f32 v1;
	_ =	sdelay $0x2  }
0x2b0: {  	v48 =	vandn.u32 $0x3F, v49  }
0x2b1: {  	v49 =	vandn.u32 $0x3F, v4;
	[tilespmem:s19+$0x11000] =	vst v48  }
0x2b2: {  	s20 =	sor.u32 s20, s18;
	[tilespmem:s19+$0x11080] =	vst v49;
	v50 =	vandn.u32 $0x3F, v8  }
0x2b3: {  	s20 =	sor.u32 $0x1180, s20;
	[tilespmem:s19+$0x11100] =	vst v50;
	v51 =	vandn.u32 $0x3F, v5  }
0x2b4: {  	v53 =	vandn.u32 $0x3F, v3;
	[tilespmem:s20+$0x10000] =	vst v51  }
0x2b5: {  	v54 =	vandn.u32 $0x3F, v10;
	[tilespmem:s19+$0x11280] =	vst v53  }
0x2b6: {  	s21 =	sor.u32 s17, s18;
	[tilespmem:s19+$0x11300] =	vst v54;
	v52 =	vandn.u32 $0x3F, v6;
	v55 =	vpop (erf)  }
0x2b7: {  	s21 =	sor.u32 $0x1380, s21;
	v0 =	vandn.u32 $0x3F, v0;
	[tilespmem:s19+$0x11200] =	vst v52;
	v56 =	vmul.f32 v55, v37  }
0x2b8: {  	[tilespmem:s21+$0x10000] =	vst v0;
	v57 =	vmul.f32 v55, v39  }
0x2b9: {  	v58 =	vmul.f32 v55, v41;
	[tilespmem:s19+$0x13000] =	vst v56  }
0x2ba: {  	v59 =	vmul.f32 v55, v43;
	[tilespmem:s19+$0x13080] =	vst v57  }
0x2bb: {  	p0 =	sne.s32 s18, $0x1F0;
	v60 =	vmul.f32 v55, v44;
	[tilespmem:s19+$0x13100] =	vst v58  }
.Ltmp1:
0x2bc: {  	v61 =	vmul.f32 v55, v45;
	[tilespmem:s20+$0x12000] =	vst v59;
	(pc) =	sbr.rel @p0 .LBB2_4-.Ltmp1, $4  }
0x2bd: {  	v62 =	vmul.f32 v55, v46;
	[tilespmem:s19+$0x13200] =	vst v60  }
0x2be: {  	v63 =	vmul.f32 v55, v47;
	[tilespmem:s19+$0x13280] =	vst v61  }
0x2bf: {  	[tilespmem:s19+$0x13300] =	vst v62  }
0x2c0: {  	s17 =	sadd.s32 $0x80, s17;
	s18 =	sadd.s32 $0x10, s18;
	[tilespmem:s21+$0x12000] =	vst v63  }
0x2c1: {  	[hbm4b:s5+s2] =	stream.linear.scatter [tilespmem:s13], [sflag:$0x3], $0x2000, $0x38;
	[tilespmem:$0x14000] =	vst v63  }
0x2c2: {  	s16 =	sadd.s32 $0x1, s16;
	_ =	swait.ge [sflag:s14], $0x2000  }
0x2c3: {  	p0 =	sne.s32 s16, s7;
	[sflag:s14] =	ssyncset.done $0x0  }
.Ltmp2:
0x2c4: {  	[sflag:s14] =	ssyncadd.s32 $0xFFFFE000;
	(pc) =	sbr.rel @p0 .LBB2_1-.Ltmp2, $4  }
0x2c5: {  	[hbm4b:s6+s2] =	stream.linear.scatter [tilespmem:s15], [sflag:$0x3], $0x2000, $0x38;
	[tilespmem:$0x14000] =	vst v63  }
0x2c6: {  	_ =	swait.ge [sflag:s14], $0x2000  }
0x2c7: {  	[sflag:s14] =	ssyncset.done $0x0  }
0x2c8: {  	[sflag:s14] =	ssyncadd.s32 $0xFFFFE000  }
0x2c9: {  	_ =	sfence.sel $0x180000  }
0x2ca: {  	[bflag:$0x0] =	sbarrier.arrive $0xFFFF  }
0x2cb: {  	p0 =	sne.s32 s1, $0x0;
	_ =	strace $0x90000047  }
0x2cc: {  	s0 =	sadd.s32 @!p0 $0x100000, s0;
	[bflag:$0x2] =	sbarrier.arrive $0xFFFF  }
0x2cd: {  	[sflag:s0] =	ssyncadd.tile.s32 @!p0 $0x1;
	_ =	shalt  }
.Lfunc_end2:
_tile_overlayer_lowered:
.L_overlay_start_2:
0x2ce: {  	(tag) =	ssettag $0x2  }
0x2cf: {  	s0 =	rddreg [dreg:$0x0];
	s2 =	stileid.u32  }
0x2d0: {  	s1 =	rddreg [dreg:$0x1];
	p0 =	sne.s32 s2, $0x0  }
0x2d1: {  	s3 =	rddreg [dreg:$0x2];
	[bflag:$0x3] =	sbarrier.arrive $0xFFFF;
	s2 =	simm.s32 @!p0 $0x1C03  }
0x2d2: {  	[timem:s3], [sflag:s2] =	dma.local @!p0 [hbm:s0], s1  }
0x2d3: {  	s0 =	simm.s32 @!p0 $0x3  }
0x2d4: {  	_ =	swait.ge @!p0 [sflag:s0], s1  }
0x2d5: {  	s1 =	ssub.s32 @!p0 $0x0, s1;
	[sflag:s0] =	ssyncset.done @!p0 $0x0  }
0x2d6: {  	[sflag:s0] =	ssyncadd.s32 @!p0 s1  }
0x2d7: {  	[bflag:$0x3] =	sbarrier.arrive $0xFFFF  }
0x2d8: {  	_ =	shalt  }

</sc_bundles>
